<compile_context>
chip_gen: v7x
topology: tpu7x:2x2x1
jax: 0.10.2.dev20260603
libtpu: 0.0.44.dev20260713+nightly
codegen_flags: <defaults>
</compile_context>

<pallas_src>
import dataclasses
import functools

import jax
import jax.numpy as jnp
from jax import lax
from jax.experimental import pallas as pl
from jax.experimental.pallas import tpu as pltpu
from jax.experimental.pallas import tpu_sc as plsc

N = 10000
E = 320000
D = 128

NC = 2
NS = 16
NW = NC * NS
EPW = E // NW
EPT = E // NS
C = 125
NCH = EPT // C
NBUF = 4
NBINS = 10240
NQ = 2560
NGARB = 128
NACC = NQ + NGARB
RPT = NQ // NS
ZPT = NACC // NS
L = 16

CAP = 2816
C2 = 128
NCH2 = 2 * CAP // C2
PB = 2560
PP = (PB, PB, PB, EPW - 3 * PB)

_mesh = plsc.VectorSubcoreMesh(core_axis_name="c", subcore_axis_name="s")

_sc_params = pltpu.CompilerParams()
if "needs_layout_passes" in pltpu.CompilerParams.__dataclass_fields__:
    _sc_params = dataclasses.replace(_sc_params, needs_layout_passes=False)


@functools.partial(
    pl.kernel,
    out_type=[jax.ShapeDtypeStruct((4, NW, CAP), jnp.int32),
              jax.ShapeDtypeStruct((4, NW, CAP), jnp.int32),
              jax.ShapeDtypeStruct((NW, NBINS), jnp.float32)],
    mesh=_mesh,
    scratch_types=[
        pltpu.VMEM((PB, ), jnp.int32),
        pltpu.VMEM((PB, ), jnp.int32),
        [pltpu.VMEM((CAP,), jnp.int32)] * 4,
        [pltpu.VMEM((CAP,), jnp.int32)] * 4,
        pltpu.VMEM((NBINS,), jnp.float32),
        pltpu.SemaphoreType.DMA,
    ],
    compiler_params=_sc_params,
)
def _part_call(row_hbm, col_hbm, rows_out, dsts_out, deg_out, rowv, colv,
               rl, dl, hist, sem):
    c = lax.axis_index("c")
    s = lax.axis_index("s")
    wid = s * NC + c
    iota = lax.iota(jnp.int32, L)

    @pl.loop(0, NBINS, step=L)
    def _zeroh(i):
        hist[pl.ds(i, L)] = jnp.zeros((L,), jnp.float32)

    @pl.loop(0, CAP, step=L)
    def _pref(i):
        for q in range(4):
            rl[q][pl.ds(i, L)] = (iota * 401 + i * 7 + wid * 311) & 8191
            dl[q][pl.ds(i, L)] = NQ + ((iota + i) & (NGARB - 1))

    def _piece(h, npiece, bases):
        pltpu.sync_copy(row_hbm.at[pl.ds(wid * EPW + h * PB, npiece)],
                        rowv.at[pl.ds(0, npiece)])
        pltpu.sync_copy(col_hbm.at[pl.ds(wid * EPW + h * PB, npiece)],
                        colv.at[pl.ds(0, npiece)])

        def _chunk(i, bs):
            col = colv[pl.ds(i * L, L)]
            row = rowv[pl.ds(i * L, L)]
            cnt, last = plsc.scan_count(col)
            plsc.addupdate_scatter(hist, [col], cnt.astype(jnp.float32),
                                   mask=last)
            q = ((col >> 9) * 3277) >> 14
            dstrel = col - q * NQ
            new_bs = []
            for qq in range(4):
                m = q == qq
                cum = plsc.cumsum(m.astype(jnp.int32))
                pos = bs[qq] + cum - 1
                plsc.store_scatter(rl[qq], [pos], row, mask=m)
                plsc.store_scatter(dl[qq], [pos], dstrel, mask=m)
                new_bs.append(bs[qq] + plsc.all_reduce_population_count(m))
            return tuple(new_bs)

        return lax.fori_loop(0, npiece // L, _chunk, bases)

    bases = tuple(jnp.zeros((L,), jnp.int32) for _ in range(4))
    for h, npiece in enumerate(PP):
        bases = _piece(h, npiece, bases)

    for q in range(4):
        pltpu.sync_copy(rl[q], rows_out.at[q, wid])
        pltpu.sync_copy(dl[q], dsts_out.at[q, wid])
    pltpu.sync_copy(hist, deg_out.at[wid])


@functools.partial(
    pl.kernel,
    out_type=jax.ShapeDtypeStruct((NC * NQ, D), jnp.float32),
    mesh=_mesh,
    scratch_types=[
        pltpu.VMEM((NCH2, C2), jnp.int32),
        pltpu.VMEM((NCH2, C2), jnp.int32),
        [pltpu.VMEM((C2, D), jnp.float32)] * NBUF,
        pltpu.VMEM_SHARED((NACC, D), jnp.float32),
        [pltpu.SemaphoreType.DMA] * NBUF,
    ],
)
def _agg_call(hs_hbm, row_hbm, cq_hbm, zero_hbm, out_hbm, rowv, colv, bufs,
              acc, sems):
    c = lax.axis_index("c")
    s = lax.axis_index("s")

    pltpu.sync_copy(row_hbm.at[c, s], rowv)
    pltpu.sync_copy(cq_hbm.at[c, s], colv)
    pltpu.sync_copy(zero_hbm, acc.at[pl.ds(s * ZPT, ZPT)])
    plsc.subcore_barrier()

    for k in range(NBUF):
        pltpu.async_copy(hs_hbm.at[rowv.at[k]], bufs[k], sems[k])

    @pl.loop(0, NCH2, step=NBUF)
    def _body(j):
        for k in range(NBUF):
            pltpu.make_async_copy(hs_hbm.at[rowv.at[j + k]], bufs[k],
                                  sems[k]).wait()
            pltpu.sync_copy(bufs[k], acc.at[colv.at[j + k]], add=True)

            @pl.when(j + NBUF + k < NCH2)
            def _next():
                pltpu.async_copy(hs_hbm.at[rowv.at[j + NBUF + k]], bufs[k],
                                 sems[k])

    plsc.subcore_barrier()
    base = c * NQ + s * RPT
    pltpu.sync_copy(acc.at[pl.ds(s * RPT, RPT)], out_hbm.at[pl.ds(base, RPT)])


_RB = 1000
_NRB = N // _RB
_CB = 1280
_NCB = NBINS // _CB

_blk = pl.BlockSpec((_RB, D), lambda i: (i, 0))
_blk_w = pl.BlockSpec((D, D), lambda i: (0, 0))
_blk_b = pl.BlockSpec((1, D), lambda i: (0, 0))


def _zero_body(o_ref):
    o_ref[...] = jnp.zeros((ZPT, D), jnp.float32)


def _zero_call():
    return pl.pallas_call(
        _zero_body,
        grid=(1,),
        out_specs=pl.BlockSpec((ZPT, D), lambda i: (0, 0)),
        out_shape=jax.ShapeDtypeStruct((ZPT, D), jnp.float32),
    )()


def _mm_body(x_ref, w_ref, o_ref):
    o_ref[...] = jnp.dot(x_ref[...], w_ref[...],
                         preferred_element_type=jnp.float32)


def _mm1(x, w):
    return pl.pallas_call(
        _mm_body,
        grid=(_NRB,),
        in_specs=[_blk, _blk_w],
        out_specs=_blk,
        out_shape=jax.ShapeDtypeStruct((N, D), jnp.float32),
    )(x, w)


def _dinv_body(degp_ref, o_ref):
    deg = jnp.sum(degp_ref[...], axis=0, keepdims=True) + 1.0
    dinv = lax.rsqrt(deg)
    o_ref[...] = jnp.transpose(jnp.broadcast_to(dinv, (D, _CB)))


def _dinv(degp):
    return pl.pallas_call(
        _dinv_body,
        grid=(_NCB,),
        in_specs=[pl.BlockSpec((NW, _CB), lambda i: (0, i))],
        out_specs=pl.BlockSpec((_CB, D), lambda i: (i, 0)),
        out_shape=jax.ShapeDtypeStruct((NBINS, D), jnp.float32),
    )(degp)


def _scale_body(h_ref, dinv_ref, o_ref):
    o_ref[...] = h_ref[...] * dinv_ref[...]


def _scale(h, dinv_b):
    return pl.pallas_call(
        _scale_body,
        grid=(_NRB,),
        in_specs=[_blk, _blk],
        out_specs=_blk,
        out_shape=jax.ShapeDtypeStruct((N, D), jnp.float32),
    )(h, dinv_b)


def _mid_body(q_ref, hs_ref, dinv_ref, w_ref, b_ref, o_ref, hsn_ref):
    dinv = dinv_ref[...]
    z = (q_ref[...] + hs_ref[...]) * dinv + b_ref[...]
    o = jnp.maximum(z, 0.0)
    o_ref[...] = o
    hsn_ref[...] = jnp.dot(o, w_ref[...],
                           preferred_element_type=jnp.float32) * dinv


def _mid(q, hs, dinv_b, w, b):
    return pl.pallas_call(
        _mid_body,
        grid=(_NRB,),
        in_specs=[_blk, _blk, _blk, _blk_w, _blk_b],
        out_specs=[_blk, _blk],
        out_shape=[jax.ShapeDtypeStruct((N, D), jnp.float32),
                   jax.ShapeDtypeStruct((N, D), jnp.float32)],
    )(q, hs, dinv_b, w, b)


def kernel(x, edge_index, W1, b1, W2, b2):
    row1 = edge_index[0]
    col1 = edge_index[1]
    zero = _zero_call()
    b1r = b1.reshape(1, D)
    b2r = b2.reshape(1, D)

    rows_l, dsts_l, degp = _part_call(row1, col1)
    rsteps = rows_l.reshape(2, NC, NS, NCH2, C2)
    dsteps = dsts_l.reshape(2, NC, NS, NCH2, C2)
    rows_steps = jnp.concatenate([rsteps, rsteps])
    dsts_steps = jnp.concatenate([dsteps, dsteps])
    b_steps = jnp.stack([b1r, b1r, b2r, b2r])
    fl_steps = jnp.array([0.0, 1.0, 0.0, 1.0], jnp.float32)

    h1 = _mm1(x, W1)
    dinv_b = _dinv(degp)
    dinv_n = dinv_b[:N]
    hs1 = _scale(h1, dinv_n)

    def _step(carry, xs):
        hs, aggp, o_prev = carry
        rlist, dlist, b, flag = xs
        half = _agg_call(hs, rlist, dlist, zero)

        def _phase1(_):
            q = jnp.concatenate([aggp, half[:N - 2 * NQ]])
            o, hs_next = _mid(q, hs, dinv_n, W2, b)
            return hs_next, o

        hs_c, o_c = lax.cond(flag > 0.5, _phase1,
                             lambda _: (hs, o_prev), None)
        return (hs_c, half, o_c), None

    init = (hs1, hs1[: 2 * NQ], x)
    (_, _, out), _ = lax.scan(
        _step, init, (rows_steps, dsts_steps, b_steps, fl_steps))
    return out

# --- scband reference (transcript-rebuilt; emitter-appended) ---
"""Pipeline reference for scband-gcnnetwork-21397527068858 (READ-ONLY COPY).

The authoritative reference and input builder live on the scoring server;
editing this copy changes nothing except your own understanding.
"""

import jax, jax.numpy as jnp
import numpy as np

N = 10000
E = 320000
D = 128


def setup_inputs(seed: int = 0) -> dict:
    key = jax.random.key(seed)
    k1, k2, k3, k4 = jax.random.split(key, 4)
    x = jax.random.normal(k1, (N, D), dtype=jnp.float32)
    rng = np.random.default_rng(0)
    edge_index = jnp.asarray(rng.integers(0, N, size=(2, E)), dtype=jnp.int32)
    glorot = float(np.sqrt(2.0 / (D + D)))
    W1 = jax.random.normal(k2, (D, D), dtype=jnp.float32) * glorot
    b1 = jnp.zeros((D,), dtype=jnp.float32)
    W2 = jax.random.normal(k3, (D, D), dtype=jnp.float32) * glorot
    b2 = jnp.zeros((D,), dtype=jnp.float32)
    return {"x": x, "edge_index": edge_index, "W1": W1, "b1": b1, "W2": W2, "b2": b2}


def _gcn_conv(x, edge_index, W, b):
    # Faithful PyG GCNConv: add self-loops, symmetric normalization,
    # linear transform, scatter-add aggregation, then bias.
    n = x.shape[0]
    loop = jnp.arange(n, dtype=edge_index.dtype)
    row = jnp.concatenate([edge_index[0], loop])  # source nodes
    col = jnp.concatenate([edge_index[1], loop])  # target nodes
    deg = jnp.zeros((n,), dtype=x.dtype).at[col].add(1.0)
    deg_inv_sqrt = jnp.where(deg > 0, 1.0 / jnp.sqrt(deg), 0.0)
    norm = deg_inv_sqrt[row] * deg_inv_sqrt[col]
    h = x @ W
    msg = h[row] * norm[:, None]
    out = jnp.zeros((n, W.shape[1]), dtype=x.dtype).at[col].add(msg)
    return out + b


def reference(x, edge_index, W1, b1, W2, b2):
    # GCNNetwork with hidden=[128,128,128]: two GCNConv layers, each
    # followed by ReLU. Dropout(0.5) is identity in eval mode.
    h = _gcn_conv(x, edge_index, W1, b1)
    h = jax.nn.relu(h)
    h = _gcn_conv(h, edge_index, W2, b2)
    h = jax.nn.relu(h)
    return h

if __name__ == "__main__":
    import jax
    _d = setup_inputs()
    print(jax.jit(kernel)(*tuple(_d.values())))

</pallas_src>

<mosaic_0001>
#map = affine_map<(d0, d1) -> (0, 0)>
#map1 = affine_map<(d0, d1) -> (0, 0, 0, 0)>
module attributes {stable_mosaic.version = 14 : i64} {
  func.func @_agg_call(%arg0: i32, %arg1: i32, %arg2: memref<10000x128xf32, #tpu.memory_space<hbm>>, %arg3: memref<2x16x44x128xi32, #tpu.memory_space<hbm>>, %arg4: memref<2x16x44x128xi32, #tpu.memory_space<hbm>>, %arg5: memref<168x128xf32, #tpu.memory_space<hbm>>, %arg6: memref<5120x128xf32, #tpu.memory_space<hbm>>, %arg7: memref<44x128xi32, #tpu.memory_space<vmem>>, %arg8: memref<44x128xi32, #tpu.memory_space<vmem>>, %arg9: memref<128x128xf32, #tpu.memory_space<vmem>>, %arg10: memref<128x128xf32, #tpu.memory_space<vmem>>, %arg11: memref<128x128xf32, #tpu.memory_space<vmem>>, %arg12: memref<128x128xf32, #tpu.memory_space<vmem>>, %arg13: memref<2688x128xf32, #tpu.memory_space<vmem_shared>>, %arg14: memref<!tpu.dma_semaphore, #tpu.memory_space<semaphore_mem>>, %arg15: memref<!tpu.dma_semaphore, #tpu.memory_space<semaphore_mem>>, %arg16: memref<!tpu.dma_semaphore, #tpu.memory_space<semaphore_mem>>, %arg17: memref<!tpu.dma_semaphore, #tpu.memory_space<semaphore_mem>>) attributes {dimension_semantics = [#tpu.dimension_semantics<core_parallel>, #tpu.dimension_semantics<subcore_parallel>], iteration_bounds = array<i64: 2, 16>, scalar_prefetch = 0 : i64, scratch_operands = 11 : i64, tpu.core_type = #tpu.core_type<sc_vector_subcore>, window_params = [{transform_indices = #map}, {transform_indices = #map1}, {transform_indices = #map1}, {transform_indices = #map}, {transform_indices = #map}]} {
    "tpu.region"() ({
      %run_scoped3A = tpu.sem_alloc : memref<!tpu.dma_semaphore, #tpu.memory_space<semaphore_mem>>
      %dma_start3A_39 = arith.constant 0 : i32
      %dma_start3A_40 = arith.constant 0 : i32
      %dma_start3A_41 = tpu.memref_slice %arg3[%arg0, %arg1, %dma_start3A_39, %dma_start3A_40] : memref<2x16x44x128xi32, #tpu.memory_space<hbm>> -> memref<1x1x44x128xi32, #tpu.memory_space<hbm>>
      %dma_start3A_42 = tpu.memref_squeeze %dma_start3A_41 : memref<1x1x44x128xi32, #tpu.memory_space<hbm>> -> memref<44x128xi32, #tpu.memory_space<hbm>>
      %dma_start3A_43 = arith.constant 0 : i32
      %dma_start3A_44 = arith.constant 0 : i32
      %dma_start3A_45 = tpu.memref_slice %arg3[%arg0, %arg1, %dma_start3A_43, %dma_start3A_44] : memref<2x16x44x128xi32, #tpu.memory_space<hbm>> -> memref<1x1x44x128xi32, #tpu.memory_space<hbm>>
      %dma_start3A_46 = tpu.memref_squeeze %dma_start3A_45 : memref<1x1x44x128xi32, #tpu.memory_space<hbm>> -> memref<44x128xi32, #tpu.memory_space<hbm>>
      tpu.enqueue_dma source(%dma_start3A_46 : memref<44x128xi32, #tpu.memory_space<hbm>>) target(%arg7 : memref<44x128xi32, #tpu.memory_space<vmem>>) target_semaphore(%run_scoped3A : memref<!tpu.dma_semaphore, #tpu.memory_space<semaphore_mem>>)
      %dma_wait3A = arith.constant 0 : i32
      %dma_wait3A_47 = arith.constant 0 : i32
      %dma_wait3A_48 = tpu.memref_slice %arg3[%arg0, %arg1, %dma_wait3A, %dma_wait3A_47] : memref<2x16x44x128xi32, #tpu.memory_space<hbm>> -> memref<1x1x44x128xi32, #tpu.memory_space<hbm>>
      %dma_wait3A_49 = tpu.memref_squeeze %dma_wait3A_48 : memref<1x1x44x128xi32, #tpu.memory_space<hbm>> -> memref<44x128xi32, #tpu.memory_space<hbm>>
      %dma_wait3A_50 = arith.constant 0 : i32
      %dma_wait3A_51 = arith.constant 0 : i32
      %dma_wait3A_52 = tpu.memref_slice %arg3[%arg0, %arg1, %dma_wait3A_50, %dma_wait3A_51] : memref<2x16x44x128xi32, #tpu.memory_space<hbm>> -> memref<1x1x44x128xi32, #tpu.memory_space<hbm>>
      %dma_wait3A_53 = tpu.memref_squeeze %dma_wait3A_52 : memref<1x1x44x128xi32, #tpu.memory_space<hbm>> -> memref<44x128xi32, #tpu.memory_space<hbm>>
      tpu.wait_dma2 semaphore(%run_scoped3A : memref<!tpu.dma_semaphore, #tpu.memory_space<semaphore_mem>>) src(%dma_wait3A_53 : memref<44x128xi32, #tpu.memory_space<hbm>>) dst(%arg7 : memref<44x128xi32, #tpu.memory_space<vmem>>)
      tpu.yield
    }) : () -> ()
    "tpu.region"() ({
      %run_scoped3A = tpu.sem_alloc : memref<!tpu.dma_semaphore, #tpu.memory_space<semaphore_mem>>
      %dma_start3A_39 = arith.constant 0 : i32
      %dma_start3A_40 = arith.constant 0 : i32
      %dma_start3A_41 = tpu.memref_slice %arg4[%arg0, %arg1, %dma_start3A_39, %dma_start3A_40] : memref<2x16x44x128xi32, #tpu.memory_space<hbm>> -> memref<1x1x44x128xi32, #tpu.memory_space<hbm>>
      %dma_start3A_42 = tpu.memref_squeeze %dma_start3A_41 : memref<1x1x44x128xi32, #tpu.memory_space<hbm>> -> memref<44x128xi32, #tpu.memory_space<hbm>>
      %dma_start3A_43 = arith.constant 0 : i32
      %dma_start3A_44 = arith.constant 0 : i32
      %dma_start3A_45 = tpu.memref_slice %arg4[%arg0, %arg1, %dma_start3A_43, %dma_start3A_44] : memref<2x16x44x128xi32, #tpu.memory_space<hbm>> -> memref<1x1x44x128xi32, #tpu.memory_space<hbm>>
      %dma_start3A_46 = tpu.memref_squeeze %dma_start3A_45 : memref<1x1x44x128xi32, #tpu.memory_space<hbm>> -> memref<44x128xi32, #tpu.memory_space<hbm>>
      tpu.enqueue_dma source(%dma_start3A_46 : memref<44x128xi32, #tpu.memory_space<hbm>>) target(%arg8 : memref<44x128xi32, #tpu.memory_space<vmem>>) target_semaphore(%run_scoped3A : memref<!tpu.dma_semaphore, #tpu.memory_space<semaphore_mem>>)
      %dma_wait3A = arith.constant 0 : i32
      %dma_wait3A_47 = arith.constant 0 : i32
      %dma_wait3A_48 = tpu.memref_slice %arg4[%arg0, %arg1, %dma_wait3A, %dma_wait3A_47] : memref<2x16x44x128xi32, #tpu.memory_space<hbm>> -> memref<1x1x44x128xi32, #tpu.memory_space<hbm>>
      %dma_wait3A_49 = tpu.memref_squeeze %dma_wait3A_48 : memref<1x1x44x128xi32, #tpu.memory_space<hbm>> -> memref<44x128xi32, #tpu.memory_space<hbm>>
      %dma_wait3A_50 = arith.constant 0 : i32
      %dma_wait3A_51 = arith.constant 0 : i32
      %dma_wait3A_52 = tpu.memref_slice %arg4[%arg0, %arg1, %dma_wait3A_50, %dma_wait3A_51] : memref<2x16x44x128xi32, #tpu.memory_space<hbm>> -> memref<1x1x44x128xi32, #tpu.memory_space<hbm>>
      %dma_wait3A_53 = tpu.memref_squeeze %dma_wait3A_52 : memref<1x1x44x128xi32, #tpu.memory_space<hbm>> -> memref<44x128xi32, #tpu.memory_space<hbm>>
      tpu.wait_dma2 semaphore(%run_scoped3A : memref<!tpu.dma_semaphore, #tpu.memory_space<semaphore_mem>>) src(%dma_wait3A_53 : memref<44x128xi32, #tpu.memory_space<hbm>>) dst(%arg8 : memref<44x128xi32, #tpu.memory_space<vmem>>)
      tpu.yield
    }) : () -> ()
    %mul3A = arith.constant 168 : i32
    %mul3A_0 = arith.muli %arg1, %mul3A : i32
    "tpu.region"() ({
      %run_scoped3A = tpu.sem_alloc : memref<!tpu.dma_semaphore, #tpu.memory_space<semaphore_mem>>
      %dma_start3A_39 = arith.constant 0 : i32
      %dma_start3A_40 = tpu.memref_slice %arg13[%mul3A_0, %dma_start3A_39] : memref<2688x128xf32, #tpu.memory_space<vmem_shared>> -> memref<168x128xf32, #tpu.memory_space<vmem_shared>>
      tpu.enqueue_dma source(%arg5 : memref<168x128xf32, #tpu.memory_space<hbm>>) target(%dma_start3A_40 : memref<168x128xf32, #tpu.memory_space<vmem_shared>>) target_semaphore(%run_scoped3A : memref<!tpu.dma_semaphore, #tpu.memory_space<semaphore_mem>>)
      %dma_wait3A = arith.constant 0 : i32
      %dma_wait3A_41 = tpu.memref_slice %arg13[%mul3A_0, %dma_wait3A] : memref<2688x128xf32, #tpu.memory_space<vmem_shared>> -> memref<168x128xf32, #tpu.memory_space<vmem_shared>>
      tpu.wait_dma2 semaphore(%run_scoped3A : memref<!tpu.dma_semaphore, #tpu.memory_space<semaphore_mem>>) src(%arg5 : memref<168x128xf32, #tpu.memory_space<hbm>>) dst(%dma_wait3A_41 : memref<168x128xf32, #tpu.memory_space<vmem_shared>>)
      tpu.yield
    }) : () -> ()
    %barrier3A = arith.constant 0 : index
    tpu.barrier barrier_id(%barrier3A)
    %dma_start3A = arith.constant 0 : i32
    %dma_start3A_1 = arith.constant 0 : i32
    %dma_start3A_2 = tpu.memref_slice %arg7[%dma_start3A, %dma_start3A_1] : memref<44x128xi32, #tpu.memory_space<vmem>> -> memref<1x128xi32, #tpu.memory_space<vmem>>
    %dma_start3A_3 = tpu.memref_squeeze %dma_start3A_2 : memref<1x128xi32, #tpu.memory_space<vmem>> -> memref<128xi32, #tpu.memory_space<vmem>>
    %dma_start3A_4 = arith.constant 0 : i32
    %dma_start3A_5 = arith.constant 0 : i32
    %dma_start3A_6 = tpu.memref_slice %arg2[%dma_start3A_4, %dma_start3A_5] : memref<10000x128xf32, #tpu.memory_space<hbm>> -> memref<10000x128xf32, #tpu.memory_space<hbm>>
    tpu.enqueue_indirect_dma source(%dma_start3A_6 : memref<10000x128xf32, #tpu.memory_space<hbm>>) target(%arg9 : memref<128x128xf32, #tpu.memory_space<vmem>>) offsets(%dma_start3A_3 : memref<128xi32, #tpu.memory_space<vmem>>) semaphore(%arg14 : memref<!tpu.dma_semaphore, #tpu.memory_space<semaphore_mem>>)
    %dma_start3A_7 = arith.constant 1 : i32
    %dma_start3A_8 = arith.constant 0 : i32
    %dma_start3A_9 = tpu.memref_slice %arg7[%dma_start3A_7, %dma_start3A_8] : memref<44x128xi32, #tpu.memory_space<vmem>> -> memref<1x128xi32, #tpu.memory_space<vmem>>
    %dma_start3A_10 = tpu.memref_squeeze %dma_start3A_9 : memref<1x128xi32, #tpu.memory_space<vmem>> -> memref<128xi32, #tpu.memory_space<vmem>>
    %dma_start3A_11 = arith.constant 0 : i32
    %dma_start3A_12 = arith.constant 0 : i32
    %dma_start3A_13 = tpu.memref_slice %arg2[%dma_start3A_11, %dma_start3A_12] : memref<10000x128xf32, #tpu.memory_space<hbm>> -> memref<10000x128xf32, #tpu.memory_space<hbm>>
    tpu.enqueue_indirect_dma source(%dma_start3A_13 : memref<10000x128xf32, #tpu.memory_space<hbm>>) target(%arg10 : memref<128x128xf32, #tpu.memory_space<vmem>>) offsets(%dma_start3A_10 : memref<128xi32, #tpu.memory_space<vmem>>) semaphore(%arg15 : memref<!tpu.dma_semaphore, #tpu.memory_space<semaphore_mem>>)
    %dma_start3A_14 = arith.constant 2 : i32
    %dma_start3A_15 = arith.constant 0 : i32
    %dma_start3A_16 = tpu.memref_slice %arg7[%dma_start3A_14, %dma_start3A_15] : memref<44x128xi32, #tpu.memory_space<vmem>> -> memref<1x128xi32, #tpu.memory_space<vmem>>
    %dma_start3A_17 = tpu.memref_squeeze %dma_start3A_16 : memref<1x128xi32, #tpu.memory_space<vmem>> -> memref<128xi32, #tpu.memory_space<vmem>>
    %dma_start3A_18 = arith.constant 0 : i32
    %dma_start3A_19 = arith.constant 0 : i32
    %dma_start3A_20 = tpu.memref_slice %arg2[%dma_start3A_18, %dma_start3A_19] : memref<10000x128xf32, #tpu.memory_space<hbm>> -> memref<10000x128xf32, #tpu.memory_space<hbm>>
    tpu.enqueue_indirect_dma source(%dma_start3A_20 : memref<10000x128xf32, #tpu.memory_space<hbm>>) target(%arg11 : memref<128x128xf32, #tpu.memory_space<vmem>>) offsets(%dma_start3A_17 : memref<128xi32, #tpu.memory_space<vmem>>) semaphore(%arg16 : memref<!tpu.dma_semaphore, #tpu.memory_space<semaphore_mem>>)
    %dma_start3A_21 = arith.constant 3 : i32
    %dma_start3A_22 = arith.constant 0 : i32
    %dma_start3A_23 = tpu.memref_slice %arg7[%dma_start3A_21, %dma_start3A_22] : memref<44x128xi32, #tpu.memory_space<vmem>> -> memref<1x128xi32, #tpu.memory_space<vmem>>
    %dma_start3A_24 = tpu.memref_squeeze %dma_start3A_23 : memref<1x128xi32, #tpu.memory_space<vmem>> -> memref<128xi32, #tpu.memory_space<vmem>>
    %dma_start3A_25 = arith.constant 0 : i32
    %dma_start3A_26 = arith.constant 0 : i32
    %dma_start3A_27 = tpu.memref_slice %arg2[%dma_start3A_25, %dma_start3A_26] : memref<10000x128xf32, #tpu.memory_space<hbm>> -> memref<10000x128xf32, #tpu.memory_space<hbm>>
    tpu.enqueue_indirect_dma source(%dma_start3A_27 : memref<10000x128xf32, #tpu.memory_space<hbm>>) target(%arg12 : memref<128x128xf32, #tpu.memory_space<vmem>>) offsets(%dma_start3A_24 : memref<128xi32, #tpu.memory_space<vmem>>) semaphore(%arg17 : memref<!tpu.dma_semaphore, #tpu.memory_space<semaphore_mem>>)
    %scan3A = arith.constant 0 : i32
    %scan3A_28 = arith.constant 11 : i32
    %scan3A_29 = arith.addi %scan3A, %scan3A_28 : i32
    %scan3A_30 = arith.constant 1 : i32
    scf.for %scan3A_39 = %scan3A to %scan3A_29 step %scan3A_30  : i32 {
      %mul3A_40 = arith.constant 4 : i32
      %mul3A_41 = arith.muli %scan3A_39, %mul3A_40 : i32
      %add3A_42 = arith.constant 0 : i32
      %add3A_43 = arith.addi %add3A_42, %mul3A_41 : i32
      %add3A_44 = arith.constant 0 : i32
      %add3A_45 = arith.addi %add3A_43, %add3A_44 : i32
      %dma_wait3A = arith.constant 0 : i32
      %dma_wait3A_46 = tpu.memref_slice %arg7[%add3A_45, %dma_wait3A] : memref<44x128xi32, #tpu.memory_space<vmem>> -> memref<1x128xi32, #tpu.memory_space<vmem>>
      %dma_wait3A_47 = tpu.memref_squeeze %dma_wait3A_46 : memref<1x128xi32, #tpu.memory_space<vmem>> -> memref<128xi32, #tpu.memory_space<vmem>>
      %dma_wait3A_48 = arith.constant 0 : i32
      %dma_wait3A_49 = arith.constant 0 : i32
      %dma_wait3A_50 = tpu.memref_slice %arg2[%dma_wait3A_48, %dma_wait3A_49] : memref<10000x128xf32, #tpu.memory_space<hbm>> -> memref<10000x128xf32, #tpu.memory_space<hbm>>
      tpu.wait_indirect_dma semaphore(%arg14 : memref<!tpu.dma_semaphore, #tpu.memory_space<semaphore_mem>>) src(%dma_wait3A_50 : memref<10000x128xf32, #tpu.memory_space<hbm>>) dst(%arg9 : memref<128x128xf32, #tpu.memory_space<vmem>>)
      %add3A_51 = arith.constant 0 : i32
      %add3A_52 = arith.addi %add3A_43, %add3A_51 : i32
      "tpu.region"() ({
        %run_scoped3A = tpu.sem_alloc : memref<!tpu.dma_semaphore, #tpu.memory_space<semaphore_mem>>
        %dma_start3A_116 = arith.constant 0 : i32
        %dma_start3A_117 = tpu.memref_slice %arg8[%add3A_52, %dma_start3A_116] : memref<44x128xi32, #tpu.memory_space<vmem>> -> memref<1x128xi32, #tpu.memory_space<vmem>>
        %dma_start3A_118 = tpu.memref_squeeze %dma_start3A_117 : memref<1x128xi32, #tpu.memory_space<vmem>> -> memref<128xi32, #tpu.memory_space<vmem>>
        %dma_start3A_119 = arith.constant 0 : i32
        %dma_start3A_120 = arith.constant 0 : i32
        %dma_start3A_121 = tpu.memref_slice %arg13[%dma_start3A_119, %dma_start3A_120] : memref<2688x128xf32, #tpu.memory_space<vmem_shared>> -> memref<2688x128xf32, #tpu.memory_space<vmem_shared>>
        tpu.enqueue_indirect_dma source(%arg9 : memref<128x128xf32, #tpu.memory_space<vmem>>) target(%dma_start3A_121 : memref<2688x128xf32, #tpu.memory_space<vmem_shared>>) offsets(%dma_start3A_118 : memref<128xi32, #tpu.memory_space<vmem>>) semaphore(%run_scoped3A : memref<!tpu.dma_semaphore, #tpu.memory_space<semaphore_mem>>) {add = true}
        %dma_wait3A_122 = arith.constant 0 : i32
        %dma_wait3A_123 = tpu.memref_slice %arg8[%add3A_52, %dma_wait3A_122] : memref<44x128xi32, #tpu.memory_space<vmem>> -> memref<1x128xi32, #tpu.memory_space<vmem>>
        %dma_wait3A_124 = tpu.memref_squeeze %dma_wait3A_123 : memref<1x128xi32, #tpu.memory_space<vmem>> -> memref<128xi32, #tpu.memory_space<vmem>>
        %dma_wait3A_125 = arith.constant 0 : i32
        %dma_wait3A_126 = arith.constant 0 : i32
        %dma_wait3A_127 = tpu.memref_slice %arg13[%dma_wait3A_125, %dma_wait3A_126] : memref<2688x128xf32, #tpu.memory_space<vmem_shared>> -> memref<2688x128xf32, #tpu.memory_space<vmem_shared>>
        tpu.wait_indirect_dma semaphore(%run_scoped3A : memref<!tpu.dma_semaphore, #tpu.memory_space<semaphore_mem>>) src(%arg9 : memref<128x128xf32, #tpu.memory_space<vmem>>) dst(%dma_wait3A_127 : memref<2688x128xf32, #tpu.memory_space<vmem_shared>>)
        tpu.yield
      }) : () -> ()
      %add3A_53 = arith.constant 4 : i32
      %add3A_54 = arith.addi %add3A_43, %add3A_53 : i32
      %add3A_55 = arith.constant 0 : i32
      %add3A_56 = arith.addi %add3A_54, %add3A_55 : i32
      %lt3A = arith.constant 44 : i32
      %lt3A_57 = arith.cmpi slt, %add3A_56, %lt3A : i32
      %convert_element_type3A = arith.extui %lt3A_57 : i1 to i32
      %cond3A = arith.constant 0 : i32
      %cond3A_58 = arith.cmpi ne, %convert_element_type3A, %cond3A : i32
      scf.if %cond3A_58 {
        %add3A_116 = arith.constant 4 : i32
        %add3A_117 = arith.addi %add3A_43, %add3A_116 : i32
        %add3A_118 = arith.constant 0 : i32
        %add3A_119 = arith.addi %add3A_117, %add3A_118 : i32
        %dma_start3A_120 = arith.constant 0 : i32
        %dma_start3A_121 = tpu.memref_slice %arg7[%add3A_119, %dma_start3A_120] : memref<44x128xi32, #tpu.memory_space<vmem>> -> memref<1x128xi32, #tpu.memory_space<vmem>>
        %dma_start3A_122 = tpu.memref_squeeze %dma_start3A_121 : memref<1x128xi32, #tpu.memory_space<vmem>> -> memref<128xi32, #tpu.memory_space<vmem>>
        %dma_start3A_123 = arith.constant 0 : i32
        %dma_start3A_124 = arith.constant 0 : i32
        %dma_start3A_125 = tpu.memref_slice %arg2[%dma_start3A_123, %dma_start3A_124] : memref<10000x128xf32, #tpu.memory_space<hbm>> -> memref<10000x128xf32, #tpu.memory_space<hbm>>
        tpu.enqueue_indirect_dma source(%dma_start3A_125 : memref<10000x128xf32, #tpu.memory_space<hbm>>) target(%arg9 : memref<128x128xf32, #tpu.memory_space<vmem>>) offsets(%dma_start3A_122 : memref<128xi32, #tpu.memory_space<vmem>>) semaphore(%arg14 : memref<!tpu.dma_semaphore, #tpu.memory_space<semaphore_mem>>)
      } else {
      }
      %add3A_59 = arith.constant 1 : i32
      %add3A_60 = arith.addi %add3A_43, %add3A_59 : i32
      %dma_wait3A_61 = arith.constant 0 : i32
      %dma_wait3A_62 = tpu.memref_slice %arg7[%add3A_60, %dma_wait3A_61] : memref<44x128xi32, #tpu.memory_space<vmem>> -> memref<1x128xi32, #tpu.memory_space<vmem>>
      %dma_wait3A_63 = tpu.memref_squeeze %dma_wait3A_62 : memref<1x128xi32, #tpu.memory_space<vmem>> -> memref<128xi32, #tpu.memory_space<vmem>>
      %dma_wait3A_64 = arith.constant 0 : i32
      %dma_wait3A_65 = arith.constant 0 : i32
      %dma_wait3A_66 = tpu.memref_slice %arg2[%dma_wait3A_64, %dma_wait3A_65] : memref<10000x128xf32, #tpu.memory_space<hbm>> -> memref<10000x128xf32, #tpu.memory_space<hbm>>
      tpu.wait_indirect_dma semaphore(%arg15 : memref<!tpu.dma_semaphore, #tpu.memory_space<semaphore_mem>>) src(%dma_wait3A_66 : memref<10000x128xf32, #tpu.memory_space<hbm>>) dst(%arg10 : memref<128x128xf32, #tpu.memory_space<vmem>>)
      %add3A_67 = arith.constant 1 : i32
      %add3A_68 = arith.addi %add3A_43, %add3A_67 : i32
      "tpu.region"() ({
        %run_scoped3A = tpu.sem_alloc : memref<!tpu.dma_semaphore, #tpu.memory_space<semaphore_mem>>
        %dma_start3A_116 = arith.constant 0 : i32
        %dma_start3A_117 = tpu.memref_slice %arg8[%add3A_68, %dma_start3A_116] : memref<44x128xi32, #tpu.memory_space<vmem>> -> memref<1x128xi32, #tpu.memory_space<vmem>>
        %dma_start3A_118 = tpu.memref_squeeze %dma_start3A_117 : memref<1x128xi32, #tpu.memory_space<vmem>> -> memref<128xi32, #tpu.memory_space<vmem>>
        %dma_start3A_119 = arith.constant 0 : i32
        %dma_start3A_120 = arith.constant 0 : i32
        %dma_start3A_121 = tpu.memref_slice %arg13[%dma_start3A_119, %dma_start3A_120] : memref<2688x128xf32, #tpu.memory_space<vmem_shared>> -> memref<2688x128xf32, #tpu.memory_space<vmem_shared>>
        tpu.enqueue_indirect_dma source(%arg10 : memref<128x128xf32, #tpu.memory_space<vmem>>) target(%dma_start3A_121 : memref<2688x128xf32, #tpu.memory_space<vmem_shared>>) offsets(%dma_start3A_118 : memref<128xi32, #tpu.memory_space<vmem>>) semaphore(%run_scoped3A : memref<!tpu.dma_semaphore, #tpu.memory_space<semaphore_mem>>) {add = true}
        %dma_wait3A_122 = arith.constant 0 : i32
        %dma_wait3A_123 = tpu.memref_slice %arg8[%add3A_68, %dma_wait3A_122] : memref<44x128xi32, #tpu.memory_space<vmem>> -> memref<1x128xi32, #tpu.memory_space<vmem>>
        %dma_wait3A_124 = tpu.memref_squeeze %dma_wait3A_123 : memref<1x128xi32, #tpu.memory_space<vmem>> -> memref<128xi32, #tpu.memory_space<vmem>>
        %dma_wait3A_125 = arith.constant 0 : i32
        %dma_wait3A_126 = arith.constant 0 : i32
        %dma_wait3A_127 = tpu.memref_slice %arg13[%dma_wait3A_125, %dma_wait3A_126] : memref<2688x128xf32, #tpu.memory_space<vmem_shared>> -> memref<2688x128xf32, #tpu.memory_space<vmem_shared>>
        tpu.wait_indirect_dma semaphore(%run_scoped3A : memref<!tpu.dma_semaphore, #tpu.memory_space<semaphore_mem>>) src(%arg10 : memref<128x128xf32, #tpu.memory_space<vmem>>) dst(%dma_wait3A_127 : memref<2688x128xf32, #tpu.memory_space<vmem_shared>>)
        tpu.yield
      }) : () -> ()
      %add3A_69 = arith.constant 4 : i32
      %add3A_70 = arith.addi %add3A_43, %add3A_69 : i32
      %add3A_71 = arith.constant 1 : i32
      %add3A_72 = arith.addi %add3A_70, %add3A_71 : i32
      %lt3A_73 = arith.constant 44 : i32
      %lt3A_74 = arith.cmpi slt, %add3A_72, %lt3A_73 : i32
      %convert_element_type3A_75 = arith.extui %lt3A_74 : i1 to i32
      %cond3A_76 = arith.constant 0 : i32
      %cond3A_77 = arith.cmpi ne, %convert_element_type3A_75, %cond3A_76 : i32
      scf.if %cond3A_77 {
        %add3A_116 = arith.constant 4 : i32
        %add3A_117 = arith.addi %add3A_43, %add3A_116 : i32
        %add3A_118 = arith.constant 1 : i32
        %add3A_119 = arith.addi %add3A_117, %add3A_118 : i32
        %dma_start3A_120 = arith.constant 0 : i32
        %dma_start3A_121 = tpu.memref_slice %arg7[%add3A_119, %dma_start3A_120] : memref<44x128xi32, #tpu.memory_space<vmem>> -> memref<1x128xi32, #tpu.memory_space<vmem>>
        %dma_start3A_122 = tpu.memref_squeeze %dma_start3A_121 : memref<1x128xi32, #tpu.memory_space<vmem>> -> memref<128xi32, #tpu.memory_space<vmem>>
        %dma_start3A_123 = arith.constant 0 : i32
        %dma_start3A_124 = arith.constant 0 : i32
        %dma_start3A_125 = tpu.memref_slice %arg2[%dma_start3A_123, %dma_start3A_124] : memref<10000x128xf32, #tpu.memory_space<hbm>> -> memref<10000x128xf32, #tpu.memory_space<hbm>>
        tpu.enqueue_indirect_dma source(%dma_start3A_125 : memref<10000x128xf32, #tpu.memory_space<hbm>>) target(%arg10 : memref<128x128xf32, #tpu.memory_space<vmem>>) offsets(%dma_start3A_122 : memref<128xi32, #tpu.memory_space<vmem>>) semaphore(%arg15 : memref<!tpu.dma_semaphore, #tpu.memory_space<semaphore_mem>>)
      } else {
      }
      %add3A_78 = arith.constant 2 : i32
      %add3A_79 = arith.addi %add3A_43, %add3A_78 : i32
      %dma_wait3A_80 = arith.constant 0 : i32
      %dma_wait3A_81 = tpu.memref_slice %arg7[%add3A_79, %dma_wait3A_80] : memref<44x128xi32, #tpu.memory_space<vmem>> -> memref<1x128xi32, #tpu.memory_space<vmem>>
      %dma_wait3A_82 = tpu.memref_squeeze %dma_wait3A_81 : memref<1x128xi32, #tpu.memory_space<vmem>> -> memref<128xi32, #tpu.memory_space<vmem>>
      %dma_wait3A_83 = arith.constant 0 : i32
      %dma_wait3A_84 = arith.constant 0 : i32
      %dma_wait3A_85 = tpu.memref_slice %arg2[%dma_wait3A_83, %dma_wait3A_84] : memref<10000x128xf32, #tpu.memory_space<hbm>> -> memref<10000x128xf32, #tpu.memory_space<hbm>>
      tpu.wait_indirect_dma semaphore(%arg16 : memref<!tpu.dma_semaphore, #tpu.memory_space<semaphore_mem>>) src(%dma_wait3A_85 : memref<10000x128xf32, #tpu.memory_space<hbm>>) dst(%arg11 : memref<128x128xf32, #tpu.memory_space<vmem>>)
      %add3A_86 = arith.constant 2 : i32
      %add3A_87 = arith.addi %add3A_43, %add3A_86 : i32
      "tpu.region"() ({
        %run_scoped3A = tpu.sem_alloc : memref<!tpu.dma_semaphore, #tpu.memory_space<semaphore_mem>>
        %dma_start3A_116 = arith.constant 0 : i32
        %dma_start3A_117 = tpu.memref_slice %arg8[%add3A_87, %dma_start3A_116] : memref<44x128xi32, #tpu.memory_space<vmem>> -> memref<1x128xi32, #tpu.memory_space<vmem>>
        %dma_start3A_118 = tpu.memref_squeeze %dma_start3A_117 : memref<1x128xi32, #tpu.memory_space<vmem>> -> memref<128xi32, #tpu.memory_space<vmem>>
        %dma_start3A_119 = arith.constant 0 : i32
        %dma_start3A_120 = arith.constant 0 : i32
        %dma_start3A_121 = tpu.memref_slice %arg13[%dma_start3A_119, %dma_start3A_120] : memref<2688x128xf32, #tpu.memory_space<vmem_shared>> -> memref<2688x128xf32, #tpu.memory_space<vmem_shared>>
        tpu.enqueue_indirect_dma source(%arg11 : memref<128x128xf32, #tpu.memory_space<vmem>>) target(%dma_start3A_121 : memref<2688x128xf32, #tpu.memory_space<vmem_shared>>) offsets(%dma_start3A_118 : memref<128xi32, #tpu.memory_space<vmem>>) semaphore(%run_scoped3A : memref<!tpu.dma_semaphore, #tpu.memory_space<semaphore_mem>>) {add = true}
        %dma_wait3A_122 = arith.constant 0 : i32
        %dma_wait3A_123 = tpu.memref_slice %arg8[%add3A_87, %dma_wait3A_122] : memref<44x128xi32, #tpu.memory_space<vmem>> -> memref<1x128xi32, #tpu.memory_space<vmem>>
        %dma_wait3A_124 = tpu.memref_squeeze %dma_wait3A_123 : memref<1x128xi32, #tpu.memory_space<vmem>> -> memref<128xi32, #tpu.memory_space<vmem>>
        %dma_wait3A_125 = arith.constant 0 : i32
        %dma_wait3A_126 = arith.constant 0 : i32
        %dma_wait3A_127 = tpu.memref_slice %arg13[%dma_wait3A_125, %dma_wait3A_126] : memref<2688x128xf32, #tpu.memory_space<vmem_shared>> -> memref<2688x128xf32, #tpu.memory_space<vmem_shared>>
        tpu.wait_indirect_dma semaphore(%run_scoped3A : memref<!tpu.dma_semaphore, #tpu.memory_space<semaphore_mem>>) src(%arg11 : memref<128x128xf32, #tpu.memory_space<vmem>>) dst(%dma_wait3A_127 : memref<2688x128xf32, #tpu.memory_space<vmem_shared>>)
        tpu.yield
      }) : () -> ()
      %add3A_88 = arith.constant 4 : i32
      %add3A_89 = arith.addi %add3A_43, %add3A_88 : i32
      %add3A_90 = arith.constant 2 : i32
      %add3A_91 = arith.addi %add3A_89, %add3A_90 : i32
      %lt3A_92 = arith.constant 44 : i32
      %lt3A_93 = arith.cmpi slt, %add3A_91, %lt3A_92 : i32
      %convert_element_type3A_94 = arith.extui %lt3A_93 : i1 to i32
      %cond3A_95 = arith.constant 0 : i32
      %cond3A_96 = arith.cmpi ne, %convert_element_type3A_94, %cond3A_95 : i32
      scf.if %cond3A_96 {
        %add3A_116 = arith.constant 4 : i32
        %add3A_117 = arith.addi %add3A_43, %add3A_116 : i32
        %add3A_118 = arith.constant 2 : i32
        %add3A_119 = arith.addi %add3A_117, %add3A_118 : i32
        %dma_start3A_120 = arith.constant 0 : i32
        %dma_start3A_121 = tpu.memref_slice %arg7[%add3A_119, %dma_start3A_120] : memref<44x128xi32, #tpu.memory_space<vmem>> -> memref<1x128xi32, #tpu.memory_space<vmem>>
        %dma_start3A_122 = tpu.memref_squeeze %dma_start3A_121 : memref<1x128xi32, #tpu.memory_space<vmem>> -> memref<128xi32, #tpu.memory_space<vmem>>
        %dma_start3A_123 = arith.constant 0 : i32
        %dma_start3A_124 = arith.constant 0 : i32
        %dma_start3A_125 = tpu.memref_slice %arg2[%dma_start3A_123, %dma_start3A_124] : memref<10000x128xf32, #tpu.memory_space<hbm>> -> memref<10000x128xf32, #tpu.memory_space<hbm>>
        tpu.enqueue_indirect_dma source(%dma_start3A_125 : memref<10000x128xf32, #tpu.memory_space<hbm>>) target(%arg11 : memref<128x128xf32, #tpu.memory_space<vmem>>) offsets(%dma_start3A_122 : memref<128xi32, #tpu.memory_space<vmem>>) semaphore(%arg16 : memref<!tpu.dma_semaphore, #tpu.memory_space<semaphore_mem>>)
      } else {
      }
      %add3A_97 = arith.constant 3 : i32
      %add3A_98 = arith.addi %add3A_43, %add3A_97 : i32
      %dma_wait3A_99 = arith.constant 0 : i32
      %dma_wait3A_100 = tpu.memref_slice %arg7[%add3A_98, %dma_wait3A_99] : memref<44x128xi32, #tpu.memory_space<vmem>> -> memref<1x128xi32, #tpu.memory_space<vmem>>
      %dma_wait3A_101 = tpu.memref_squeeze %dma_wait3A_100 : memref<1x128xi32, #tpu.memory_space<vmem>> -> memref<128xi32, #tpu.memory_space<vmem>>
      %dma_wait3A_102 = arith.constant 0 : i32
      %dma_wait3A_103 = arith.constant 0 : i32
      %dma_wait3A_104 = tpu.memref_slice %arg2[%dma_wait3A_102, %dma_wait3A_103] : memref<10000x128xf32, #tpu.memory_space<hbm>> -> memref<10000x128xf32, #tpu.memory_space<hbm>>
      tpu.wait_indirect_dma semaphore(%arg17 : memref<!tpu.dma_semaphore, #tpu.memory_space<semaphore_mem>>) src(%dma_wait3A_104 : memref<10000x128xf32, #tpu.memory_space<hbm>>) dst(%arg12 : memref<128x128xf32, #tpu.memory_space<vmem>>)
      %add3A_105 = arith.constant 3 : i32
      %add3A_106 = arith.addi %add3A_43, %add3A_105 : i32
      "tpu.region"() ({
        %run_scoped3A = tpu.sem_alloc : memref<!tpu.dma_semaphore, #tpu.memory_space<semaphore_mem>>
        %dma_start3A_116 = arith.constant 0 : i32
        %dma_start3A_117 = tpu.memref_slice %arg8[%add3A_106, %dma_start3A_116] : memref<44x128xi32, #tpu.memory_space<vmem>> -> memref<1x128xi32, #tpu.memory_space<vmem>>
        %dma_start3A_118 = tpu.memref_squeeze %dma_start3A_117 : memref<1x128xi32, #tpu.memory_space<vmem>> -> memref<128xi32, #tpu.memory_space<vmem>>
        %dma_start3A_119 = arith.constant 0 : i32
        %dma_start3A_120 = arith.constant 0 : i32
        %dma_start3A_121 = tpu.memref_slice %arg13[%dma_start3A_119, %dma_start3A_120] : memref<2688x128xf32, #tpu.memory_space<vmem_shared>> -> memref<2688x128xf32, #tpu.memory_space<vmem_shared>>
        tpu.enqueue_indirect_dma source(%arg12 : memref<128x128xf32, #tpu.memory_space<vmem>>) target(%dma_start3A_121 : memref<2688x128xf32, #tpu.memory_space<vmem_shared>>) offsets(%dma_start3A_118 : memref<128xi32, #tpu.memory_space<vmem>>) semaphore(%run_scoped3A : memref<!tpu.dma_semaphore, #tpu.memory_space<semaphore_mem>>) {add = true}
        %dma_wait3A_122 = arith.constant 0 : i32
        %dma_wait3A_123 = tpu.memref_slice %arg8[%add3A_106, %dma_wait3A_122] : memref<44x128xi32, #tpu.memory_space<vmem>> -> memref<1x128xi32, #tpu.memory_space<vmem>>
        %dma_wait3A_124 = tpu.memref_squeeze %dma_wait3A_123 : memref<1x128xi32, #tpu.memory_space<vmem>> -> memref<128xi32, #tpu.memory_space<vmem>>
        %dma_wait3A_125 = arith.constant 0 : i32
        %dma_wait3A_126 = arith.constant 0 : i32
        %dma_wait3A_127 = tpu.memref_slice %arg13[%dma_wait3A_125, %dma_wait3A_126] : memref<2688x128xf32, #tpu.memory_space<vmem_shared>> -> memref<2688x128xf32, #tpu.memory_space<vmem_shared>>
        tpu.wait_indirect_dma semaphore(%run_scoped3A : memref<!tpu.dma_semaphore, #tpu.memory_space<semaphore_mem>>) src(%arg12 : memref<128x128xf32, #tpu.memory_space<vmem>>) dst(%dma_wait3A_127 : memref<2688x128xf32, #tpu.memory_space<vmem_shared>>)
        tpu.yield
      }) : () -> ()
      %add3A_107 = arith.constant 4 : i32
      %add3A_108 = arith.addi %add3A_43, %add3A_107 : i32
      %add3A_109 = arith.constant 3 : i32
      %add3A_110 = arith.addi %add3A_108, %add3A_109 : i32
      %lt3A_111 = arith.constant 44 : i32
      %lt3A_112 = arith.cmpi slt, %add3A_110, %lt3A_111 : i32
      %convert_element_type3A_113 = arith.extui %lt3A_112 : i1 to i32
      %cond3A_114 = arith.constant 0 : i32
      %cond3A_115 = arith.cmpi ne, %convert_element_type3A_113, %cond3A_114 : i32
      scf.if %cond3A_115 {
        %add3A_116 = arith.constant 4 : i32
        %add3A_117 = arith.addi %add3A_43, %add3A_116 : i32
        %add3A_118 = arith.constant 3 : i32
        %add3A_119 = arith.addi %add3A_117, %add3A_118 : i32
        %dma_start3A_120 = arith.constant 0 : i32
        %dma_start3A_121 = tpu.memref_slice %arg7[%add3A_119, %dma_start3A_120] : memref<44x128xi32, #tpu.memory_space<vmem>> -> memref<1x128xi32, #tpu.memory_space<vmem>>
        %dma_start3A_122 = tpu.memref_squeeze %dma_start3A_121 : memref<1x128xi32, #tpu.memory_space<vmem>> -> memref<128xi32, #tpu.memory_space<vmem>>
        %dma_start3A_123 = arith.constant 0 : i32
        %dma_start3A_124 = arith.constant 0 : i32
        %dma_start3A_125 = tpu.memref_slice %arg2[%dma_start3A_123, %dma_start3A_124] : memref<10000x128xf32, #tpu.memory_space<hbm>> -> memref<10000x128xf32, #tpu.memory_space<hbm>>
        tpu.enqueue_indirect_dma source(%dma_start3A_125 : memref<10000x128xf32, #tpu.memory_space<hbm>>) target(%arg12 : memref<128x128xf32, #tpu.memory_space<vmem>>) offsets(%dma_start3A_122 : memref<128xi32, #tpu.memory_space<vmem>>) semaphore(%arg17 : memref<!tpu.dma_semaphore, #tpu.memory_space<semaphore_mem>>)
      } else {
      }
    }
    %scan3A_31 = arith.constant 11 : i32
    %barrier3A_32 = arith.constant 0 : index
    tpu.barrier barrier_id(%barrier3A_32)
    %mul3A_33 = arith.constant 2560 : i32
    %mul3A_34 = arith.muli %arg0, %mul3A_33 : i32
    %mul3A_35 = arith.constant 160 : i32
    %mul3A_36 = arith.muli %arg1, %mul3A_35 : i32
    %add3A = arith.addi %mul3A_34, %mul3A_36 : i32
    %mul3A_37 = arith.constant 160 : i32
    %mul3A_38 = arith.muli %arg1, %mul3A_37 : i32
    "tpu.region"() ({
      %run_scoped3A = tpu.sem_alloc : memref<!tpu.dma_semaphore, #tpu.memory_space<semaphore_mem>>
      %dma_start3A_39 = arith.constant 0 : i32
      %dma_start3A_40 = tpu.memref_slice %arg6[%add3A, %dma_start3A_39] : memref<5120x128xf32, #tpu.memory_space<hbm>> -> memref<160x128xf32, #tpu.memory_space<hbm>>
      %dma_start3A_41 = arith.constant 0 : i32
      %dma_start3A_42 = tpu.memref_slice %arg13[%mul3A_38, %dma_start3A_41] : memref<2688x128xf32, #tpu.memory_space<vmem_shared>> -> memref<160x128xf32, #tpu.memory_space<vmem_shared>>
      tpu.enqueue_dma source(%dma_start3A_42 : memref<160x128xf32, #tpu.memory_space<vmem_shared>>) target(%dma_start3A_40 : memref<160x128xf32, #tpu.memory_space<hbm>>) target_semaphore(%run_scoped3A : memref<!tpu.dma_semaphore, #tpu.memory_space<semaphore_mem>>)
      %dma_wait3A = arith.constant 0 : i32
      %dma_wait3A_43 = tpu.memref_slice %arg6[%add3A, %dma_wait3A] : memref<5120x128xf32, #tpu.memory_space<hbm>> -> memref<160x128xf32, #tpu.memory_space<hbm>>
      %dma_wait3A_44 = arith.constant 0 : i32
      %dma_wait3A_45 = tpu.memref_slice %arg13[%mul3A_38, %dma_wait3A_44] : memref<2688x128xf32, #tpu.memory_space<vmem_shared>> -> memref<160x128xf32, #tpu.memory_space<vmem_shared>>
      tpu.wait_dma2 semaphore(%run_scoped3A : memref<!tpu.dma_semaphore, #tpu.memory_space<semaphore_mem>>) src(%dma_wait3A_45 : memref<160x128xf32, #tpu.memory_space<vmem_shared>>) dst(%dma_wait3A_43 : memref<160x128xf32, #tpu.memory_space<hbm>>)
      tpu.yield
    }) : () -> ()
    return
  }
}

#map = affine_map<(d0, d1) -> (0)>
#map1 = affine_map<(d0, d1) -> (0, 0, 0)>
#map2 = affine_map<(d0, d1) -> (0, 0)>
module attributes {stable_mosaic.version = 14 : i64} {
  func.func @_part_call(%arg0: i32, %arg1: i32, %arg2: memref<320000xi32, #tpu.memory_space<hbm>>, %arg3: memref<320000xi32, #tpu.memory_space<hbm>>, %arg4: memref<4x32x2816xi32, #tpu.memory_space<hbm>>, %arg5: memref<4x32x2816xi32, #tpu.memory_space<hbm>>, %arg6: memref<32x10240xf32, #tpu.memory_space<hbm>>, %arg7: memref<2560xi32, #tpu.memory_space<vmem>>, %arg8: memref<2560xi32, #tpu.memory_space<vmem>>, %arg9: memref<2816xi32, #tpu.memory_space<vmem>>, %arg10: memref<2816xi32, #tpu.memory_space<vmem>>, %arg11: memref<2816xi32, #tpu.memory_space<vmem>>, %arg12: memref<2816xi32, #tpu.memory_space<vmem>>, %arg13: memref<2816xi32, #tpu.memory_space<vmem>>, %arg14: memref<2816xi32, #tpu.memory_space<vmem>>, %arg15: memref<2816xi32, #tpu.memory_space<vmem>>, %arg16: memref<2816xi32, #tpu.memory_space<vmem>>, %arg17: memref<10240xf32, #tpu.memory_space<vmem>>, %arg18: memref<!tpu.dma_semaphore, #tpu.memory_space<semaphore_mem>>) attributes {dimension_semantics = [#tpu.dimension_semantics<core_parallel>, #tpu.dimension_semantics<subcore_parallel>], iteration_bounds = array<i64: 2, 16>, scalar_prefetch = 0 : i64, scratch_operands = 12 : i64, tpu.core_type = #tpu.core_type<sc_vector_subcore>, window_params = [{transform_indices = #map}, {transform_indices = #map}, {transform_indices = #map1}, {transform_indices = #map1}, {transform_indices = #map2}]} {
    %mul3A = arith.constant 2 : i32
    %mul3A_0 = arith.muli %arg1, %mul3A : i32
    %add3A = arith.addi %mul3A_0, %arg0 : i32
    %iota3A = tpu.iota {dimensions = array<i32: 0>} : vector<16xi32>
    %scan3A = arith.constant 0 : i32
    %scan3A_1 = arith.constant 640 : i32
    %scan3A_2 = arith.addi %scan3A, %scan3A_1 : i32
    %scan3A_3 = arith.constant 1 : i32
    scf.for %scan3A_80 = %scan3A to %scan3A_2 step %scan3A_3  : i32 {
      %mul3A_81 = arith.constant 16 : i32
      %mul3A_82 = arith.muli %scan3A_80, %mul3A_81 : i32
      %add3A_83 = arith.constant 0 : i32
      %add3A_84 = arith.addi %add3A_83, %mul3A_82 : i32
      %broadcast_in_dim3A_85 = arith.constant 0.000000e+00 : f32
      %broadcast_in_dim3A_86 = vector.broadcast %broadcast_in_dim3A_85 : f32 to vector<16xf32>
      %swap3A = arith.index_cast %add3A_84 : i32 to index
      %swap3A_87 = tpu.vector_load %arg17[%swap3A] {strides = array<i32>} : memref<10240xf32, #tpu.memory_space<vmem>>, vector<16xf32>,
      tpu.vector_store %arg17[%swap3A], %broadcast_in_dim3A_86 {strides = array<i32>} : memref<10240xf32, #tpu.memory_space<vmem>>, vector<16xf32>,
    }
    %scan3A_4 = arith.constant 640 : i32
    %scan3A_5 = arith.constant 0 : i32
    %scan3A_6 = arith.constant 176 : i32
    %scan3A_7 = arith.addi %scan3A_5, %scan3A_6 : i32
    %scan3A_8 = arith.constant 1 : i32
    scf.for %scan3A_80 = %scan3A_5 to %scan3A_7 step %scan3A_8  : i32 {
      %mul3A_81 = arith.constant 16 : i32
      %mul3A_82 = arith.muli %scan3A_80, %mul3A_81 : i32
      %add3A_83 = arith.constant 0 : i32
      %add3A_84 = arith.addi %add3A_83, %mul3A_82 : i32
      %mul3A_85 = arith.constant 401 : i32
      %mul3A_86 = vector.broadcast %mul3A_85 : i32 to vector<16xi32>
      %mul3A_87 = arith.muli %iota3A, %mul3A_86 : vector<16xi32>
      %mul3A_88 = arith.constant 7 : i32
      %mul3A_89 = arith.muli %add3A_84, %mul3A_88 : i32
      %add3A_90 = vector.broadcast %mul3A_89 : i32 to vector<16xi32>
      %add3A_91 = arith.addi %mul3A_87, %add3A_90 : vector<16xi32>
      %mul3A_92 = arith.constant 311 : i32
      %mul3A_93 = arith.muli %add3A, %mul3A_92 : i32
      %add3A_94 = vector.broadcast %mul3A_93 : i32 to vector<16xi32>
      %add3A_95 = arith.addi %add3A_91, %add3A_94 : vector<16xi32>
      %and3A = arith.constant 8191 : i32
      %and3A_96 = vector.broadcast %and3A : i32 to vector<16xi32>
      %and3A_97 = arith.andi %add3A_95, %and3A_96 : vector<16xi32>
      %swap3A = arith.index_cast %add3A_84 : i32 to index
      %swap3A_98 = tpu.vector_load %arg9[%swap3A] {strides = array<i32>} : memref<2816xi32, #tpu.memory_space<vmem>>, vector<16xi32>,
      tpu.vector_store %arg9[%swap3A], %and3A_97 {strides = array<i32>} : memref<2816xi32, #tpu.memory_space<vmem>>, vector<16xi32>,
      %add3A_99 = vector.broadcast %add3A_84 : i32 to vector<16xi32>
      %add3A_100 = arith.addi %iota3A, %add3A_99 : vector<16xi32>
      %and3A_101 = arith.constant 127 : i32
      %and3A_102 = vector.broadcast %and3A_101 : i32 to vector<16xi32>
      %and3A_103 = arith.andi %add3A_100, %and3A_102 : vector<16xi32>
      %add3A_104 = arith.constant 2560 : i32
      %add3A_105 = vector.broadcast %add3A_104 : i32 to vector<16xi32>
      %add3A_106 = arith.addi %add3A_105, %and3A_103 : vector<16xi32>
      %swap3A_107 = arith.index_cast %add3A_84 : i32 to index
      %swap3A_108 = tpu.vector_load %arg13[%swap3A_107] {strides = array<i32>} : memref<2816xi32, #tpu.memory_space<vmem>>, vector<16xi32>,
      tpu.vector_store %arg13[%swap3A_107], %add3A_106 {strides = array<i32>} : memref<2816xi32, #tpu.memory_space<vmem>>, vector<16xi32>,
      %mul3A_109 = arith.constant 401 : i32
      %mul3A_110 = vector.broadcast %mul3A_109 : i32 to vector<16xi32>
      %mul3A_111 = arith.muli %iota3A, %mul3A_110 : vector<16xi32>
      %mul3A_112 = arith.constant 7 : i32
      %mul3A_113 = arith.muli %add3A_84, %mul3A_112 : i32
      %add3A_114 = vector.broadcast %mul3A_113 : i32 to vector<16xi32>
      %add3A_115 = arith.addi %mul3A_111, %add3A_114 : vector<16xi32>
      %mul3A_116 = arith.constant 311 : i32
      %mul3A_117 = arith.muli %add3A, %mul3A_116 : i32
      %add3A_118 = vector.broadcast %mul3A_117 : i32 to vector<16xi32>
      %add3A_119 = arith.addi %add3A_115, %add3A_118 : vector<16xi32>
      %and3A_120 = arith.constant 8191 : i32
      %and3A_121 = vector.broadcast %and3A_120 : i32 to vector<16xi32>
      %and3A_122 = arith.andi %add3A_119, %and3A_121 : vector<16xi32>
      %swap3A_123 = arith.index_cast %add3A_84 : i32 to index
      %swap3A_124 = tpu.vector_load %arg10[%swap3A_123] {strides = array<i32>} : memref<2816xi32, #tpu.memory_space<vmem>>, vector<16xi32>,
      tpu.vector_store %arg10[%swap3A_123], %and3A_122 {strides = array<i32>} : memref<2816xi32, #tpu.memory_space<vmem>>, vector<16xi32>,
      %add3A_125 = vector.broadcast %add3A_84 : i32 to vector<16xi32>
      %add3A_126 = arith.addi %iota3A, %add3A_125 : vector<16xi32>
      %and3A_127 = arith.constant 127 : i32
      %and3A_128 = vector.broadcast %and3A_127 : i32 to vector<16xi32>
      %and3A_129 = arith.andi %add3A_126, %and3A_128 : vector<16xi32>
      %add3A_130 = arith.constant 2560 : i32
      %add3A_131 = vector.broadcast %add3A_130 : i32 to vector<16xi32>
      %add3A_132 = arith.addi %add3A_131, %and3A_129 : vector<16xi32>
      %swap3A_133 = arith.index_cast %add3A_84 : i32 to index
      %swap3A_134 = tpu.vector_load %arg14[%swap3A_133] {strides = array<i32>} : memref<2816xi32, #tpu.memory_space<vmem>>, vector<16xi32>,
      tpu.vector_store %arg14[%swap3A_133], %add3A_132 {strides = array<i32>} : memref<2816xi32, #tpu.memory_space<vmem>>, vector<16xi32>,
      %mul3A_135 = arith.constant 401 : i32
      %mul3A_136 = vector.broadcast %mul3A_135 : i32 to vector<16xi32>
      %mul3A_137 = arith.muli %iota3A, %mul3A_136 : vector<16xi32>
      %mul3A_138 = arith.constant 7 : i32
      %mul3A_139 = arith.muli %add3A_84, %mul3A_138 : i32
      %add3A_140 = vector.broadcast %mul3A_139 : i32 to vector<16xi32>
      %add3A_141 = arith.addi %mul3A_137, %add3A_140 : vector<16xi32>
      %mul3A_142 = arith.constant 311 : i32
      %mul3A_143 = arith.muli %add3A, %mul3A_142 : i32
      %add3A_144 = vector.broadcast %mul3A_143 : i32 to vector<16xi32>
      %add3A_145 = arith.addi %add3A_141, %add3A_144 : vector<16xi32>
      %and3A_146 = arith.constant 8191 : i32
      %and3A_147 = vector.broadcast %and3A_146 : i32 to vector<16xi32>
      %and3A_148 = arith.andi %add3A_145, %and3A_147 : vector<16xi32>
      %swap3A_149 = arith.index_cast %add3A_84 : i32 to index
      %swap3A_150 = tpu.vector_load %arg11[%swap3A_149] {strides = array<i32>} : memref<2816xi32, #tpu.memory_space<vmem>>, vector<16xi32>,
      tpu.vector_store %arg11[%swap3A_149], %and3A_148 {strides = array<i32>} : memref<2816xi32, #tpu.memory_space<vmem>>, vector<16xi32>,
      %add3A_151 = vector.broadcast %add3A_84 : i32 to vector<16xi32>
      %add3A_152 = arith.addi %iota3A, %add3A_151 : vector<16xi32>
      %and3A_153 = arith.constant 127 : i32
      %and3A_154 = vector.broadcast %and3A_153 : i32 to vector<16xi32>
      %and3A_155 = arith.andi %add3A_152, %and3A_154 : vector<16xi32>
      %add3A_156 = arith.constant 2560 : i32
      %add3A_157 = vector.broadcast %add3A_156 : i32 to vector<16xi32>
      %add3A_158 = arith.addi %add3A_157, %and3A_155 : vector<16xi32>
      %swap3A_159 = arith.index_cast %add3A_84 : i32 to index
      %swap3A_160 = tpu.vector_load %arg15[%swap3A_159] {strides = array<i32>} : memref<2816xi32, #tpu.memory_space<vmem>>, vector<16xi32>,
      tpu.vector_store %arg15[%swap3A_159], %add3A_158 {strides = array<i32>} : memref<2816xi32, #tpu.memory_space<vmem>>, vector<16xi32>,
      %mul3A_161 = arith.constant 401 : i32
      %mul3A_162 = vector.broadcast %mul3A_161 : i32 to vector<16xi32>
      %mul3A_163 = arith.muli %iota3A, %mul3A_162 : vector<16xi32>
      %mul3A_164 = arith.constant 7 : i32
      %mul3A_165 = arith.muli %add3A_84, %mul3A_164 : i32
      %add3A_166 = vector.broadcast %mul3A_165 : i32 to vector<16xi32>
      %add3A_167 = arith.addi %mul3A_163, %add3A_166 : vector<16xi32>
      %mul3A_168 = arith.constant 311 : i32
      %mul3A_169 = arith.muli %add3A, %mul3A_168 : i32
      %add3A_170 = vector.broadcast %mul3A_169 : i32 to vector<16xi32>
      %add3A_171 = arith.addi %add3A_167, %add3A_170 : vector<16xi32>
      %and3A_172 = arith.constant 8191 : i32
      %and3A_173 = vector.broadcast %and3A_172 : i32 to vector<16xi32>
      %and3A_174 = arith.andi %add3A_171, %and3A_173 : vector<16xi32>
      %swap3A_175 = arith.index_cast %add3A_84 : i32 to index
      %swap3A_176 = tpu.vector_load %arg12[%swap3A_175] {strides = array<i32>} : memref<2816xi32, #tpu.memory_space<vmem>>, vector<16xi32>,
      tpu.vector_store %arg12[%swap3A_175], %and3A_174 {strides = array<i32>} : memref<2816xi32, #tpu.memory_space<vmem>>, vector<16xi32>,
      %add3A_177 = vector.broadcast %add3A_84 : i32 to vector<16xi32>
      %add3A_178 = arith.addi %iota3A, %add3A_177 : vector<16xi32>
      %and3A_179 = arith.constant 127 : i32
      %and3A_180 = vector.broadcast %and3A_179 : i32 to vector<16xi32>
      %and3A_181 = arith.andi %add3A_178, %and3A_180 : vector<16xi32>
      %add3A_182 = arith.constant 2560 : i32
      %add3A_183 = vector.broadcast %add3A_182 : i32 to vector<16xi32>
      %add3A_184 = arith.addi %add3A_183, %and3A_181 : vector<16xi32>
      %swap3A_185 = arith.index_cast %add3A_84 : i32 to index
      %swap3A_186 = tpu.vector_load %arg16[%swap3A_185] {strides = array<i32>} : memref<2816xi32, #tpu.memory_space<vmem>>, vector<16xi32>,
      tpu.vector_store %arg16[%swap3A_185], %add3A_184 {strides = array<i32>} : memref<2816xi32, #tpu.memory_space<vmem>>, vector<16xi32>,
    }
    %scan3A_9 = arith.constant 176 : i32
    %broadcast_in_dim3A = arith.constant 0 : i32
    %broadcast_in_dim3A_10 = vector.broadcast %broadcast_in_dim3A : i32 to vector<16xi32>
    %broadcast_in_dim3A_11 = arith.constant 0 : i32
    %broadcast_in_dim3A_12 = vector.broadcast %broadcast_in_dim3A_11 : i32 to vector<16xi32>
    %broadcast_in_dim3A_13 = arith.constant 0 : i32
    %broadcast_in_dim3A_14 = vector.broadcast %broadcast_in_dim3A_13 : i32 to vector<16xi32>
    %broadcast_in_dim3A_15 = arith.constant 0 : i32
    %broadcast_in_dim3A_16 = vector.broadcast %broadcast_in_dim3A_15 : i32 to vector<16xi32>
    %mul3A_17 = arith.constant 10000 : i32
    %mul3A_18 = arith.muli %add3A, %mul3A_17 : i32
    %add3A_19 = arith.constant 0 : i32
    %add3A_20 = arith.addi %mul3A_18, %add3A_19 : i32
    "tpu.region"() ({
      %run_scoped3A_80 = tpu.sem_alloc : memref<!tpu.dma_semaphore, #tpu.memory_space<semaphore_mem>>
      %dma_start3A = arith.constant 0 : i32
      %dma_start3A_81 = tpu.memref_slice %arg7[%dma_start3A] : memref<2560xi32, #tpu.memory_space<vmem>> -> memref<2560xi32, #tpu.memory_space<vmem>>
      %dma_start3A_82 = tpu.memref_slice %arg2[%add3A_20] : memref<320000xi32, #tpu.memory_space<hbm>> -> memref<2560xi32, #tpu.memory_space<hbm>>
      %dma_start3A_83 = arith.constant 0 : i32
      %dma_start3A_84 = tpu.memref_slice %arg7[%dma_start3A_83] : memref<2560xi32, #tpu.memory_space<vmem>> -> memref<2560xi32, #tpu.memory_space<vmem>>
      %dma_start3A_85 = tpu.memref_slice %arg2[%add3A_20] : memref<320000xi32, #tpu.memory_space<hbm>> -> memref<2560xi32, #tpu.memory_space<hbm>>
      tpu.enqueue_dma source(%dma_start3A_85 : memref<2560xi32, #tpu.memory_space<hbm>>) target(%dma_start3A_84 : memref<2560xi32, #tpu.memory_space<vmem>>) target_semaphore(%run_scoped3A_80 : memref<!tpu.dma_semaphore, #tpu.memory_space<semaphore_mem>>)
      %dma_wait3A = arith.constant 0 : i32
      %dma_wait3A_86 = tpu.memref_slice %arg7[%dma_wait3A] : memref<2560xi32, #tpu.memory_space<vmem>> -> memref<2560xi32, #tpu.memory_space<vmem>>
      %dma_wait3A_87 = tpu.memref_slice %arg2[%add3A_20] : memref<320000xi32, #tpu.memory_space<hbm>> -> memref<2560xi32, #tpu.memory_space<hbm>>
      %dma_wait3A_88 = arith.constant 0 : i32
      %dma_wait3A_89 = tpu.memref_slice %arg7[%dma_wait3A_88] : memref<2560xi32, #tpu.memory_space<vmem>> -> memref<2560xi32, #tpu.memory_space<vmem>>
      %dma_wait3A_90 = tpu.memref_slice %arg2[%add3A_20] : memref<320000xi32, #tpu.memory_space<hbm>> -> memref<2560xi32, #tpu.memory_space<hbm>>
      tpu.wait_dma2 semaphore(%run_scoped3A_80 : memref<!tpu.dma_semaphore, #tpu.memory_space<semaphore_mem>>) src(%dma_wait3A_90 : memref<2560xi32, #tpu.memory_space<hbm>>) dst(%dma_wait3A_89 : memref<2560xi32, #tpu.memory_space<vmem>>)
      tpu.yield
    }) : () -> ()
    %mul3A_21 = arith.constant 10000 : i32
    %mul3A_22 = arith.muli %add3A, %mul3A_21 : i32
    %add3A_23 = arith.constant 0 : i32
    %add3A_24 = arith.addi %mul3A_22, %add3A_23 : i32
    "tpu.region"() ({
      %run_scoped3A_80 = tpu.sem_alloc : memref<!tpu.dma_semaphore, #tpu.memory_space<semaphore_mem>>
      %dma_start3A = arith.constant 0 : i32
      %dma_start3A_81 = tpu.memref_slice %arg8[%dma_start3A] : memref<2560xi32, #tpu.memory_space<vmem>> -> memref<2560xi32, #tpu.memory_space<vmem>>
      %dma_start3A_82 = tpu.memref_slice %arg3[%add3A_24] : memref<320000xi32, #tpu.memory_space<hbm>> -> memref<2560xi32, #tpu.memory_space<hbm>>
      %dma_start3A_83 = arith.constant 0 : i32
      %dma_start3A_84 = tpu.memref_slice %arg8[%dma_start3A_83] : memref<2560xi32, #tpu.memory_space<vmem>> -> memref<2560xi32, #tpu.memory_space<vmem>>
      %dma_start3A_85 = tpu.memref_slice %arg3[%add3A_24] : memref<320000xi32, #tpu.memory_space<hbm>> -> memref<2560xi32, #tpu.memory_space<hbm>>
      tpu.enqueue_dma source(%dma_start3A_85 : memref<2560xi32, #tpu.memory_space<hbm>>) target(%dma_start3A_84 : memref<2560xi32, #tpu.memory_space<vmem>>) target_semaphore(%run_scoped3A_80 : memref<!tpu.dma_semaphore, #tpu.memory_space<semaphore_mem>>)
      %dma_wait3A = arith.constant 0 : i32
      %dma_wait3A_86 = tpu.memref_slice %arg8[%dma_wait3A] : memref<2560xi32, #tpu.memory_space<vmem>> -> memref<2560xi32, #tpu.memory_space<vmem>>
      %dma_wait3A_87 = tpu.memref_slice %arg3[%add3A_24] : memref<320000xi32, #tpu.memory_space<hbm>> -> memref<2560xi32, #tpu.memory_space<hbm>>
      %dma_wait3A_88 = arith.constant 0 : i32
      %dma_wait3A_89 = tpu.memref_slice %arg8[%dma_wait3A_88] : memref<2560xi32, #tpu.memory_space<vmem>> -> memref<2560xi32, #tpu.memory_space<vmem>>
      %dma_wait3A_90 = tpu.memref_slice %arg3[%add3A_24] : memref<320000xi32, #tpu.memory_space<hbm>> -> memref<2560xi32, #tpu.memory_space<hbm>>
      tpu.wait_dma2 semaphore(%run_scoped3A_80 : memref<!tpu.dma_semaphore, #tpu.memory_space<semaphore_mem>>) src(%dma_wait3A_90 : memref<2560xi32, #tpu.memory_space<hbm>>) dst(%dma_wait3A_89 : memref<2560xi32, #tpu.memory_space<vmem>>)
      tpu.yield
    }) : () -> ()
    %scan3A_25 = arith.constant 0 : i32
    %scan3A_26 = arith.constant 160 : i32
    %scan3A_27 = arith.addi %scan3A_25, %scan3A_26 : i32
    %scan3A_28 = arith.constant 1 : i32
    %scan3A_29:4 = scf.for %scan3A_80 = %scan3A_25 to %scan3A_27 step %scan3A_28 iter_args(%scan3A_81 = %broadcast_in_dim3A_10, %scan3A_82 = %broadcast_in_dim3A_12, %scan3A_83 = %broadcast_in_dim3A_14, %scan3A_84 = %broadcast_in_dim3A_16) -> (vector<16xi32>, vector<16xi32>, vector<16xi32>, vector<16xi32>)  : i32 {
      %mul3A_85 = arith.constant 16 : i32
      %mul3A_86 = arith.muli %scan3A_80, %mul3A_85 : i32
      %get3A = arith.index_cast %mul3A_86 : i32 to index
      %get3A_87 = tpu.vector_load %arg8[%get3A] {strides = array<i32>} : memref<2560xi32, #tpu.memory_space<vmem>>, vector<16xi32>,
      %mul3A_88 = arith.constant 16 : i32
      %mul3A_89 = arith.muli %scan3A_80, %mul3A_88 : i32
      %get3A_90 = arith.index_cast %mul3A_89 : i32 to index
      %get3A_91 = tpu.vector_load %arg7[%get3A_90] {strides = array<i32>} : memref<2560xi32, #tpu.memory_space<vmem>>, vector<16xi32>,
      %broadcast_in_dim3A_92 = arith.constant true
      %broadcast_in_dim3A_93 = vector.broadcast %broadcast_in_dim3A_92 : i1 to vector<16xi1>
      %unique3A, %unique3A_94 = tpu.scan_count mask(%broadcast_in_dim3A_93 : vector<16xi1>) value(%get3A_87 : vector<16xi32>) : vector<16xi1>, vector<16xi32>
      %convert_element_type3A = arith.sitofp %unique3A_94 : vector<16xi32> to vector<16xf32>
      tpu.vector_store_idx %arg17[%get3A_87], %convert_element_type3A masked %unique3A {add = true} : memref<10240xf32, #tpu.memory_space<vmem>>[vector<16xi32>], vector<16xf32>, vector<16xi1>
      %shift_right_arithmetic3A = arith.constant 9 : i32
      %shift_right_arithmetic3A_95 = vector.broadcast %shift_right_arithmetic3A : i32 to vector<16xi32>
      %shift_right_arithmetic3A_96 = arith.shrsi %get3A_87, %shift_right_arithmetic3A_95 : vector<16xi32>
      %mul3A_97 = arith.constant 3277 : i32
      %mul3A_98 = vector.broadcast %mul3A_97 : i32 to vector<16xi32>
      %mul3A_99 = arith.muli %shift_right_arithmetic3A_96, %mul3A_98 : vector<16xi32>
      %shift_right_arithmetic3A_100 = arith.constant 14 : i32
      %shift_right_arithmetic3A_101 = vector.broadcast %shift_right_arithmetic3A_100 : i32 to vector<16xi32>
      %shift_right_arithmetic3A_102 = arith.shrsi %mul3A_99, %shift_right_arithmetic3A_101 : vector<16xi32>
      %mul3A_103 = arith.constant 2560 : i32
      %mul3A_104 = vector.broadcast %mul3A_103 : i32 to vector<16xi32>
      %mul3A_105 = arith.muli %shift_right_arithmetic3A_102, %mul3A_104 : vector<16xi32>
      %sub3A = arith.subi %get3A_87, %mul3A_105 : vector<16xi32>
      %eq3A = arith.constant 0 : i32
      %eq3A_106 = vector.broadcast %eq3A : i32 to vector<16xi32>
      %eq3A_107 = arith.cmpi eq, %shift_right_arithmetic3A_102, %eq3A_106 : vector<16xi32>
      %convert_element_type3A_108 = arith.extui %eq3A_107 : vector<16xi1> to vector<16xi32>
      %broadcast_in_dim3A_109 = arith.constant true
      %broadcast_in_dim3A_110 = vector.broadcast %broadcast_in_dim3A_109 : i1 to vector<16xi1>
      %masked_cumsum3A = tpu.scan <sum>, %convert_element_type3A_108 masked %broadcast_in_dim3A_110 : vector<16xi32>, vector<16xi1> -> vector<16xi32>
      %add3A_111 = arith.addi %scan3A_81, %masked_cumsum3A : vector<16xi32>
      %sub3A_112 = arith.constant 1 : i32
      %sub3A_113 = vector.broadcast %sub3A_112 : i32 to vector<16xi32>
      %sub3A_114 = arith.subi %add3A_111, %sub3A_113 : vector<16xi32>
      tpu.vector_store_idx %arg9[%sub3A_114], %get3A_91 masked %eq3A_107 : memref<2816xi32, #tpu.memory_space<vmem>>[vector<16xi32>], vector<16xi32>, vector<16xi1>
      tpu.vector_store_idx %arg13[%sub3A_114], %sub3A masked %eq3A_107 : memref<2816xi32, #tpu.memory_space<vmem>>[vector<16xi32>], vector<16xi32>, vector<16xi1>
      %all_reduce_population_count3A = tpu.all_reduce %eq3A_107 {dim = 0 : i64, kind = #tpu.reduction_kind<sum>} : vector<16xi1> -> vector<16xi32>
      %add3A_115 = arith.addi %scan3A_81, %all_reduce_population_count3A : vector<16xi32>
      %eq3A_116 = arith.constant 1 : i32
      %eq3A_117 = vector.broadcast %eq3A_116 : i32 to vector<16xi32>
      %eq3A_118 = arith.cmpi eq, %shift_right_arithmetic3A_102, %eq3A_117 : vector<16xi32>
      %convert_element_type3A_119 = arith.extui %eq3A_118 : vector<16xi1> to vector<16xi32>
      %broadcast_in_dim3A_120 = arith.constant true
      %broadcast_in_dim3A_121 = vector.broadcast %broadcast_in_dim3A_120 : i1 to vector<16xi1>
      %masked_cumsum3A_122 = tpu.scan <sum>, %convert_element_type3A_119 masked %broadcast_in_dim3A_121 : vector<16xi32>, vector<16xi1> -> vector<16xi32>
      %add3A_123 = arith.addi %scan3A_82, %masked_cumsum3A_122 : vector<16xi32>
      %sub3A_124 = arith.constant 1 : i32
      %sub3A_125 = vector.broadcast %sub3A_124 : i32 to vector<16xi32>
      %sub3A_126 = arith.subi %add3A_123, %sub3A_125 : vector<16xi32>
      tpu.vector_store_idx %arg10[%sub3A_126], %get3A_91 masked %eq3A_118 : memref<2816xi32, #tpu.memory_space<vmem>>[vector<16xi32>], vector<16xi32>, vector<16xi1>
      tpu.vector_store_idx %arg14[%sub3A_126], %sub3A masked %eq3A_118 : memref<2816xi32, #tpu.memory_space<vmem>>[vector<16xi32>], vector<16xi32>, vector<16xi1>
      %all_reduce_population_count3A_127 = tpu.all_reduce %eq3A_118 {dim = 0 : i64, kind = #tpu.reduction_kind<sum>} : vector<16xi1> -> vector<16xi32>
      %add3A_128 = arith.addi %scan3A_82, %all_reduce_population_count3A_127 : vector<16xi32>
      %eq3A_129 = arith.constant 2 : i32
      %eq3A_130 = vector.broadcast %eq3A_129 : i32 to vector<16xi32>
      %eq3A_131 = arith.cmpi eq, %shift_right_arithmetic3A_102, %eq3A_130 : vector<16xi32>
      %convert_element_type3A_132 = arith.extui %eq3A_131 : vector<16xi1> to vector<16xi32>
      %broadcast_in_dim3A_133 = arith.constant true
      %broadcast_in_dim3A_134 = vector.broadcast %broadcast_in_dim3A_133 : i1 to vector<16xi1>
      %masked_cumsum3A_135 = tpu.scan <sum>, %convert_element_type3A_132 masked %broadcast_in_dim3A_134 : vector<16xi32>, vector<16xi1> -> vector<16xi32>
      %add3A_136 = arith.addi %scan3A_83, %masked_cumsum3A_135 : vector<16xi32>
      %sub3A_137 = arith.constant 1 : i32
      %sub3A_138 = vector.broadcast %sub3A_137 : i32 to vector<16xi32>
      %sub3A_139 = arith.subi %add3A_136, %sub3A_138 : vector<16xi32>
      tpu.vector_store_idx %arg11[%sub3A_139], %get3A_91 masked %eq3A_131 : memref<2816xi32, #tpu.memory_space<vmem>>[vector<16xi32>], vector<16xi32>, vector<16xi1>
      tpu.vector_store_idx %arg15[%sub3A_139], %sub3A masked %eq3A_131 : memref<2816xi32, #tpu.memory_space<vmem>>[vector<16xi32>], vector<16xi32>, vector<16xi1>
      %all_reduce_population_count3A_140 = tpu.all_reduce %eq3A_131 {dim = 0 : i64, kind = #tpu.reduction_kind<sum>} : vector<16xi1> -> vector<16xi32>
      %add3A_141 = arith.addi %scan3A_83, %all_reduce_population_count3A_140 : vector<16xi32>
      %eq3A_142 = arith.constant 3 : i32
      %eq3A_143 = vector.broadcast %eq3A_142 : i32 to vector<16xi32>
      %eq3A_144 = arith.cmpi eq, %shift_right_arithmetic3A_102, %eq3A_143 : vector<16xi32>
      %convert_element_type3A_145 = arith.extui %eq3A_144 : vector<16xi1> to vector<16xi32>
      %broadcast_in_dim3A_146 = arith.constant true
      %broadcast_in_dim3A_147 = vector.broadcast %broadcast_in_dim3A_146 : i1 to vector<16xi1>
      %masked_cumsum3A_148 = tpu.scan <sum>, %convert_element_type3A_145 masked %broadcast_in_dim3A_147 : vector<16xi32>, vector<16xi1> -> vector<16xi32>
      %add3A_149 = arith.addi %scan3A_84, %masked_cumsum3A_148 : vector<16xi32>
      %sub3A_150 = arith.constant 1 : i32
      %sub3A_151 = vector.broadcast %sub3A_150 : i32 to vector<16xi32>
      %sub3A_152 = arith.subi %add3A_149, %sub3A_151 : vector<16xi32>
      tpu.vector_store_idx %arg12[%sub3A_152], %get3A_91 masked %eq3A_144 : memref<2816xi32, #tpu.memory_space<vmem>>[vector<16xi32>], vector<16xi32>, vector<16xi1>
      tpu.vector_store_idx %arg16[%sub3A_152], %sub3A masked %eq3A_144 : memref<2816xi32, #tpu.memory_space<vmem>>[vector<16xi32>], vector<16xi32>, vector<16xi1>
      %all_reduce_population_count3A_153 = tpu.all_reduce %eq3A_144 {dim = 0 : i64, kind = #tpu.reduction_kind<sum>} : vector<16xi1> -> vector<16xi32>
      %add3A_154 = arith.addi %scan3A_84, %all_reduce_population_count3A_153 : vector<16xi32>
      scf.yield %add3A_115, %add3A_128, %add3A_141, %add3A_154 : vector<16xi32>, vector<16xi32>, vector<16xi32>, vector<16xi32>
    }
    %scan3A_30 = arith.constant 160 : i32
    %mul3A_31 = arith.constant 10000 : i32
    %mul3A_32 = arith.muli %add3A, %mul3A_31 : i32
    %add3A_33 = arith.constant 2560 : i32
    %add3A_34 = arith.addi %mul3A_32, %add3A_33 : i32
    "tpu.region"() ({
      %run_scoped3A_80 = tpu.sem_alloc : memref<!tpu.dma_semaphore, #tpu.memory_space<semaphore_mem>>
      %dma_start3A = arith.constant 0 : i32
      %dma_start3A_81 = tpu.memref_slice %arg7[%dma_start3A] : memref<2560xi32, #tpu.memory_space<vmem>> -> memref<2560xi32, #tpu.memory_space<vmem>>
      %dma_start3A_82 = tpu.memref_slice %arg2[%add3A_34] : memref<320000xi32, #tpu.memory_space<hbm>> -> memref<2560xi32, #tpu.memory_space<hbm>>
      %dma_start3A_83 = arith.constant 0 : i32
      %dma_start3A_84 = tpu.memref_slice %arg7[%dma_start3A_83] : memref<2560xi32, #tpu.memory_space<vmem>> -> memref<2560xi32, #tpu.memory_space<vmem>>
      %dma_start3A_85 = tpu.memref_slice %arg2[%add3A_34] : memref<320000xi32, #tpu.memory_space<hbm>> -> memref<2560xi32, #tpu.memory_space<hbm>>
      tpu.enqueue_dma source(%dma_start3A_85 : memref<2560xi32, #tpu.memory_space<hbm>>) target(%dma_start3A_84 : memref<2560xi32, #tpu.memory_space<vmem>>) target_semaphore(%run_scoped3A_80 : memref<!tpu.dma_semaphore, #tpu.memory_space<semaphore_mem>>)
      %dma_wait3A = arith.constant 0 : i32
      %dma_wait3A_86 = tpu.memref_slice %arg7[%dma_wait3A] : memref<2560xi32, #tpu.memory_space<vmem>> -> memref<2560xi32, #tpu.memory_space<vmem>>
      %dma_wait3A_87 = tpu.memref_slice %arg2[%add3A_34] : memref<320000xi32, #tpu.memory_space<hbm>> -> memref<2560xi32, #tpu.memory_space<hbm>>
      %dma_wait3A_88 = arith.constant 0 : i32
      %dma_wait3A_89 = tpu.memref_slice %arg7[%dma_wait3A_88] : memref<2560xi32, #tpu.memory_space<vmem>> -> memref<2560xi32, #tpu.memory_space<vmem>>
      %dma_wait3A_90 = tpu.memref_slice %arg2[%add3A_34] : memref<320000xi32, #tpu.memory_space<hbm>> -> memref<2560xi32, #tpu.memory_space<hbm>>
      tpu.wait_dma2 semaphore(%run_scoped3A_80 : memref<!tpu.dma_semaphore, #tpu.memory_space<semaphore_mem>>) src(%dma_wait3A_90 : memref<2560xi32, #tpu.memory_space<hbm>>) dst(%dma_wait3A_89 : memref<2560xi32, #tpu.memory_space<vmem>>)
      tpu.yield
    }) : () -> ()
    %mul3A_35 = arith.constant 10000 : i32
    %mul3A_36 = arith.muli %add3A, %mul3A_35 : i32
    %add3A_37 = arith.constant 2560 : i32
    %add3A_38 = arith.addi %mul3A_36, %add3A_37 : i32
    "tpu.region"() ({
      %run_scoped3A_80 = tpu.sem_alloc : memref<!tpu.dma_semaphore, #tpu.memory_space<semaphore_mem>>
      %dma_start3A = arith.constant 0 : i32
      %dma_start3A_81 = tpu.memref_slice %arg8[%dma_start3A] : memref<2560xi32, #tpu.memory_space<vmem>> -> memref<2560xi32, #tpu.memory_space<vmem>>
      %dma_start3A_82 = tpu.memref_slice %arg3[%add3A_38] : memref<320000xi32, #tpu.memory_space<hbm>> -> memref<2560xi32, #tpu.memory_space<hbm>>
      %dma_start3A_83 = arith.constant 0 : i32
      %dma_start3A_84 = tpu.memref_slice %arg8[%dma_start3A_83] : memref<2560xi32, #tpu.memory_space<vmem>> -> memref<2560xi32, #tpu.memory_space<vmem>>
      %dma_start3A_85 = tpu.memref_slice %arg3[%add3A_38] : memref<320000xi32, #tpu.memory_space<hbm>> -> memref<2560xi32, #tpu.memory_space<hbm>>
      tpu.enqueue_dma source(%dma_start3A_85 : memref<2560xi32, #tpu.memory_space<hbm>>) target(%dma_start3A_84 : memref<2560xi32, #tpu.memory_space<vmem>>) target_semaphore(%run_scoped3A_80 : memref<!tpu.dma_semaphore, #tpu.memory_space<semaphore_mem>>)
      %dma_wait3A = arith.constant 0 : i32
      %dma_wait3A_86 = tpu.memref_slice %arg8[%dma_wait3A] : memref<2560xi32, #tpu.memory_space<vmem>> -> memref<2560xi32, #tpu.memory_space<vmem>>
      %dma_wait3A_87 = tpu.memref_slice %arg3[%add3A_38] : memref<320000xi32, #tpu.memory_space<hbm>> -> memref<2560xi32, #tpu.memory_space<hbm>>
      %dma_wait3A_88 = arith.constant 0 : i32
      %dma_wait3A_89 = tpu.memref_slice %arg8[%dma_wait3A_88] : memref<2560xi32, #tpu.memory_space<vmem>> -> memref<2560xi32, #tpu.memory_space<vmem>>
      %dma_wait3A_90 = tpu.memref_slice %arg3[%add3A_38] : memref<320000xi32, #tpu.memory_space<hbm>> -> memref<2560xi32, #tpu.memory_space<hbm>>
      tpu.wait_dma2 semaphore(%run_scoped3A_80 : memref<!tpu.dma_semaphore, #tpu.memory_space<semaphore_mem>>) src(%dma_wait3A_90 : memref<2560xi32, #tpu.memory_space<hbm>>) dst(%dma_wait3A_89 : memref<2560xi32, #tpu.memory_space<vmem>>)
      tpu.yield
    }) : () -> ()
    %scan3A_39 = arith.constant 0 : i32
    %scan3A_40 = arith.constant 160 : i32
    %scan3A_41 = arith.addi %scan3A_39, %scan3A_40 : i32
    %scan3A_42 = arith.constant 1 : i32
    %scan3A_43:4 = scf.for %scan3A_80 = %scan3A_39 to %scan3A_41 step %scan3A_42 iter_args(%scan3A_81 = %scan3A_29#0, %scan3A_82 = %scan3A_29#1, %scan3A_83 = %scan3A_29#2, %scan3A_84 = %scan3A_29#3) -> (vector<16xi32>, vector<16xi32>, vector<16xi32>, vector<16xi32>)  : i32 {
      %mul3A_85 = arith.constant 16 : i32
      %mul3A_86 = arith.muli %scan3A_80, %mul3A_85 : i32
      %get3A = arith.index_cast %mul3A_86 : i32 to index
      %get3A_87 = tpu.vector_load %arg8[%get3A] {strides = array<i32>} : memref<2560xi32, #tpu.memory_space<vmem>>, vector<16xi32>,
      %mul3A_88 = arith.constant 16 : i32
      %mul3A_89 = arith.muli %scan3A_80, %mul3A_88 : i32
      %get3A_90 = arith.index_cast %mul3A_89 : i32 to index
      %get3A_91 = tpu.vector_load %arg7[%get3A_90] {strides = array<i32>} : memref<2560xi32, #tpu.memory_space<vmem>>, vector<16xi32>,
      %broadcast_in_dim3A_92 = arith.constant true
      %broadcast_in_dim3A_93 = vector.broadcast %broadcast_in_dim3A_92 : i1 to vector<16xi1>
      %unique3A, %unique3A_94 = tpu.scan_count mask(%broadcast_in_dim3A_93 : vector<16xi1>) value(%get3A_87 : vector<16xi32>) : vector<16xi1>, vector<16xi32>
      %convert_element_type3A = arith.sitofp %unique3A_94 : vector<16xi32> to vector<16xf32>
      tpu.vector_store_idx %arg17[%get3A_87], %convert_element_type3A masked %unique3A {add = true} : memref<10240xf32, #tpu.memory_space<vmem>>[vector<16xi32>], vector<16xf32>, vector<16xi1>
      %shift_right_arithmetic3A = arith.constant 9 : i32
      %shift_right_arithmetic3A_95 = vector.broadcast %shift_right_arithmetic3A : i32 to vector<16xi32>
      %shift_right_arithmetic3A_96 = arith.shrsi %get3A_87, %shift_right_arithmetic3A_95 : vector<16xi32>
      %mul3A_97 = arith.constant 3277 : i32
      %mul3A_98 = vector.broadcast %mul3A_97 : i32 to vector<16xi32>
      %mul3A_99 = arith.muli %shift_right_arithmetic3A_96, %mul3A_98 : vector<16xi32>
      %shift_right_arithmetic3A_100 = arith.constant 14 : i32
      %shift_right_arithmetic3A_101 = vector.broadcast %shift_right_arithmetic3A_100 : i32 to vector<16xi32>
      %shift_right_arithmetic3A_102 = arith.shrsi %mul3A_99, %shift_right_arithmetic3A_101 : vector<16xi32>
      %mul3A_103 = arith.constant 2560 : i32
      %mul3A_104 = vector.broadcast %mul3A_103 : i32 to vector<16xi32>
      %mul3A_105 = arith.muli %shift_right_arithmetic3A_102, %mul3A_104 : vector<16xi32>
      %sub3A = arith.subi %get3A_87, %mul3A_105 : vector<16xi32>
      %eq3A = arith.constant 0 : i32
      %eq3A_106 = vector.broadcast %eq3A : i32 to vector<16xi32>
      %eq3A_107 = arith.cmpi eq, %shift_right_arithmetic3A_102, %eq3A_106 : vector<16xi32>
      %convert_element_type3A_108 = arith.extui %eq3A_107 : vector<16xi1> to vector<16xi32>
      %broadcast_in_dim3A_109 = arith.constant true
      %broadcast_in_dim3A_110 = vector.broadcast %broadcast_in_dim3A_109 : i1 to vector<16xi1>
      %masked_cumsum3A = tpu.scan <sum>, %convert_element_type3A_108 masked %broadcast_in_dim3A_110 : vector<16xi32>, vector<16xi1> -> vector<16xi32>
      %add3A_111 = arith.addi %scan3A_81, %masked_cumsum3A : vector<16xi32>
      %sub3A_112 = arith.constant 1 : i32
      %sub3A_113 = vector.broadcast %sub3A_112 : i32 to vector<16xi32>
      %sub3A_114 = arith.subi %add3A_111, %sub3A_113 : vector<16xi32>
      tpu.vector_store_idx %arg9[%sub3A_114], %get3A_91 masked %eq3A_107 : memref<2816xi32, #tpu.memory_space<vmem>>[vector<16xi32>], vector<16xi32>, vector<16xi1>
      tpu.vector_store_idx %arg13[%sub3A_114], %sub3A masked %eq3A_107 : memref<2816xi32, #tpu.memory_space<vmem>>[vector<16xi32>], vector<16xi32>, vector<16xi1>
      %all_reduce_population_count3A = tpu.all_reduce %eq3A_107 {dim = 0 : i64, kind = #tpu.reduction_kind<sum>} : vector<16xi1> -> vector<16xi32>
      %add3A_115 = arith.addi %scan3A_81, %all_reduce_population_count3A : vector<16xi32>
      %eq3A_116 = arith.constant 1 : i32
      %eq3A_117 = vector.broadcast %eq3A_116 : i32 to vector<16xi32>
      %eq3A_118 = arith.cmpi eq, %shift_right_arithmetic3A_102, %eq3A_117 : vector<16xi32>
      %convert_element_type3A_119 = arith.extui %eq3A_118 : vector<16xi1> to vector<16xi32>
      %broadcast_in_dim3A_120 = arith.constant true
      %broadcast_in_dim3A_121 = vector.broadcast %broadcast_in_dim3A_120 : i1 to vector<16xi1>
      %masked_cumsum3A_122 = tpu.scan <sum>, %convert_element_type3A_119 masked %broadcast_in_dim3A_121 : vector<16xi32>, vector<16xi1> -> vector<16xi32>
      %add3A_123 = arith.addi %scan3A_82, %masked_cumsum3A_122 : vector<16xi32>
      %sub3A_124 = arith.constant 1 : i32
      %sub3A_125 = vector.broadcast %sub3A_124 : i32 to vector<16xi32>
      %sub3A_126 = arith.subi %add3A_123, %sub3A_125 : vector<16xi32>
      tpu.vector_store_idx %arg10[%sub3A_126], %get3A_91 masked %eq3A_118 : memref<2816xi32, #tpu.memory_space<vmem>>[vector<16xi32>], vector<16xi32>, vector<16xi1>
      tpu.vector_store_idx %arg14[%sub3A_126], %sub3A masked %eq3A_118 : memref<2816xi32, #tpu.memory_space<vmem>>[vector<16xi32>], vector<16xi32>, vector<16xi1>
      %all_reduce_population_count3A_127 = tpu.all_reduce %eq3A_118 {dim = 0 : i64, kind = #tpu.reduction_kind<sum>} : vector<16xi1> -> vector<16xi32>
      %add3A_128 = arith.addi %scan3A_82, %all_reduce_population_count3A_127 : vector<16xi32>
      %eq3A_129 = arith.constant 2 : i32
      %eq3A_130 = vector.broadcast %eq3A_129 : i32 to vector<16xi32>
      %eq3A_131 = arith.cmpi eq, %shift_right_arithmetic3A_102, %eq3A_130 : vector<16xi32>
      %convert_element_type3A_132 = arith.extui %eq3A_131 : vector<16xi1> to vector<16xi32>
      %broadcast_in_dim3A_133 = arith.constant true
      %broadcast_in_dim3A_134 = vector.broadcast %broadcast_in_dim3A_133 : i1 to vector<16xi1>
      %masked_cumsum3A_135 = tpu.scan <sum>, %convert_element_type3A_132 masked %broadcast_in_dim3A_134 : vector<16xi32>, vector<16xi1> -> vector<16xi32>
      %add3A_136 = arith.addi %scan3A_83, %masked_cumsum3A_135 : vector<16xi32>
      %sub3A_137 = arith.constant 1 : i32
      %sub3A_138 = vector.broadcast %sub3A_137 : i32 to vector<16xi32>
      %sub3A_139 = arith.subi %add3A_136, %sub3A_138 : vector<16xi32>
      tpu.vector_store_idx %arg11[%sub3A_139], %get3A_91 masked %eq3A_131 : memref<2816xi32, #tpu.memory_space<vmem>>[vector<16xi32>], vector<16xi32>, vector<16xi1>
      tpu.vector_store_idx %arg15[%sub3A_139], %sub3A masked %eq3A_131 : memref<2816xi32, #tpu.memory_space<vmem>>[vector<16xi32>], vector<16xi32>, vector<16xi1>
      %all_reduce_population_count3A_140 = tpu.all_reduce %eq3A_131 {dim = 0 : i64, kind = #tpu.reduction_kind<sum>} : vector<16xi1> -> vector<16xi32>
      %add3A_141 = arith.addi %scan3A_83, %all_reduce_population_count3A_140 : vector<16xi32>
      %eq3A_142 = arith.constant 3 : i32
      %eq3A_143 = vector.broadcast %eq3A_142 : i32 to vector<16xi32>
      %eq3A_144 = arith.cmpi eq, %shift_right_arithmetic3A_102, %eq3A_143 : vector<16xi32>
      %convert_element_type3A_145 = arith.extui %eq3A_144 : vector<16xi1> to vector<16xi32>
      %broadcast_in_dim3A_146 = arith.constant true
      %broadcast_in_dim3A_147 = vector.broadcast %broadcast_in_dim3A_146 : i1 to vector<16xi1>
      %masked_cumsum3A_148 = tpu.scan <sum>, %convert_element_type3A_145 masked %broadcast_in_dim3A_147 : vector<16xi32>, vector<16xi1> -> vector<16xi32>
      %add3A_149 = arith.addi %scan3A_84, %masked_cumsum3A_148 : vector<16xi32>
      %sub3A_150 = arith.constant 1 : i32
      %sub3A_151 = vector.broadcast %sub3A_150 : i32 to vector<16xi32>
      %sub3A_152 = arith.subi %add3A_149, %sub3A_151 : vector<16xi32>
      tpu.vector_store_idx %arg12[%sub3A_152], %get3A_91 masked %eq3A_144 : memref<2816xi32, #tpu.memory_space<vmem>>[vector<16xi32>], vector<16xi32>, vector<16xi1>
      tpu.vector_store_idx %arg16[%sub3A_152], %sub3A masked %eq3A_144 : memref<2816xi32, #tpu.memory_space<vmem>>[vector<16xi32>], vector<16xi32>, vector<16xi1>
      %all_reduce_population_count3A_153 = tpu.all_reduce %eq3A_144 {dim = 0 : i64, kind = #tpu.reduction_kind<sum>} : vector<16xi1> -> vector<16xi32>
      %add3A_154 = arith.addi %scan3A_84, %all_reduce_population_count3A_153 : vector<16xi32>
      scf.yield %add3A_115, %add3A_128, %add3A_141, %add3A_154 : vector<16xi32>, vector<16xi32>, vector<16xi32>, vector<16xi32>
    }
    %scan3A_44 = arith.constant 160 : i32
    %mul3A_45 = arith.constant 10000 : i32
    %mul3A_46 = arith.muli %add3A, %mul3A_45 : i32
    %add3A_47 = arith.constant 5120 : i32
    %add3A_48 = arith.addi %mul3A_46, %add3A_47 : i32
    "tpu.region"() ({
      %run_scoped3A_80 = tpu.sem_alloc : memref<!tpu.dma_semaphore, #tpu.memory_space<semaphore_mem>>
      %dma_start3A = arith.constant 0 : i32
      %dma_start3A_81 = tpu.memref_slice %arg7[%dma_start3A] : memref<2560xi32, #tpu.memory_space<vmem>> -> memref<2560xi32, #tpu.memory_space<vmem>>
      %dma_start3A_82 = tpu.memref_slice %arg2[%add3A_48] : memref<320000xi32, #tpu.memory_space<hbm>> -> memref<2560xi32, #tpu.memory_space<hbm>>
      %dma_start3A_83 = arith.constant 0 : i32
      %dma_start3A_84 = tpu.memref_slice %arg7[%dma_start3A_83] : memref<2560xi32, #tpu.memory_space<vmem>> -> memref<2560xi32, #tpu.memory_space<vmem>>
      %dma_start3A_85 = tpu.memref_slice %arg2[%add3A_48] : memref<320000xi32, #tpu.memory_space<hbm>> -> memref<2560xi32, #tpu.memory_space<hbm>>
      tpu.enqueue_dma source(%dma_start3A_85 : memref<2560xi32, #tpu.memory_space<hbm>>) target(%dma_start3A_84 : memref<2560xi32, #tpu.memory_space<vmem>>) target_semaphore(%run_scoped3A_80 : memref<!tpu.dma_semaphore, #tpu.memory_space<semaphore_mem>>)
      %dma_wait3A = arith.constant 0 : i32
      %dma_wait3A_86 = tpu.memref_slice %arg7[%dma_wait3A] : memref<2560xi32, #tpu.memory_space<vmem>> -> memref<2560xi32, #tpu.memory_space<vmem>>
      %dma_wait3A_87 = tpu.memref_slice %arg2[%add3A_48] : memref<320000xi32, #tpu.memory_space<hbm>> -> memref<2560xi32, #tpu.memory_space<hbm>>
      %dma_wait3A_88 = arith.constant 0 : i32
      %dma_wait3A_89 = tpu.memref_slice %arg7[%dma_wait3A_88] : memref<2560xi32, #tpu.memory_space<vmem>> -> memref<2560xi32, #tpu.memory_space<vmem>>
      %dma_wait3A_90 = tpu.memref_slice %arg2[%add3A_48] : memref<320000xi32, #tpu.memory_space<hbm>> -> memref<2560xi32, #tpu.memory_space<hbm>>
      tpu.wait_dma2 semaphore(%run_scoped3A_80 : memref<!tpu.dma_semaphore, #tpu.memory_space<semaphore_mem>>) src(%dma_wait3A_90 : memref<2560xi32, #tpu.memory_space<hbm>>) dst(%dma_wait3A_89 : memref<2560xi32, #tpu.memory_space<vmem>>)
      tpu.yield
    }) : () -> ()
    %mul3A_49 = arith.constant 10000 : i32
    %mul3A_50 = arith.muli %add3A, %mul3A_49 : i32
    %add3A_51 = arith.constant 5120 : i32
    %add3A_52 = arith.addi %mul3A_50, %add3A_51 : i32
    "tpu.region"() ({
      %run_scoped3A_80 = tpu.sem_alloc : memref<!tpu.dma_semaphore, #tpu.memory_space<semaphore_mem>>
      %dma_start3A = arith.constant 0 : i32
      %dma_start3A_81 = tpu.memref_slice %arg8[%dma_start3A] : memref<2560xi32, #tpu.memory_space<vmem>> -> memref<2560xi32, #tpu.memory_space<vmem>>
      %dma_start3A_82 = tpu.memref_slice %arg3[%add3A_52] : memref<320000xi32, #tpu.memory_space<hbm>> -> memref<2560xi32, #tpu.memory_space<hbm>>
      %dma_start3A_83 = arith.constant 0 : i32
      %dma_start3A_84 = tpu.memref_slice %arg8[%dma_start3A_83] : memref<2560xi32, #tpu.memory_space<vmem>> -> memref<2560xi32, #tpu.memory_space<vmem>>
      %dma_start3A_85 = tpu.memref_slice %arg3[%add3A_52] : memref<320000xi32, #tpu.memory_space<hbm>> -> memref<2560xi32, #tpu.memory_space<hbm>>
      tpu.enqueue_dma source(%dma_start3A_85 : memref<2560xi32, #tpu.memory_space<hbm>>) target(%dma_start3A_84 : memref<2560xi32, #tpu.memory_space<vmem>>) target_semaphore(%run_scoped3A_80 : memref<!tpu.dma_semaphore, #tpu.memory_space<semaphore_mem>>)
      %dma_wait3A = arith.constant 0 : i32
      %dma_wait3A_86 = tpu.memref_slice %arg8[%dma_wait3A] : memref<2560xi32, #tpu.memory_space<vmem>> -> memref<2560xi32, #tpu.memory_space<vmem>>
      %dma_wait3A_87 = tpu.memref_slice %arg3[%add3A_52] : memref<320000xi32, #tpu.memory_space<hbm>> -> memref<2560xi32, #tpu.memory_space<hbm>>
      %dma_wait3A_88 = arith.constant 0 : i32
      %dma_wait3A_89 = tpu.memref_slice %arg8[%dma_wait3A_88] : memref<2560xi32, #tpu.memory_space<vmem>> -> memref<2560xi32, #tpu.memory_space<vmem>>
      %dma_wait3A_90 = tpu.memref_slice %arg3[%add3A_52] : memref<320000xi32, #tpu.memory_space<hbm>> -> memref<2560xi32, #tpu.memory_space<hbm>>
      tpu.wait_dma2 semaphore(%run_scoped3A_80 : memref<!tpu.dma_semaphore, #tpu.memory_space<semaphore_mem>>) src(%dma_wait3A_90 : memref<2560xi32, #tpu.memory_space<hbm>>) dst(%dma_wait3A_89 : memref<2560xi32, #tpu.memory_space<vmem>>)
      tpu.yield
    }) : () -> ()
    %scan3A_53 = arith.constant 0 : i32
    %scan3A_54 = arith.constant 160 : i32
    %scan3A_55 = arith.addi %scan3A_53, %scan3A_54 : i32
    %scan3A_56 = arith.constant 1 : i32
    %scan3A_57:4 = scf.for %scan3A_80 = %scan3A_53 to %scan3A_55 step %scan3A_56 iter_args(%scan3A_81 = %scan3A_43#0, %scan3A_82 = %scan3A_43#1, %scan3A_83 = %scan3A_43#2, %scan3A_84 = %scan3A_43#3) -> (vector<16xi32>, vector<16xi32>, vector<16xi32>, vector<16xi32>)  : i32 {
      %mul3A_85 = arith.constant 16 : i32
      %mul3A_86 = arith.muli %scan3A_80, %mul3A_85 : i32
      %get3A = arith.index_cast %mul3A_86 : i32 to index
      %get3A_87 = tpu.vector_load %arg8[%get3A] {strides = array<i32>} : memref<2560xi32, #tpu.memory_space<vmem>>, vector<16xi32>,
      %mul3A_88 = arith.constant 16 : i32
      %mul3A_89 = arith.muli %scan3A_80, %mul3A_88 : i32
      %get3A_90 = arith.index_cast %mul3A_89 : i32 to index
      %get3A_91 = tpu.vector_load %arg7[%get3A_90] {strides = array<i32>} : memref<2560xi32, #tpu.memory_space<vmem>>, vector<16xi32>,
      %broadcast_in_dim3A_92 = arith.constant true
      %broadcast_in_dim3A_93 = vector.broadcast %broadcast_in_dim3A_92 : i1 to vector<16xi1>
      %unique3A, %unique3A_94 = tpu.scan_count mask(%broadcast_in_dim3A_93 : vector<16xi1>) value(%get3A_87 : vector<16xi32>) : vector<16xi1>, vector<16xi32>
      %convert_element_type3A = arith.sitofp %unique3A_94 : vector<16xi32> to vector<16xf32>
      tpu.vector_store_idx %arg17[%get3A_87], %convert_element_type3A masked %unique3A {add = true} : memref<10240xf32, #tpu.memory_space<vmem>>[vector<16xi32>], vector<16xf32>, vector<16xi1>
      %shift_right_arithmetic3A = arith.constant 9 : i32
      %shift_right_arithmetic3A_95 = vector.broadcast %shift_right_arithmetic3A : i32 to vector<16xi32>
      %shift_right_arithmetic3A_96 = arith.shrsi %get3A_87, %shift_right_arithmetic3A_95 : vector<16xi32>
      %mul3A_97 = arith.constant 3277 : i32
      %mul3A_98 = vector.broadcast %mul3A_97 : i32 to vector<16xi32>
      %mul3A_99 = arith.muli %shift_right_arithmetic3A_96, %mul3A_98 : vector<16xi32>
      %shift_right_arithmetic3A_100 = arith.constant 14 : i32
      %shift_right_arithmetic3A_101 = vector.broadcast %shift_right_arithmetic3A_100 : i32 to vector<16xi32>
      %shift_right_arithmetic3A_102 = arith.shrsi %mul3A_99, %shift_right_arithmetic3A_101 : vector<16xi32>
      %mul3A_103 = arith.constant 2560 : i32
      %mul3A_104 = vector.broadcast %mul3A_103 : i32 to vector<16xi32>
      %mul3A_105 = arith.muli %shift_right_arithmetic3A_102, %mul3A_104 : vector<16xi32>
      %sub3A = arith.subi %get3A_87, %mul3A_105 : vector<16xi32>
      %eq3A = arith.constant 0 : i32
      %eq3A_106 = vector.broadcast %eq3A : i32 to vector<16xi32>
      %eq3A_107 = arith.cmpi eq, %shift_right_arithmetic3A_102, %eq3A_106 : vector<16xi32>
      %convert_element_type3A_108 = arith.extui %eq3A_107 : vector<16xi1> to vector<16xi32>
      %broadcast_in_dim3A_109 = arith.constant true
      %broadcast_in_dim3A_110 = vector.broadcast %broadcast_in_dim3A_109 : i1 to vector<16xi1>
      %masked_cumsum3A = tpu.scan <sum>, %convert_element_type3A_108 masked %broadcast_in_dim3A_110 : vector<16xi32>, vector<16xi1> -> vector<16xi32>
      %add3A_111 = arith.addi %scan3A_81, %masked_cumsum3A : vector<16xi32>
      %sub3A_112 = arith.constant 1 : i32
      %sub3A_113 = vector.broadcast %sub3A_112 : i32 to vector<16xi32>
      %sub3A_114 = arith.subi %add3A_111, %sub3A_113 : vector<16xi32>
      tpu.vector_store_idx %arg9[%sub3A_114], %get3A_91 masked %eq3A_107 : memref<2816xi32, #tpu.memory_space<vmem>>[vector<16xi32>], vector<16xi32>, vector<16xi1>
      tpu.vector_store_idx %arg13[%sub3A_114], %sub3A masked %eq3A_107 : memref<2816xi32, #tpu.memory_space<vmem>>[vector<16xi32>], vector<16xi32>, vector<16xi1>
      %all_reduce_population_count3A = tpu.all_reduce %eq3A_107 {dim = 0 : i64, kind = #tpu.reduction_kind<sum>} : vector<16xi1> -> vector<16xi32>
      %add3A_115 = arith.addi %scan3A_81, %all_reduce_population_count3A : vector<16xi32>
      %eq3A_116 = arith.constant 1 : i32
      %eq3A_117 = vector.broadcast %eq3A_116 : i32 to vector<16xi32>
      %eq3A_118 = arith.cmpi eq, %shift_right_arithmetic3A_102, %eq3A_117 : vector<16xi32>
      %convert_element_type3A_119 = arith.extui %eq3A_118 : vector<16xi1> to vector<16xi32>
      %broadcast_in_dim3A_120 = arith.constant true
      %broadcast_in_dim3A_121 = vector.broadcast %broadcast_in_dim3A_120 : i1 to vector<16xi1>
      %masked_cumsum3A_122 = tpu.scan <sum>, %convert_element_type3A_119 masked %broadcast_in_dim3A_121 : vector<16xi32>, vector<16xi1> -> vector<16xi32>
      %add3A_123 = arith.addi %scan3A_82, %masked_cumsum3A_122 : vector<16xi32>
      %sub3A_124 = arith.constant 1 : i32
      %sub3A_125 = vector.broadcast %sub3A_124 : i32 to vector<16xi32>
      %sub3A_126 = arith.subi %add3A_123, %sub3A_125 : vector<16xi32>
      tpu.vector_store_idx %arg10[%sub3A_126], %get3A_91 masked %eq3A_118 : memref<2816xi32, #tpu.memory_space<vmem>>[vector<16xi32>], vector<16xi32>, vector<16xi1>
      tpu.vector_store_idx %arg14[%sub3A_126], %sub3A masked %eq3A_118 : memref<2816xi32, #tpu.memory_space<vmem>>[vector<16xi32>], vector<16xi32>, vector<16xi1>
      %all_reduce_population_count3A_127 = tpu.all_reduce %eq3A_118 {dim = 0 : i64, kind = #tpu.reduction_kind<sum>} : vector<16xi1> -> vector<16xi32>
      %add3A_128 = arith.addi %scan3A_82, %all_reduce_population_count3A_127 : vector<16xi32>
      %eq3A_129 = arith.constant 2 : i32
      %eq3A_130 = vector.broadcast %eq3A_129 : i32 to vector<16xi32>
      %eq3A_131 = arith.cmpi eq, %shift_right_arithmetic3A_102, %eq3A_130 : vector<16xi32>
      %convert_element_type3A_132 = arith.extui %eq3A_131 : vector<16xi1> to vector<16xi32>
      %broadcast_in_dim3A_133 = arith.constant true
      %broadcast_in_dim3A_134 = vector.broadcast %broadcast_in_dim3A_133 : i1 to vector<16xi1>
      %masked_cumsum3A_135 = tpu.scan <sum>, %convert_element_type3A_132 masked %broadcast_in_dim3A_134 : vector<16xi32>, vector<16xi1> -> vector<16xi32>
      %add3A_136 = arith.addi %scan3A_83, %masked_cumsum3A_135 : vector<16xi32>
      %sub3A_137 = arith.constant 1 : i32
      %sub3A_138 = vector.broadcast %sub3A_137 : i32 to vector<16xi32>
      %sub3A_139 = arith.subi %add3A_136, %sub3A_138 : vector<16xi32>
      tpu.vector_store_idx %arg11[%sub3A_139], %get3A_91 masked %eq3A_131 : memref<2816xi32, #tpu.memory_space<vmem>>[vector<16xi32>], vector<16xi32>, vector<16xi1>
      tpu.vector_store_idx %arg15[%sub3A_139], %sub3A masked %eq3A_131 : memref<2816xi32, #tpu.memory_space<vmem>>[vector<16xi32>], vector<16xi32>, vector<16xi1>
      %all_reduce_population_count3A_140 = tpu.all_reduce %eq3A_131 {dim = 0 : i64, kind = #tpu.reduction_kind<sum>} : vector<16xi1> -> vector<16xi32>
      %add3A_141 = arith.addi %scan3A_83, %all_reduce_population_count3A_140 : vector<16xi32>
      %eq3A_142 = arith.constant 3 : i32
      %eq3A_143 = vector.broadcast %eq3A_142 : i32 to vector<16xi32>
      %eq3A_144 = arith.cmpi eq, %shift_right_arithmetic3A_102, %eq3A_143 : vector<16xi32>
      %convert_element_type3A_145 = arith.extui %eq3A_144 : vector<16xi1> to vector<16xi32>
      %broadcast_in_dim3A_146 = arith.constant true
      %broadcast_in_dim3A_147 = vector.broadcast %broadcast_in_dim3A_146 : i1 to vector<16xi1>
      %masked_cumsum3A_148 = tpu.scan <sum>, %convert_element_type3A_145 masked %broadcast_in_dim3A_147 : vector<16xi32>, vector<16xi1> -> vector<16xi32>
      %add3A_149 = arith.addi %scan3A_84, %masked_cumsum3A_148 : vector<16xi32>
      %sub3A_150 = arith.constant 1 : i32
      %sub3A_151 = vector.broadcast %sub3A_150 : i32 to vector<16xi32>
      %sub3A_152 = arith.subi %add3A_149, %sub3A_151 : vector<16xi32>
      tpu.vector_store_idx %arg12[%sub3A_152], %get3A_91 masked %eq3A_144 : memref<2816xi32, #tpu.memory_space<vmem>>[vector<16xi32>], vector<16xi32>, vector<16xi1>
      tpu.vector_store_idx %arg16[%sub3A_152], %sub3A masked %eq3A_144 : memref<2816xi32, #tpu.memory_space<vmem>>[vector<16xi32>], vector<16xi32>, vector<16xi1>
      %all_reduce_population_count3A_153 = tpu.all_reduce %eq3A_144 {dim = 0 : i64, kind = #tpu.reduction_kind<sum>} : vector<16xi1> -> vector<16xi32>
      %add3A_154 = arith.addi %scan3A_84, %all_reduce_population_count3A_153 : vector<16xi32>
      scf.yield %add3A_115, %add3A_128, %add3A_141, %add3A_154 : vector<16xi32>, vector<16xi32>, vector<16xi32>, vector<16xi32>
    }
    %scan3A_58 = arith.constant 160 : i32
    %mul3A_59 = arith.constant 10000 : i32
    %mul3A_60 = arith.muli %add3A, %mul3A_59 : i32
    %add3A_61 = arith.constant 7680 : i32
    %add3A_62 = arith.addi %mul3A_60, %add3A_61 : i32
    "tpu.region"() ({
      %run_scoped3A_80 = tpu.sem_alloc : memref<!tpu.dma_semaphore, #tpu.memory_space<semaphore_mem>>
      %dma_start3A = arith.constant 0 : i32
      %dma_start3A_81 = tpu.memref_slice %arg7[%dma_start3A] : memref<2560xi32, #tpu.memory_space<vmem>> -> memref<2320xi32, #tpu.memory_space<vmem>>
      %dma_start3A_82 = tpu.memref_slice %arg2[%add3A_62] : memref<320000xi32, #tpu.memory_space<hbm>> -> memref<2320xi32, #tpu.memory_space<hbm>>
      %dma_start3A_83 = arith.constant 0 : i32
      %dma_start3A_84 = tpu.memref_slice %arg7[%dma_start3A_83] : memref<2560xi32, #tpu.memory_space<vmem>> -> memref<2320xi32, #tpu.memory_space<vmem>>
      %dma_start3A_85 = tpu.memref_slice %arg2[%add3A_62] : memref<320000xi32, #tpu.memory_space<hbm>> -> memref<2320xi32, #tpu.memory_space<hbm>>
      tpu.enqueue_dma source(%dma_start3A_85 : memref<2320xi32, #tpu.memory_space<hbm>>) target(%dma_start3A_84 : memref<2320xi32, #tpu.memory_space<vmem>>) target_semaphore(%run_scoped3A_80 : memref<!tpu.dma_semaphore, #tpu.memory_space<semaphore_mem>>)
      %dma_wait3A = arith.constant 0 : i32
      %dma_wait3A_86 = tpu.memref_slice %arg7[%dma_wait3A] : memref<2560xi32, #tpu.memory_space<vmem>> -> memref<2320xi32, #tpu.memory_space<vmem>>
      %dma_wait3A_87 = tpu.memref_slice %arg2[%add3A_62] : memref<320000xi32, #tpu.memory_space<hbm>> -> memref<2320xi32, #tpu.memory_space<hbm>>
      %dma_wait3A_88 = arith.constant 0 : i32
      %dma_wait3A_89 = tpu.memref_slice %arg7[%dma_wait3A_88] : memref<2560xi32, #tpu.memory_space<vmem>> -> memref<2320xi32, #tpu.memory_space<vmem>>
      %dma_wait3A_90 = tpu.memref_slice %arg2[%add3A_62] : memref<320000xi32, #tpu.memory_space<hbm>> -> memref<2320xi32, #tpu.memory_space<hbm>>
      tpu.wait_dma2 semaphore(%run_scoped3A_80 : memref<!tpu.dma_semaphore, #tpu.memory_space<semaphore_mem>>) src(%dma_wait3A_90 : memref<2320xi32, #tpu.memory_space<hbm>>) dst(%dma_wait3A_89 : memref<2320xi32, #tpu.memory_space<vmem>>)
      tpu.yield
    }) : () -> ()
    %mul3A_63 = arith.constant 10000 : i32
    %mul3A_64 = arith.muli %add3A, %mul3A_63 : i32
    %add3A_65 = arith.constant 7680 : i32
    %add3A_66 = arith.addi %mul3A_64, %add3A_65 : i32
    "tpu.region"() ({
      %run_scoped3A_80 = tpu.sem_alloc : memref<!tpu.dma_semaphore, #tpu.memory_space<semaphore_mem>>
      %dma_start3A = arith.constant 0 : i32
      %dma_start3A_81 = tpu.memref_slice %arg8[%dma_start3A] : memref<2560xi32, #tpu.memory_space<vmem>> -> memref<2320xi32, #tpu.memory_space<vmem>>
      %dma_start3A_82 = tpu.memref_slice %arg3[%add3A_66] : memref<320000xi32, #tpu.memory_space<hbm>> -> memref<2320xi32, #tpu.memory_space<hbm>>
      %dma_start3A_83 = arith.constant 0 : i32
      %dma_start3A_84 = tpu.memref_slice %arg8[%dma_start3A_83] : memref<2560xi32, #tpu.memory_space<vmem>> -> memref<2320xi32, #tpu.memory_space<vmem>>
      %dma_start3A_85 = tpu.memref_slice %arg3[%add3A_66] : memref<320000xi32, #tpu.memory_space<hbm>> -> memref<2320xi32, #tpu.memory_space<hbm>>
      tpu.enqueue_dma source(%dma_start3A_85 : memref<2320xi32, #tpu.memory_space<hbm>>) target(%dma_start3A_84 : memref<2320xi32, #tpu.memory_space<vmem>>) target_semaphore(%run_scoped3A_80 : memref<!tpu.dma_semaphore, #tpu.memory_space<semaphore_mem>>)
      %dma_wait3A = arith.constant 0 : i32
      %dma_wait3A_86 = tpu.memref_slice %arg8[%dma_wait3A] : memref<2560xi32, #tpu.memory_space<vmem>> -> memref<2320xi32, #tpu.memory_space<vmem>>
      %dma_wait3A_87 = tpu.memref_slice %arg3[%add3A_66] : memref<320000xi32, #tpu.memory_space<hbm>> -> memref<2320xi32, #tpu.memory_space<hbm>>
      %dma_wait3A_88 = arith.constant 0 : i32
      %dma_wait3A_89 = tpu.memref_slice %arg8[%dma_wait3A_88] : memref<2560xi32, #tpu.memory_space<vmem>> -> memref<2320xi32, #tpu.memory_space<vmem>>
      %dma_wait3A_90 = tpu.memref_slice %arg3[%add3A_66] : memref<320000xi32, #tpu.memory_space<hbm>> -> memref<2320xi32, #tpu.memory_space<hbm>>
      tpu.wait_dma2 semaphore(%run_scoped3A_80 : memref<!tpu.dma_semaphore, #tpu.memory_space<semaphore_mem>>) src(%dma_wait3A_90 : memref<2320xi32, #tpu.memory_space<hbm>>) dst(%dma_wait3A_89 : memref<2320xi32, #tpu.memory_space<vmem>>)
      tpu.yield
    }) : () -> ()
    %scan3A_67 = arith.constant 0 : i32
    %scan3A_68 = arith.constant 145 : i32
    %scan3A_69 = arith.addi %scan3A_67, %scan3A_68 : i32
    %scan3A_70 = arith.constant 1 : i32
    %scan3A_71:4 = scf.for %scan3A_80 = %scan3A_67 to %scan3A_69 step %scan3A_70 iter_args(%scan3A_81 = %scan3A_57#0, %scan3A_82 = %scan3A_57#1, %scan3A_83 = %scan3A_57#2, %scan3A_84 = %scan3A_57#3) -> (vector<16xi32>, vector<16xi32>, vector<16xi32>, vector<16xi32>)  : i32 {
      %mul3A_85 = arith.constant 16 : i32
      %mul3A_86 = arith.muli %scan3A_80, %mul3A_85 : i32
      %get3A = arith.index_cast %mul3A_86 : i32 to index
      %get3A_87 = tpu.vector_load %arg8[%get3A] {strides = array<i32>} : memref<2560xi32, #tpu.memory_space<vmem>>, vector<16xi32>,
      %mul3A_88 = arith.constant 16 : i32
      %mul3A_89 = arith.muli %scan3A_80, %mul3A_88 : i32
      %get3A_90 = arith.index_cast %mul3A_89 : i32 to index
      %get3A_91 = tpu.vector_load %arg7[%get3A_90] {strides = array<i32>} : memref<2560xi32, #tpu.memory_space<vmem>>, vector<16xi32>,
      %broadcast_in_dim3A_92 = arith.constant true
      %broadcast_in_dim3A_93 = vector.broadcast %broadcast_in_dim3A_92 : i1 to vector<16xi1>
      %unique3A, %unique3A_94 = tpu.scan_count mask(%broadcast_in_dim3A_93 : vector<16xi1>) value(%get3A_87 : vector<16xi32>) : vector<16xi1>, vector<16xi32>
      %convert_element_type3A = arith.sitofp %unique3A_94 : vector<16xi32> to vector<16xf32>
      tpu.vector_store_idx %arg17[%get3A_87], %convert_element_type3A masked %unique3A {add = true} : memref<10240xf32, #tpu.memory_space<vmem>>[vector<16xi32>], vector<16xf32>, vector<16xi1>
      %shift_right_arithmetic3A = arith.constant 9 : i32
      %shift_right_arithmetic3A_95 = vector.broadcast %shift_right_arithmetic3A : i32 to vector<16xi32>
      %shift_right_arithmetic3A_96 = arith.shrsi %get3A_87, %shift_right_arithmetic3A_95 : vector<16xi32>
      %mul3A_97 = arith.constant 3277 : i32
      %mul3A_98 = vector.broadcast %mul3A_97 : i32 to vector<16xi32>
      %mul3A_99 = arith.muli %shift_right_arithmetic3A_96, %mul3A_98 : vector<16xi32>
      %shift_right_arithmetic3A_100 = arith.constant 14 : i32
      %shift_right_arithmetic3A_101 = vector.broadcast %shift_right_arithmetic3A_100 : i32 to vector<16xi32>
      %shift_right_arithmetic3A_102 = arith.shrsi %mul3A_99, %shift_right_arithmetic3A_101 : vector<16xi32>
      %mul3A_103 = arith.constant 2560 : i32
      %mul3A_104 = vector.broadcast %mul3A_103 : i32 to vector<16xi32>
      %mul3A_105 = arith.muli %shift_right_arithmetic3A_102, %mul3A_104 : vector<16xi32>
      %sub3A = arith.subi %get3A_87, %mul3A_105 : vector<16xi32>
      %eq3A = arith.constant 0 : i32
      %eq3A_106 = vector.broadcast %eq3A : i32 to vector<16xi32>
      %eq3A_107 = arith.cmpi eq, %shift_right_arithmetic3A_102, %eq3A_106 : vector<16xi32>
      %convert_element_type3A_108 = arith.extui %eq3A_107 : vector<16xi1> to vector<16xi32>
      %broadcast_in_dim3A_109 = arith.constant true
      %broadcast_in_dim3A_110 = vector.broadcast %broadcast_in_dim3A_109 : i1 to vector<16xi1>
      %masked_cumsum3A = tpu.scan <sum>, %convert_element_type3A_108 masked %broadcast_in_dim3A_110 : vector<16xi32>, vector<16xi1> -> vector<16xi32>
      %add3A_111 = arith.addi %scan3A_81, %masked_cumsum3A : vector<16xi32>
      %sub3A_112 = arith.constant 1 : i32
      %sub3A_113 = vector.broadcast %sub3A_112 : i32 to vector<16xi32>
      %sub3A_114 = arith.subi %add3A_111, %sub3A_113 : vector<16xi32>
      tpu.vector_store_idx %arg9[%sub3A_114], %get3A_91 masked %eq3A_107 : memref<2816xi32, #tpu.memory_space<vmem>>[vector<16xi32>], vector<16xi32>, vector<16xi1>
      tpu.vector_store_idx %arg13[%sub3A_114], %sub3A masked %eq3A_107 : memref<2816xi32, #tpu.memory_space<vmem>>[vector<16xi32>], vector<16xi32>, vector<16xi1>
      %all_reduce_population_count3A = tpu.all_reduce %eq3A_107 {dim = 0 : i64, kind = #tpu.reduction_kind<sum>} : vector<16xi1> -> vector<16xi32>
      %add3A_115 = arith.addi %scan3A_81, %all_reduce_population_count3A : vector<16xi32>
      %eq3A_116 = arith.constant 1 : i32
      %eq3A_117 = vector.broadcast %eq3A_116 : i32 to vector<16xi32>
      %eq3A_118 = arith.cmpi eq, %shift_right_arithmetic3A_102, %eq3A_117 : vector<16xi32>
      %convert_element_type3A_119 = arith.extui %eq3A_118 : vector<16xi1> to vector<16xi32>
      %broadcast_in_dim3A_120 = arith.constant true
      %broadcast_in_dim3A_121 = vector.broadcast %broadcast_in_dim3A_120 : i1 to vector<16xi1>
      %masked_cumsum3A_122 = tpu.scan <sum>, %convert_element_type3A_119 masked %broadcast_in_dim3A_121 : vector<16xi32>, vector<16xi1> -> vector<16xi32>
      %add3A_123 = arith.addi %scan3A_82, %masked_cumsum3A_122 : vector<16xi32>
      %sub3A_124 = arith.constant 1 : i32
      %sub3A_125 = vector.broadcast %sub3A_124 : i32 to vector<16xi32>
      %sub3A_126 = arith.subi %add3A_123, %sub3A_125 : vector<16xi32>
      tpu.vector_store_idx %arg10[%sub3A_126], %get3A_91 masked %eq3A_118 : memref<2816xi32, #tpu.memory_space<vmem>>[vector<16xi32>], vector<16xi32>, vector<16xi1>
      tpu.vector_store_idx %arg14[%sub3A_126], %sub3A masked %eq3A_118 : memref<2816xi32, #tpu.memory_space<vmem>>[vector<16xi32>], vector<16xi32>, vector<16xi1>
      %all_reduce_population_count3A_127 = tpu.all_reduce %eq3A_118 {dim = 0 : i64, kind = #tpu.reduction_kind<sum>} : vector<16xi1> -> vector<16xi32>
      %add3A_128 = arith.addi %scan3A_82, %all_reduce_population_count3A_127 : vector<16xi32>
      %eq3A_129 = arith.constant 2 : i32
      %eq3A_130 = vector.broadcast %eq3A_129 : i32 to vector<16xi32>
      %eq3A_131 = arith.cmpi eq, %shift_right_arithmetic3A_102, %eq3A_130 : vector<16xi32>
      %convert_element_type3A_132 = arith.extui %eq3A_131 : vector<16xi1> to vector<16xi32>
      %broadcast_in_dim3A_133 = arith.constant true
      %broadcast_in_dim3A_134 = vector.broadcast %broadcast_in_dim3A_133 : i1 to vector<16xi1>
      %masked_cumsum3A_135 = tpu.scan <sum>, %convert_element_type3A_132 masked %broadcast_in_dim3A_134 : vector<16xi32>, vector<16xi1> -> vector<16xi32>
      %add3A_136 = arith.addi %scan3A_83, %masked_cumsum3A_135 : vector<16xi32>
      %sub3A_137 = arith.constant 1 : i32
      %sub3A_138 = vector.broadcast %sub3A_137 : i32 to vector<16xi32>
      %sub3A_139 = arith.subi %add3A_136, %sub3A_138 : vector<16xi32>
      tpu.vector_store_idx %arg11[%sub3A_139], %get3A_91 masked %eq3A_131 : memref<2816xi32, #tpu.memory_space<vmem>>[vector<16xi32>], vector<16xi32>, vector<16xi1>
      tpu.vector_store_idx %arg15[%sub3A_139], %sub3A masked %eq3A_131 : memref<2816xi32, #tpu.memory_space<vmem>>[vector<16xi32>], vector<16xi32>, vector<16xi1>
      %all_reduce_population_count3A_140 = tpu.all_reduce %eq3A_131 {dim = 0 : i64, kind = #tpu.reduction_kind<sum>} : vector<16xi1> -> vector<16xi32>
      %add3A_141 = arith.addi %scan3A_83, %all_reduce_population_count3A_140 : vector<16xi32>
      %eq3A_142 = arith.constant 3 : i32
      %eq3A_143 = vector.broadcast %eq3A_142 : i32 to vector<16xi32>
      %eq3A_144 = arith.cmpi eq, %shift_right_arithmetic3A_102, %eq3A_143 : vector<16xi32>
      %convert_element_type3A_145 = arith.extui %eq3A_144 : vector<16xi1> to vector<16xi32>
      %broadcast_in_dim3A_146 = arith.constant true
      %broadcast_in_dim3A_147 = vector.broadcast %broadcast_in_dim3A_146 : i1 to vector<16xi1>
      %masked_cumsum3A_148 = tpu.scan <sum>, %convert_element_type3A_145 masked %broadcast_in_dim3A_147 : vector<16xi32>, vector<16xi1> -> vector<16xi32>
      %add3A_149 = arith.addi %scan3A_84, %masked_cumsum3A_148 : vector<16xi32>
      %sub3A_150 = arith.constant 1 : i32
      %sub3A_151 = vector.broadcast %sub3A_150 : i32 to vector<16xi32>
      %sub3A_152 = arith.subi %add3A_149, %sub3A_151 : vector<16xi32>
      tpu.vector_store_idx %arg12[%sub3A_152], %get3A_91 masked %eq3A_144 : memref<2816xi32, #tpu.memory_space<vmem>>[vector<16xi32>], vector<16xi32>, vector<16xi1>
      tpu.vector_store_idx %arg16[%sub3A_152], %sub3A masked %eq3A_144 : memref<2816xi32, #tpu.memory_space<vmem>>[vector<16xi32>], vector<16xi32>, vector<16xi1>
      %all_reduce_population_count3A_153 = tpu.all_reduce %eq3A_144 {dim = 0 : i64, kind = #tpu.reduction_kind<sum>} : vector<16xi1> -> vector<16xi32>
      %add3A_154 = arith.addi %scan3A_84, %all_reduce_population_count3A_153 : vector<16xi32>
      scf.yield %add3A_115, %add3A_128, %add3A_141, %add3A_154 : vector<16xi32>, vector<16xi32>, vector<16xi32>, vector<16xi32>
    }
    %scan3A_72 = arith.constant 145 : i32
    %run_scoped3A = arith.constant 0 : i32
    "tpu.region"() ({
      %run_scoped3A_80 = tpu.sem_alloc : memref<!tpu.dma_semaphore, #tpu.memory_space<semaphore_mem>>
      %dma_start3A = arith.constant 0 : i32
      %dma_start3A_81 = tpu.memref_slice %arg4[%run_scoped3A, %add3A, %dma_start3A] : memref<4x32x2816xi32, #tpu.memory_space<hbm>> -> memref<1x1x2816xi32, #tpu.memory_space<hbm>>
      %dma_start3A_82 = tpu.memref_squeeze %dma_start3A_81 : memref<1x1x2816xi32, #tpu.memory_space<hbm>> -> memref<2816xi32, #tpu.memory_space<hbm>>
      %dma_start3A_83 = arith.constant 0 : i32
      %dma_start3A_84 = tpu.memref_slice %arg4[%run_scoped3A, %add3A, %dma_start3A_83] : memref<4x32x2816xi32, #tpu.memory_space<hbm>> -> memref<1x1x2816xi32, #tpu.memory_space<hbm>>
      %dma_start3A_85 = tpu.memref_squeeze %dma_start3A_84 : memref<1x1x2816xi32, #tpu.memory_space<hbm>> -> memref<2816xi32, #tpu.memory_space<hbm>>
      tpu.enqueue_dma source(%arg9 : memref<2816xi32, #tpu.memory_space<vmem>>) target(%dma_start3A_85 : memref<2816xi32, #tpu.memory_space<hbm>>) target_semaphore(%run_scoped3A_80 : memref<!tpu.dma_semaphore, #tpu.memory_space<semaphore_mem>>)
      %dma_wait3A = arith.constant 0 : i32
      %dma_wait3A_86 = tpu.memref_slice %arg4[%run_scoped3A, %add3A, %dma_wait3A] : memref<4x32x2816xi32, #tpu.memory_space<hbm>> -> memref<1x1x2816xi32, #tpu.memory_space<hbm>>
      %dma_wait3A_87 = tpu.memref_squeeze %dma_wait3A_86 : memref<1x1x2816xi32, #tpu.memory_space<hbm>> -> memref<2816xi32, #tpu.memory_space<hbm>>
      %dma_wait3A_88 = arith.constant 0 : i32
      %dma_wait3A_89 = tpu.memref_slice %arg4[%run_scoped3A, %add3A, %dma_wait3A_88] : memref<4x32x2816xi32, #tpu.memory_space<hbm>> -> memref<1x1x2816xi32, #tpu.memory_space<hbm>>
      %dma_wait3A_90 = tpu.memref_squeeze %dma_wait3A_89 : memref<1x1x2816xi32, #tpu.memory_space<hbm>> -> memref<2816xi32, #tpu.memory_space<hbm>>
      tpu.wait_dma2 semaphore(%run_scoped3A_80 : memref<!tpu.dma_semaphore, #tpu.memory_space<semaphore_mem>>) src(%arg9 : memref<2816xi32, #tpu.memory_space<vmem>>) dst(%dma_wait3A_90 : memref<2816xi32, #tpu.memory_space<hbm>>)
      tpu.yield
    }) : () -> ()
    %run_scoped3A_73 = arith.constant 0 : i32
    "tpu.region"() ({
      %run_scoped3A_80 = tpu.sem_alloc : memref<!tpu.dma_semaphore, #tpu.memory_space<semaphore_mem>>
      %dma_start3A = arith.constant 0 : i32
      %dma_start3A_81 = tpu.memref_slice %arg5[%run_scoped3A_73, %add3A, %dma_start3A] : memref<4x32x2816xi32, #tpu.memory_space<hbm>> -> memref<1x1x2816xi32, #tpu.memory_space<hbm>>
      %dma_start3A_82 = tpu.memref_squeeze %dma_start3A_81 : memref<1x1x2816xi32, #tpu.memory_space<hbm>> -> memref<2816xi32, #tpu.memory_space<hbm>>
      %dma_start3A_83 = arith.constant 0 : i32
      %dma_start3A_84 = tpu.memref_slice %arg5[%run_scoped3A_73, %add3A, %dma_start3A_83] : memref<4x32x2816xi32, #tpu.memory_space<hbm>> -> memref<1x1x2816xi32, #tpu.memory_space<hbm>>
      %dma_start3A_85 = tpu.memref_squeeze %dma_start3A_84 : memref<1x1x2816xi32, #tpu.memory_space<hbm>> -> memref<2816xi32, #tpu.memory_space<hbm>>
      tpu.enqueue_dma source(%arg13 : memref<2816xi32, #tpu.memory_space<vmem>>) target(%dma_start3A_85 : memref<2816xi32, #tpu.memory_space<hbm>>) target_semaphore(%run_scoped3A_80 : memref<!tpu.dma_semaphore, #tpu.memory_space<semaphore_mem>>)
      %dma_wait3A = arith.constant 0 : i32
      %dma_wait3A_86 = tpu.memref_slice %arg5[%run_scoped3A_73, %add3A, %dma_wait3A] : memref<4x32x2816xi32, #tpu.memory_space<hbm>> -> memref<1x1x2816xi32, #tpu.memory_space<hbm>>
      %dma_wait3A_87 = tpu.memref_squeeze %dma_wait3A_86 : memref<1x1x2816xi32, #tpu.memory_space<hbm>> -> memref<2816xi32, #tpu.memory_space<hbm>>
      %dma_wait3A_88 = arith.constant 0 : i32
      %dma_wait3A_89 = tpu.memref_slice %arg5[%run_scoped3A_73, %add3A, %dma_wait3A_88] : memref<4x32x2816xi32, #tpu.memory_space<hbm>> -> memref<1x1x2816xi32, #tpu.memory_space<hbm>>
      %dma_wait3A_90 = tpu.memref_squeeze %dma_wait3A_89 : memref<1x1x2816xi32, #tpu.memory_space<hbm>> -> memref<2816xi32, #tpu.memory_space<hbm>>
      tpu.wait_dma2 semaphore(%run_scoped3A_80 : memref<!tpu.dma_semaphore, #tpu.memory_space<semaphore_mem>>) src(%arg13 : memref<2816xi32, #tpu.memory_space<vmem>>) dst(%dma_wait3A_90 : memref<2816xi32, #tpu.memory_space<hbm>>)
      tpu.yield
    }) : () -> ()
    %run_scoped3A_74 = arith.constant 1 : i32
    "tpu.region"() ({
      %run_scoped3A_80 = tpu.sem_alloc : memref<!tpu.dma_semaphore, #tpu.memory_space<semaphore_mem>>
      %dma_start3A = arith.constant 0 : i32
      %dma_start3A_81 = tpu.memref_slice %arg4[%run_scoped3A_74, %add3A, %dma_start3A] : memref<4x32x2816xi32, #tpu.memory_space<hbm>> -> memref<1x1x2816xi32, #tpu.memory_space<hbm>>
      %dma_start3A_82 = tpu.memref_squeeze %dma_start3A_81 : memref<1x1x2816xi32, #tpu.memory_space<hbm>> -> memref<2816xi32, #tpu.memory_space<hbm>>
      %dma_start3A_83 = arith.constant 0 : i32
      %dma_start3A_84 = tpu.memref_slice %arg4[%run_scoped3A_74, %add3A, %dma_start3A_83] : memref<4x32x2816xi32, #tpu.memory_space<hbm>> -> memref<1x1x2816xi32, #tpu.memory_space<hbm>>
      %dma_start3A_85 = tpu.memref_squeeze %dma_start3A_84 : memref<1x1x2816xi32, #tpu.memory_space<hbm>> -> memref<2816xi32, #tpu.memory_space<hbm>>
      tpu.enqueue_dma source(%arg10 : memref<2816xi32, #tpu.memory_space<vmem>>) target(%dma_start3A_85 : memref<2816xi32, #tpu.memory_space<hbm>>) target_semaphore(%run_scoped3A_80 : memref<!tpu.dma_semaphore, #tpu.memory_space<semaphore_mem>>)
      %dma_wait3A = arith.constant 0 : i32
      %dma_wait3A_86 = tpu.memref_slice %arg4[%run_scoped3A_74, %add3A, %dma_wait3A] : memref<4x32x2816xi32, #tpu.memory_space<hbm>> -> memref<1x1x2816xi32, #tpu.memory_space<hbm>>
      %dma_wait3A_87 = tpu.memref_squeeze %dma_wait3A_86 : memref<1x1x2816xi32, #tpu.memory_space<hbm>> -> memref<2816xi32, #tpu.memory_space<hbm>>
      %dma_wait3A_88 = arith.constant 0 : i32
      %dma_wait3A_89 = tpu.memref_slice %arg4[%run_scoped3A_74, %add3A, %dma_wait3A_88] : memref<4x32x2816xi32, #tpu.memory_space<hbm>> -> memref<1x1x2816xi32, #tpu.memory_space<hbm>>
      %dma_wait3A_90 = tpu.memref_squeeze %dma_wait3A_89 : memref<1x1x2816xi32, #tpu.memory_space<hbm>> -> memref<2816xi32, #tpu.memory_space<hbm>>
      tpu.wait_dma2 semaphore(%run_scoped3A_80 : memref<!tpu.dma_semaphore, #tpu.memory_space<semaphore_mem>>) src(%arg10 : memref<2816xi32, #tpu.memory_space<vmem>>) dst(%dma_wait3A_90 : memref<2816xi32, #tpu.memory_space<hbm>>)
      tpu.yield
    }) : () -> ()
    %run_scoped3A_75 = arith.constant 1 : i32
    "tpu.region"() ({
      %run_scoped3A_80 = tpu.sem_alloc : memref<!tpu.dma_semaphore, #tpu.memory_space<semaphore_mem>>
      %dma_start3A = arith.constant 0 : i32
      %dma_start3A_81 = tpu.memref_slice %arg5[%run_scoped3A_75, %add3A, %dma_start3A] : memref<4x32x2816xi32, #tpu.memory_space<hbm>> -> memref<1x1x2816xi32, #tpu.memory_space<hbm>>
      %dma_start3A_82 = tpu.memref_squeeze %dma_start3A_81 : memref<1x1x2816xi32, #tpu.memory_space<hbm>> -> memref<2816xi32, #tpu.memory_space<hbm>>
      %dma_start3A_83 = arith.constant 0 : i32
      %dma_start3A_84 = tpu.memref_slice %arg5[%run_scoped3A_75, %add3A, %dma_start3A_83] : memref<4x32x2816xi32, #tpu.memory_space<hbm>> -> memref<1x1x2816xi32, #tpu.memory_space<hbm>>
      %dma_start3A_85 = tpu.memref_squeeze %dma_start3A_84 : memref<1x1x2816xi32, #tpu.memory_space<hbm>> -> memref<2816xi32, #tpu.memory_space<hbm>>
      tpu.enqueue_dma source(%arg14 : memref<2816xi32, #tpu.memory_space<vmem>>) target(%dma_start3A_85 : memref<2816xi32, #tpu.memory_space<hbm>>) target_semaphore(%run_scoped3A_80 : memref<!tpu.dma_semaphore, #tpu.memory_space<semaphore_mem>>)
      %dma_wait3A = arith.constant 0 : i32
      %dma_wait3A_86 = tpu.memref_slice %arg5[%run_scoped3A_75, %add3A, %dma_wait3A] : memref<4x32x2816xi32, #tpu.memory_space<hbm>> -> memref<1x1x2816xi32, #tpu.memory_space<hbm>>
      %dma_wait3A_87 = tpu.memref_squeeze %dma_wait3A_86 : memref<1x1x2816xi32, #tpu.memory_space<hbm>> -> memref<2816xi32, #tpu.memory_space<hbm>>
      %dma_wait3A_88 = arith.constant 0 : i32
      %dma_wait3A_89 = tpu.memref_slice %arg5[%run_scoped3A_75, %add3A, %dma_wait3A_88] : memref<4x32x2816xi32, #tpu.memory_space<hbm>> -> memref<1x1x2816xi32, #tpu.memory_space<hbm>>
      %dma_wait3A_90 = tpu.memref_squeeze %dma_wait3A_89 : memref<1x1x2816xi32, #tpu.memory_space<hbm>> -> memref<2816xi32, #tpu.memory_space<hbm>>
      tpu.wait_dma2 semaphore(%run_scoped3A_80 : memref<!tpu.dma_semaphore, #tpu.memory_space<semaphore_mem>>) src(%arg14 : memref<2816xi32, #tpu.memory_space<vmem>>) dst(%dma_wait3A_90 : memref<2816xi32, #tpu.memory_space<hbm>>)
      tpu.yield
    }) : () -> ()
    %run_scoped3A_76 = arith.constant 2 : i32
    "tpu.region"() ({
      %run_scoped3A_80 = tpu.sem_alloc : memref<!tpu.dma_semaphore, #tpu.memory_space<semaphore_mem>>
      %dma_start3A = arith.constant 0 : i32
      %dma_start3A_81 = tpu.memref_slice %arg4[%run_scoped3A_76, %add3A, %dma_start3A] : memref<4x32x2816xi32, #tpu.memory_space<hbm>> -> memref<1x1x2816xi32, #tpu.memory_space<hbm>>
      %dma_start3A_82 = tpu.memref_squeeze %dma_start3A_81 : memref<1x1x2816xi32, #tpu.memory_space<hbm>> -> memref<2816xi32, #tpu.memory_space<hbm>>
      %dma_start3A_83 = arith.constant 0 : i32
      %dma_start3A_84 = tpu.memref_slice %arg4[%run_scoped3A_76, %add3A, %dma_start3A_83] : memref<4x32x2816xi32, #tpu.memory_space<hbm>> -> memref<1x1x2816xi32, #tpu.memory_space<hbm>>
      %dma_start3A_85 = tpu.memref_squeeze %dma_start3A_84 : memref<1x1x2816xi32, #tpu.memory_space<hbm>> -> memref<2816xi32, #tpu.memory_space<hbm>>
      tpu.enqueue_dma source(%arg11 : memref<2816xi32, #tpu.memory_space<vmem>>) target(%dma_start3A_85 : memref<2816xi32, #tpu.memory_space<hbm>>) target_semaphore(%run_scoped3A_80 : memref<!tpu.dma_semaphore, #tpu.memory_space<semaphore_mem>>)
      %dma_wait3A = arith.constant 0 : i32
      %dma_wait3A_86 = tpu.memref_slice %arg4[%run_scoped3A_76, %add3A, %dma_wait3A] : memref<4x32x2816xi32, #tpu.memory_space<hbm>> -> memref<1x1x2816xi32, #tpu.memory_space<hbm>>
      %dma_wait3A_87 = tpu.memref_squeeze %dma_wait3A_86 : memref<1x1x2816xi32, #tpu.memory_space<hbm>> -> memref<2816xi32, #tpu.memory_space<hbm>>
      %dma_wait3A_88 = arith.constant 0 : i32
      %dma_wait3A_89 = tpu.memref_slice %arg4[%run_scoped3A_76, %add3A, %dma_wait3A_88] : memref<4x32x2816xi32, #tpu.memory_space<hbm>> -> memref<1x1x2816xi32, #tpu.memory_space<hbm>>
      %dma_wait3A_90 = tpu.memref_squeeze %dma_wait3A_89 : memref<1x1x2816xi32, #tpu.memory_space<hbm>> -> memref<2816xi32, #tpu.memory_space<hbm>>
      tpu.wait_dma2 semaphore(%run_scoped3A_80 : memref<!tpu.dma_semaphore, #tpu.memory_space<semaphore_mem>>) src(%arg11 : memref<2816xi32, #tpu.memory_space<vmem>>) dst(%dma_wait3A_90 : memref<2816xi32, #tpu.memory_space<hbm>>)
      tpu.yield
    }) : () -> ()
    %run_scoped3A_77 = arith.constant 2 : i32
    "tpu.region"() ({
      %run_scoped3A_80 = tpu.sem_alloc : memref<!tpu.dma_semaphore, #tpu.memory_space<semaphore_mem>>
      %dma_start3A = arith.constant 0 : i32
      %dma_start3A_81 = tpu.memref_slice %arg5[%run_scoped3A_77, %add3A, %dma_start3A] : memref<4x32x2816xi32, #tpu.memory_space<hbm>> -> memref<1x1x2816xi32, #tpu.memory_space<hbm>>
      %dma_start3A_82 = tpu.memref_squeeze %dma_start3A_81 : memref<1x1x2816xi32, #tpu.memory_space<hbm>> -> memref<2816xi32, #tpu.memory_space<hbm>>
      %dma_start3A_83 = arith.constant 0 : i32
      %dma_start3A_84 = tpu.memref_slice %arg5[%run_scoped3A_77, %add3A, %dma_start3A_83] : memref<4x32x2816xi32, #tpu.memory_space<hbm>> -> memref<1x1x2816xi32, #tpu.memory_space<hbm>>
      %dma_start3A_85 = tpu.memref_squeeze %dma_start3A_84 : memref<1x1x2816xi32, #tpu.memory_space<hbm>> -> memref<2816xi32, #tpu.memory_space<hbm>>
      tpu.enqueue_dma source(%arg15 : memref<2816xi32, #tpu.memory_space<vmem>>) target(%dma_start3A_85 : memref<2816xi32, #tpu.memory_space<hbm>>) target_semaphore(%run_scoped3A_80 : memref<!tpu.dma_semaphore, #tpu.memory_space<semaphore_mem>>)
      %dma_wait3A = arith.constant 0 : i32
      %dma_wait3A_86 = tpu.memref_slice %arg5[%run_scoped3A_77, %add3A, %dma_wait3A] : memref<4x32x2816xi32, #tpu.memory_space<hbm>> -> memref<1x1x2816xi32, #tpu.memory_space<hbm>>
      %dma_wait3A_87 = tpu.memref_squeeze %dma_wait3A_86 : memref<1x1x2816xi32, #tpu.memory_space<hbm>> -> memref<2816xi32, #tpu.memory_space<hbm>>
      %dma_wait3A_88 = arith.constant 0 : i32
      %dma_wait3A_89 = tpu.memref_slice %arg5[%run_scoped3A_77, %add3A, %dma_wait3A_88] : memref<4x32x2816xi32, #tpu.memory_space<hbm>> -> memref<1x1x2816xi32, #tpu.memory_space<hbm>>
      %dma_wait3A_90 = tpu.memref_squeeze %dma_wait3A_89 : memref<1x1x2816xi32, #tpu.memory_space<hbm>> -> memref<2816xi32, #tpu.memory_space<hbm>>
      tpu.wait_dma2 semaphore(%run_scoped3A_80 : memref<!tpu.dma_semaphore, #tpu.memory_space<semaphore_mem>>) src(%arg15 : memref<2816xi32, #tpu.memory_space<vmem>>) dst(%dma_wait3A_90 : memref<2816xi32, #tpu.memory_space<hbm>>)
      tpu.yield
    }) : () -> ()
    %run_scoped3A_78 = arith.constant 3 : i32
    "tpu.region"() ({
      %run_scoped3A_80 = tpu.sem_alloc : memref<!tpu.dma_semaphore, #tpu.memory_space<semaphore_mem>>
      %dma_start3A = arith.constant 0 : i32
      %dma_start3A_81 = tpu.memref_slice %arg4[%run_scoped3A_78, %add3A, %dma_start3A] : memref<4x32x2816xi32, #tpu.memory_space<hbm>> -> memref<1x1x2816xi32, #tpu.memory_space<hbm>>
      %dma_start3A_82 = tpu.memref_squeeze %dma_start3A_81 : memref<1x1x2816xi32, #tpu.memory_space<hbm>> -> memref<2816xi32, #tpu.memory_space<hbm>>
      %dma_start3A_83 = arith.constant 0 : i32
      %dma_start3A_84 = tpu.memref_slice %arg4[%run_scoped3A_78, %add3A, %dma_start3A_83] : memref<4x32x2816xi32, #tpu.memory_space<hbm>> -> memref<1x1x2816xi32, #tpu.memory_space<hbm>>
      %dma_start3A_85 = tpu.memref_squeeze %dma_start3A_84 : memref<1x1x2816xi32, #tpu.memory_space<hbm>> -> memref<2816xi32, #tpu.memory_space<hbm>>
      tpu.enqueue_dma source(%arg12 : memref<2816xi32, #tpu.memory_space<vmem>>) target(%dma_start3A_85 : memref<2816xi32, #tpu.memory_space<hbm>>) target_semaphore(%run_scoped3A_80 : memref<!tpu.dma_semaphore, #tpu.memory_space<semaphore_mem>>)
      %dma_wait3A = arith.constant 0 : i32
      %dma_wait3A_86 = tpu.memref_slice %arg4[%run_scoped3A_78, %add3A, %dma_wait3A] : memref<4x32x2816xi32, #tpu.memory_space<hbm>> -> memref<1x1x2816xi32, #tpu.memory_space<hbm>>
      %dma_wait3A_87 = tpu.memref_squeeze %dma_wait3A_86 : memref<1x1x2816xi32, #tpu.memory_space<hbm>> -> memref<2816xi32, #tpu.memory_space<hbm>>
      %dma_wait3A_88 = arith.constant 0 : i32
      %dma_wait3A_89 = tpu.memref_slice %arg4[%run_scoped3A_78, %add3A, %dma_wait3A_88] : memref<4x32x2816xi32, #tpu.memory_space<hbm>> -> memref<1x1x2816xi32, #tpu.memory_space<hbm>>
      %dma_wait3A_90 = tpu.memref_squeeze %dma_wait3A_89 : memref<1x1x2816xi32, #tpu.memory_space<hbm>> -> memref<2816xi32, #tpu.memory_space<hbm>>
      tpu.wait_dma2 semaphore(%run_scoped3A_80 : memref<!tpu.dma_semaphore, #tpu.memory_space<semaphore_mem>>) src(%arg12 : memref<2816xi32, #tpu.memory_space<vmem>>) dst(%dma_wait3A_90 : memref<2816xi32, #tpu.memory_space<hbm>>)
      tpu.yield
    }) : () -> ()
    %run_scoped3A_79 = arith.constant 3 : i32
    "tpu.region"() ({
      %run_scoped3A_80 = tpu.sem_alloc : memref<!tpu.dma_semaphore, #tpu.memory_space<semaphore_mem>>
      %dma_start3A = arith.constant 0 : i32
      %dma_start3A_81 = tpu.memref_slice %arg5[%run_scoped3A_79, %add3A, %dma_start3A] : memref<4x32x2816xi32, #tpu.memory_space<hbm>> -> memref<1x1x2816xi32, #tpu.memory_space<hbm>>
      %dma_start3A_82 = tpu.memref_squeeze %dma_start3A_81 : memref<1x1x2816xi32, #tpu.memory_space<hbm>> -> memref<2816xi32, #tpu.memory_space<hbm>>
      %dma_start3A_83 = arith.constant 0 : i32
      %dma_start3A_84 = tpu.memref_slice %arg5[%run_scoped3A_79, %add3A, %dma_start3A_83] : memref<4x32x2816xi32, #tpu.memory_space<hbm>> -> memref<1x1x2816xi32, #tpu.memory_space<hbm>>
      %dma_start3A_85 = tpu.memref_squeeze %dma_start3A_84 : memref<1x1x2816xi32, #tpu.memory_space<hbm>> -> memref<2816xi32, #tpu.memory_space<hbm>>
      tpu.enqueue_dma source(%arg16 : memref<2816xi32, #tpu.memory_space<vmem>>) target(%dma_start3A_85 : memref<2816xi32, #tpu.memory_space<hbm>>) target_semaphore(%run_scoped3A_80 : memref<!tpu.dma_semaphore, #tpu.memory_space<semaphore_mem>>)
      %dma_wait3A = arith.constant 0 : i32
      %dma_wait3A_86 = tpu.memref_slice %arg5[%run_scoped3A_79, %add3A, %dma_wait3A] : memref<4x32x2816xi32, #tpu.memory_space<hbm>> -> memref<1x1x2816xi32, #tpu.memory_space<hbm>>
      %dma_wait3A_87 = tpu.memref_squeeze %dma_wait3A_86 : memref<1x1x2816xi32, #tpu.memory_space<hbm>> -> memref<2816xi32, #tpu.memory_space<hbm>>
      %dma_wait3A_88 = arith.constant 0 : i32
      %dma_wait3A_89 = tpu.memref_slice %arg5[%run_scoped3A_79, %add3A, %dma_wait3A_88] : memref<4x32x2816xi32, #tpu.memory_space<hbm>> -> memref<1x1x2816xi32, #tpu.memory_space<hbm>>
      %dma_wait3A_90 = tpu.memref_squeeze %dma_wait3A_89 : memref<1x1x2816xi32, #tpu.memory_space<hbm>> -> memref<2816xi32, #tpu.memory_space<hbm>>
      tpu.wait_dma2 semaphore(%run_scoped3A_80 : memref<!tpu.dma_semaphore, #tpu.memory_space<semaphore_mem>>) src(%arg16 : memref<2816xi32, #tpu.memory_space<vmem>>) dst(%dma_wait3A_90 : memref<2816xi32, #tpu.memory_space<hbm>>)
      tpu.yield
    }) : () -> ()
    "tpu.region"() ({
      %run_scoped3A_80 = tpu.sem_alloc : memref<!tpu.dma_semaphore, #tpu.memory_space<semaphore_mem>>
      %dma_start3A = arith.constant 0 : i32
      %dma_start3A_81 = tpu.memref_slice %arg6[%add3A, %dma_start3A] : memref<32x10240xf32, #tpu.memory_space<hbm>> -> memref<1x10240xf32, #tpu.memory_space<hbm>>
      %dma_start3A_82 = tpu.memref_squeeze %dma_start3A_81 : memref<1x10240xf32, #tpu.memory_space<hbm>> -> memref<10240xf32, #tpu.memory_space<hbm>>
      %dma_start3A_83 = arith.constant 0 : i32
      %dma_start3A_84 = tpu.memref_slice %arg6[%add3A, %dma_start3A_83] : memref<32x10240xf32, #tpu.memory_space<hbm>> -> memref<1x10240xf32, #tpu.memory_space<hbm>>
      %dma_start3A_85 = tpu.memref_squeeze %dma_start3A_84 : memref<1x10240xf32, #tpu.memory_space<hbm>> -> memref<10240xf32, #tpu.memory_space<hbm>>
      tpu.enqueue_dma source(%arg17 : memref<10240xf32, #tpu.memory_space<vmem>>) target(%dma_start3A_85 : memref<10240xf32, #tpu.memory_space<hbm>>) target_semaphore(%run_scoped3A_80 : memref<!tpu.dma_semaphore, #tpu.memory_space<semaphore_mem>>)
      %dma_wait3A = arith.constant 0 : i32
      %dma_wait3A_86 = tpu.memref_slice %arg6[%add3A, %dma_wait3A] : memref<32x10240xf32, #tpu.memory_space<hbm>> -> memref<1x10240xf32, #tpu.memory_space<hbm>>
      %dma_wait3A_87 = tpu.memref_squeeze %dma_wait3A_86 : memref<1x10240xf32, #tpu.memory_space<hbm>> -> memref<10240xf32, #tpu.memory_space<hbm>>
      %dma_wait3A_88 = arith.constant 0 : i32
      %dma_wait3A_89 = tpu.memref_slice %arg6[%add3A, %dma_wait3A_88] : memref<32x10240xf32, #tpu.memory_space<hbm>> -> memref<1x10240xf32, #tpu.memory_space<hbm>>
      %dma_wait3A_90 = tpu.memref_squeeze %dma_wait3A_89 : memref<1x10240xf32, #tpu.memory_space<hbm>> -> memref<10240xf32, #tpu.memory_space<hbm>>
      tpu.wait_dma2 semaphore(%run_scoped3A_80 : memref<!tpu.dma_semaphore, #tpu.memory_space<semaphore_mem>>) src(%arg17 : memref<10240xf32, #tpu.memory_space<vmem>>) dst(%dma_wait3A_90 : memref<10240xf32, #tpu.memory_space<hbm>>)
      tpu.yield
    }) : () -> ()
    return
  }
}

module attributes {stable_mosaic.version = 14 : i64} {
  func.func @_mm_body(%arg0: i32, %arg1: memref<1000x128xf32, #tpu.memory_space<vmem>>, %arg2: memref<128x128xf32, #tpu.memory_space<vmem>>, %arg3: memref<1000x128xf32, #tpu.memory_space<vmem>>) attributes {dimension_semantics = [#tpu.dimension_semantics<arbitrary>], iteration_bounds = array<i64: 10>, scalar_prefetch = 0 : i64, scratch_operands = 0 : i64, tpu.core_type = #tpu.core_type<tc>, window_params = [{transform_indices = @transform_0, window_bounds = array<i64: 1000, 128>}, {pipeline_mode = #tpu.pipeline_mode<synchronous>, transform_indices = @transform_1, window_bounds = array<i64: 128, 128>}, {transform_indices = @transform_2, window_bounds = array<i64: 1000, 128>}]} {
    %get3A = arith.constant 0 : index
    %get3A_0 = arith.constant 0 : index
    %get3A_1 = vector.load %arg1[%get3A, %get3A_0] : memref<1000x128xf32, #tpu.memory_space<vmem>>, vector<1000x128xf32>
    %get3A_2 = arith.constant 0 : index
    %get3A_3 = arith.constant 0 : index
    %get3A_4 = vector.load %arg2[%get3A_2, %get3A_3] : memref<128x128xf32, #tpu.memory_space<vmem>>, vector<128x128xf32>
    %dot_general3A = arith.constant dense<0.000000e+00> : vector<1000x128xf32>
    %dot_general3A_5 = tpu.matmul %get3A_1, %get3A_4, %dot_general3A {dimension_numbers = #tpu.dot_dimension_numbers<[1], [0], [0], [1], [0, 0, 1, 1], [], []>, transpose_lhs_hint = false} : vector<1000x128xf32>, vector<128x128xf32>, vector<1000x128xf32> -> vector<1000x128xf32>
    %swap3A = arith.constant 0 : index
    %swap3A_6 = arith.constant 0 : index
    %swap3A_7 = vector.load %arg3[%swap3A, %swap3A_6] : memref<1000x128xf32, #tpu.memory_space<vmem>>, vector<1000x128xf32>
    tpu.vector_store %arg3[%swap3A, %swap3A_6], %dot_general3A_5 {strides = array<i32>} : memref<1000x128xf32, #tpu.memory_space<vmem>>, vector<1000x128xf32>,
    return
  }
  func.func @transform_0(%arg0: i32) -> (i32, i32) {
    %c0_i32 = arith.constant 0 : i32
    %c0_i32_0 = arith.constant 0 : i32
    return %arg0, %c0_i32 : i32, i32
  }
  func.func @transform_1(%arg0: i32) -> (i32, i32) {
    %c0_i32 = arith.constant 0 : i32
    %c0_i32_0 = arith.constant 0 : i32
    %c0_i32_1 = arith.constant 0 : i32
    return %c0_i32, %c0_i32_0 : i32, i32
  }
  func.func @transform_2(%arg0: i32) -> (i32, i32) {
    %c0_i32 = arith.constant 0 : i32
    %c0_i32_0 = arith.constant 0 : i32
    return %arg0, %c0_i32 : i32, i32
  }
}

module attributes {stable_mosaic.version = 14 : i64} {
  func.func @_zero_body(%arg0: i32, %arg1: memref<168x128xf32, #tpu.memory_space<vmem>>) attributes {dimension_semantics = [#tpu.dimension_semantics<arbitrary>], iteration_bounds = array<i64: 1>, scalar_prefetch = 0 : i64, scratch_operands = 0 : i64, tpu.core_type = #tpu.core_type<tc>, window_params = [{pipeline_mode = #tpu.pipeline_mode<synchronous>, transform_indices = @transform_0, window_bounds = array<i64: 168, 128>}]} {
    %broadcast_in_dim3A = arith.constant 0.000000e+00 : f32
    %broadcast_in_dim3A_0 = vector.broadcast %broadcast_in_dim3A : f32 to vector<168x128xf32>
    %swap3A = arith.constant 0 : index
    %swap3A_1 = arith.constant 0 : index
    %swap3A_2 = vector.load %arg1[%swap3A, %swap3A_1] : memref<168x128xf32, #tpu.memory_space<vmem>>, vector<168x128xf32>
    tpu.vector_store %arg1[%swap3A, %swap3A_1], %broadcast_in_dim3A_0 {strides = array<i32>} : memref<168x128xf32, #tpu.memory_space<vmem>>, vector<168x128xf32>,
    return
  }
  func.func @transform_0(%arg0: i32) -> (i32, i32) {
    %c0_i32 = arith.constant 0 : i32
    %c0_i32_0 = arith.constant 0 : i32
    %c0_i32_1 = arith.constant 0 : i32
    return %c0_i32, %c0_i32_0 : i32, i32
  }
}

module attributes {stable_mosaic.version = 14 : i64} {
  func.func @_dinv_body(%arg0: i32, %arg1: memref<32x1280xf32, #tpu.memory_space<vmem>>, %arg2: memref<1280x128xf32, #tpu.memory_space<vmem>>) attributes {dimension_semantics = [#tpu.dimension_semantics<arbitrary>], iteration_bounds = array<i64: 8>, scalar_prefetch = 0 : i64, scratch_operands = 0 : i64, tpu.core_type = #tpu.core_type<tc>, window_params = [{transform_indices = @transform_0, window_bounds = array<i64: 32, 1280>}, {transform_indices = @transform_1, window_bounds = array<i64: 1280, 128>}]} {
    %get3A = arith.constant 0 : index
    %get3A_0 = arith.constant 0 : index
    %get3A_1 = vector.load %arg1[%get3A, %get3A_0] : memref<32x1280xf32, #tpu.memory_space<vmem>>, vector<32x1280xf32>
    %reduce_sum3A = arith.constant dense<0.000000e+00> : vector<1280xf32>
    %reduce_sum3A_2 = vector.multi_reduction <add>, %get3A_1, %reduce_sum3A [0] : vector<32x1280xf32> to vector<1280xf32>
    %broadcast_in_dim3A = vector.shape_cast %reduce_sum3A_2 : vector<1280xf32> to vector<1x1280xf32>
    %add3A = arith.constant 1.000000e+00 : f32
    %add3A_3 = vector.broadcast %add3A : f32 to vector<1x1280xf32>
    %add3A_4 = arith.addf %broadcast_in_dim3A, %add3A_3 : vector<1x1280xf32>
    %rsqrt3A = math.rsqrt %add3A_4 : vector<1x1280xf32>
    %broadcast_in_dim3A_5 = vector.shape_cast %rsqrt3A : vector<1x1280xf32> to vector<1x1280xf32>
    %broadcast_in_dim3A_6 = vector.broadcast %broadcast_in_dim3A_5 : vector<1x1280xf32> to vector<128x1280xf32>
    %transpose3A = tpu.transpose %broadcast_in_dim3A_6, [1, 0] : vector<128x1280xf32> -> vector<1280x128xf32>
    %swap3A = arith.constant 0 : index
    %swap3A_7 = arith.constant 0 : index
    %swap3A_8 = vector.load %arg2[%swap3A, %swap3A_7] : memref<1280x128xf32, #tpu.memory_space<vmem>>, vector<1280x128xf32>
    tpu.vector_store %arg2[%swap3A, %swap3A_7], %transpose3A {strides = array<i32>} : memref<1280x128xf32, #tpu.memory_space<vmem>>, vector<1280x128xf32>,
    return
  }
  func.func @transform_0(%arg0: i32) -> (i32, i32) {
    %c0_i32 = arith.constant 0 : i32
    %c0_i32_0 = arith.constant 0 : i32
    return %c0_i32, %arg0 : i32, i32
  }
  func.func @transform_1(%arg0: i32) -> (i32, i32) {
    %c0_i32 = arith.constant 0 : i32
    %c0_i32_0 = arith.constant 0 : i32
    return %arg0, %c0_i32 : i32, i32
  }
}

module attributes {stable_mosaic.version = 14 : i64} {
  func.func @_scale_body(%arg0: i32, %arg1: memref<1000x128xf32, #tpu.memory_space<vmem>>, %arg2: memref<1000x128xf32, #tpu.memory_space<vmem>>, %arg3: memref<1000x128xf32, #tpu.memory_space<vmem>>) attributes {dimension_semantics = [#tpu.dimension_semantics<arbitrary>], iteration_bounds = array<i64: 10>, scalar_prefetch = 0 : i64, scratch_operands = 0 : i64, tpu.core_type = #tpu.core_type<tc>, window_params = [{transform_indices = @transform_0, window_bounds = array<i64: 1000, 128>}, {transform_indices = @transform_1, window_bounds = array<i64: 1000, 128>}, {transform_indices = @transform_2, window_bounds = array<i64: 1000, 128>}]} {
    %get3A = arith.constant 0 : index
    %get3A_0 = arith.constant 0 : index
    %get3A_1 = vector.load %arg1[%get3A, %get3A_0] : memref<1000x128xf32, #tpu.memory_space<vmem>>, vector<1000x128xf32>
    %get3A_2 = arith.constant 0 : index
    %get3A_3 = arith.constant 0 : index
    %get3A_4 = vector.load %arg2[%get3A_2, %get3A_3] : memref<1000x128xf32, #tpu.memory_space<vmem>>, vector<1000x128xf32>
    %mul3A = arith.mulf %get3A_1, %get3A_4 : vector<1000x128xf32>
    %swap3A = arith.constant 0 : index
    %swap3A_5 = arith.constant 0 : index
    %swap3A_6 = vector.load %arg3[%swap3A, %swap3A_5] : memref<1000x128xf32, #tpu.memory_space<vmem>>, vector<1000x128xf32>
    tpu.vector_store %arg3[%swap3A, %swap3A_5], %mul3A {strides = array<i32>} : memref<1000x128xf32, #tpu.memory_space<vmem>>, vector<1000x128xf32>,
    return
  }
  func.func @transform_0(%arg0: i32) -> (i32, i32) {
    %c0_i32 = arith.constant 0 : i32
    %c0_i32_0 = arith.constant 0 : i32
    return %arg0, %c0_i32 : i32, i32
  }
  func.func @transform_1(%arg0: i32) -> (i32, i32) {
    %c0_i32 = arith.constant 0 : i32
    %c0_i32_0 = arith.constant 0 : i32
    return %arg0, %c0_i32 : i32, i32
  }
  func.func @transform_2(%arg0: i32) -> (i32, i32) {
    %c0_i32 = arith.constant 0 : i32
    %c0_i32_0 = arith.constant 0 : i32
    return %arg0, %c0_i32 : i32, i32
  }
}

module attributes {stable_mosaic.version = 14 : i64} {
  func.func @_mid_body(%arg0: i32, %arg1: memref<1000x128xf32, #tpu.memory_space<vmem>>, %arg2: memref<1000x128xf32, #tpu.memory_space<vmem>>, %arg3: memref<1000x128xf32, #tpu.memory_space<vmem>>, %arg4: memref<128x128xf32, #tpu.memory_space<vmem>>, %arg5: memref<1x128xf32, #tpu.memory_space<vmem>>, %arg6: memref<1000x128xf32, #tpu.memory_space<vmem>>, %arg7: memref<1000x128xf32, #tpu.memory_space<vmem>>) attributes {dimension_semantics = [#tpu.dimension_semantics<arbitrary>], iteration_bounds = array<i64: 10>, scalar_prefetch = 0 : i64, scratch_operands = 0 : i64, tpu.core_type = #tpu.core_type<tc>, window_params = [{transform_indices = @transform_0, window_bounds = array<i64: 1000, 128>}, {transform_indices = @transform_1, window_bounds = array<i64: 1000, 128>}, {transform_indices = @transform_2, window_bounds = array<i64: 1000, 128>}, {pipeline_mode = #tpu.pipeline_mode<synchronous>, transform_indices = @transform_3, window_bounds = array<i64: 128, 128>}, {pipeline_mode = #tpu.pipeline_mode<synchronous>, transform_indices = @transform_4, window_bounds = array<i64: 1, 128>}, {transform_indices = @transform_5, window_bounds = array<i64: 1000, 128>}, {transform_indices = @transform_6, window_bounds = array<i64: 1000, 128>}]} {
    %get3A = arith.constant 0 : index
    %get3A_0 = arith.constant 0 : index
    %get3A_1 = vector.load %arg3[%get3A, %get3A_0] : memref<1000x128xf32, #tpu.memory_space<vmem>>, vector<1000x128xf32>
    %get3A_2 = arith.constant 0 : index
    %get3A_3 = arith.constant 0 : index
    %get3A_4 = vector.load %arg1[%get3A_2, %get3A_3] : memref<1000x128xf32, #tpu.memory_space<vmem>>, vector<1000x128xf32>
    %get3A_5 = arith.constant 0 : index
    %get3A_6 = arith.constant 0 : index
    %get3A_7 = vector.load %arg2[%get3A_5, %get3A_6] : memref<1000x128xf32, #tpu.memory_space<vmem>>, vector<1000x128xf32>
    %add3A = arith.addf %get3A_4, %get3A_7 : vector<1000x128xf32>
    %mul3A = arith.mulf %add3A, %get3A_1 : vector<1000x128xf32>
    %get3A_8 = arith.constant 0 : index
    %get3A_9 = arith.constant 0 : index
    %get3A_10 = vector.load %arg5[%get3A_8, %get3A_9] : memref<1x128xf32, #tpu.memory_space<vmem>>, vector<1x128xf32>
    %add3A_11 = vector.broadcast %get3A_10 : vector<1x128xf32> to vector<1000x128xf32>
    %add3A_12 = arith.addf %mul3A, %add3A_11 : vector<1000x128xf32>
    %max3A = arith.constant 0.000000e+00 : f32
    %max3A_13 = vector.broadcast %max3A : f32 to vector<1000x128xf32>
    %max3A_14 = arith.maximumf %add3A_12, %max3A_13 : vector<1000x128xf32>
    %swap3A = arith.constant 0 : index
    %swap3A_15 = arith.constant 0 : index
    %swap3A_16 = vector.load %arg6[%swap3A, %swap3A_15] : memref<1000x128xf32, #tpu.memory_space<vmem>>, vector<1000x128xf32>
    tpu.vector_store %arg6[%swap3A, %swap3A_15], %max3A_14 {strides = array<i32>} : memref<1000x128xf32, #tpu.memory_space<vmem>>, vector<1000x128xf32>,
    %get3A_17 = arith.constant 0 : index
    %get3A_18 = arith.constant 0 : index
    %get3A_19 = vector.load %arg4[%get3A_17, %get3A_18] : memref<128x128xf32, #tpu.memory_space<vmem>>, vector<128x128xf32>
    %dot_general3A = arith.constant dense<0.000000e+00> : vector<1000x128xf32>
    %dot_general3A_20 = tpu.matmul %max3A_14, %get3A_19, %dot_general3A {dimension_numbers = #tpu.dot_dimension_numbers<[1], [0], [0], [1], [0, 0, 1, 1], [], []>, transpose_lhs_hint = false} : vector<1000x128xf32>, vector<128x128xf32>, vector<1000x128xf32> -> vector<1000x128xf32>
    %mul3A_21 = arith.mulf %dot_general3A_20, %get3A_1 : vector<1000x128xf32>
    %swap3A_22 = arith.constant 0 : index
    %swap3A_23 = arith.constant 0 : index
    %swap3A_24 = vector.load %arg7[%swap3A_22, %swap3A_23] : memref<1000x128xf32, #tpu.memory_space<vmem>>, vector<1000x128xf32>
    tpu.vector_store %arg7[%swap3A_22, %swap3A_23], %mul3A_21 {strides = array<i32>} : memref<1000x128xf32, #tpu.memory_space<vmem>>, vector<1000x128xf32>,
    return
  }
  func.func @transform_0(%arg0: i32) -> (i32, i32) {
    %c0_i32 = arith.constant 0 : i32
    %c0_i32_0 = arith.constant 0 : i32
    return %arg0, %c0_i32 : i32, i32
  }
  func.func @transform_1(%arg0: i32) -> (i32, i32) {
    %c0_i32 = arith.constant 0 : i32
    %c0_i32_0 = arith.constant 0 : i32
    return %arg0, %c0_i32 : i32, i32
  }
  func.func @transform_2(%arg0: i32) -> (i32, i32) {
    %c0_i32 = arith.constant 0 : i32
    %c0_i32_0 = arith.constant 0 : i32
    return %arg0, %c0_i32 : i32, i32
  }
  func.func @transform_3(%arg0: i32) -> (i32, i32) {
    %c0_i32 = arith.constant 0 : i32
    %c0_i32_0 = arith.constant 0 : i32
    %c0_i32_1 = arith.constant 0 : i32
    return %c0_i32, %c0_i32_0 : i32, i32
  }
  func.func @transform_4(%arg0: i32) -> (i32, i32) {
    %c0_i32 = arith.constant 0 : i32
    %c0_i32_0 = arith.constant 0 : i32
    %c0_i32_1 = arith.constant 0 : i32
    return %c0_i32, %c0_i32_0 : i32, i32
  }
  func.func @transform_5(%arg0: i32) -> (i32, i32) {
    %c0_i32 = arith.constant 0 : i32
    %c0_i32_0 = arith.constant 0 : i32
    return %arg0, %c0_i32 : i32, i32
  }
  func.func @transform_6(%arg0: i32) -> (i32, i32) {
    %c0_i32 = arith.constant 0 : i32
    %c0_i32_0 = arith.constant 0 : i32
    return %arg0, %c0_i32 : i32, i32
  }
}

</mosaic_0001>

<sc_bundles>
// kernel: closed_call.11.cloned.1.call-start
scs
__scs_entry_jumppad:
0x0: {  	(pc) =	sbr.rel $0x88, $3  }
0x1: {  	(tag) =	ssettag $0x0;
	lr =	simm.s32 $0x1  }
0x2: {  	[smem:$0x3F9B] =	sst lr;
	_ =	strace $0xD0000000  }
0x3: {  	_ = 	snop  }
0x4: {  	_ = 	snop  }
0x5: {  	_ = 	snop  }
0x6: {  	_ = 	snop  }
0x7: {  	_ = 	snop  }
__scs_overlays_trampoline_lowered:
0x8: {  	[smem:$0x3FAA] =	sst s0  }
0x9: {  	[smem:$0x3FAB] =	sst s1  }
0xa: {  	[smem:$0x3FAC] =	sst s2  }
0xb: {  	[smem:$0x3FAD] =	sst s3  }
0xc: {  	[smem:$0x3FAE] =	sst s4  }
0xd: {  	[smem:$0x3FAF] =	sst s5  }
0xe: {  	[smem:$0x3FB0] =	sst s6  }
0xf: {  	[smem:$0x3FB1] =	sst s7  }
0x10: {  	[smem:$0x3FB2] =	sst s8  }
0x11: {  	[smem:$0x3FB3] =	sst s9;
	s0 =	simm.s32 @!p0 $0x0  }
0x12: {  	s1 =	sld [smem:$0x3F99];
	s0 =	simm.s32 @p0 $0x1  }
0x13: {  	[smem:$0x3FB4] =	sst s0;
	s0 =	simm.s32 @!p1 $0x0  }
0x14: {  	s2 =	sld [smem:$0x3F98];
	s0 =	simm.s32 @p1 $0x1  }
0x15: {  	[smem:$0x3FB5] =	sst s0;
	s0 =	simm.s32 @!p2 $0x0  }
0x16: {  	s3 =	sld [smem:$0x3FDB];
	s0 =	simm.s32 @p2 $0x1  }
0x17: {  	s4 =	simm.s32 $0x1BF5;
	[smem:$0x3FB7] =	sst s0  }
0x18: {  	s0 =	sld [smem:$0x3F9A];
	_ =	swait.ge [sflag:s4], $0x0  }
0x19: {  	s7 =	sld [smem:$0x3F9B]  }
0x1a: {  	s8 =	sadd.s32 $0xFFFFE003, lr  }
0x1b: {  	s9 =	sadd.s32 $0xFFFFFEF7, lr;
	s5 =	simm.s32 $0xFFFFFFFF;
	p2 =	slt.u32 s8, $0xFFFFF086  }
0x1c: {  	p1 =	slt.u32 s9, $0xF7A;
	s5 =	simm.s32 @!p2 $0x0  }
0x1d: {  	s5 =	simm.s32 @p1 $0x1;
	p0 =	seq.s32 s7, s2  }
0x1e: {  	s7 =	smul.u32 @!p0 $0xF7A, s2;
	p2 =	seq.s32 @!p0 s5, $0x0  }
0x1f: {  	s9 =	smul.u32 $0xF7A, s1;
	s8 =	simm.s32 @!p0 $0x1BF5;
	p2 =	por !p2, p0  }
0x20: {  	[sflag:s8] =	ssyncset.s32 @!p0 $0xFFFFF086;
	s6 =	sadd.s32 @!p0 s3, s7;
	s7 =	simm.s32 @!p0 $0x108  }
0x21: {  	s3 =	sadd.s32 s3, s9;
	s6 =	sadd.s32 @!p0 $0x88, s6;
	s7 =	simm.s32 @p2 $0x1082  }
0x22: {  	[simem:s7], [sflag:s8] =	dma.local @!p0 [hbm:s6], $0xF7A  }
0x23: {  	s9 =	sor.u32 $0xD0000000, s2;
	s6 =	simm.s32 $0x108;
	_ =	swait.ge @!p0 [sflag:s8], $0x0  }
0x24: {  	s3 =	sadd.s32 $0x88, s3;
	s6 =	simm.s32 @!p1 $0x1082;
	[sflag:s4] =	ssyncset.s32 $0xFFFFF086  }
0x25: {  	[simem:s6], [sflag:s4] =	dma.local [hbm:s3], $0xF7A  }
0x26: {  	[smem:$0x3F9B] =	sst s1;
	(tag) =	ssettag s2;
	_ =	strace s9  }
0x27: {  	s1 =	sld [smem:$0x3FAB]  }
0x28: {  	s2 =	sld [smem:$0x3FAC]  }
0x29: {  	s4 =	sld [smem:$0x3FAE]  }
0x2a: {  	p0 =	seq.s32 s5, $0x0;
	s5 =	sld [smem:$0x3FAF]  }
0x2b: {  	s6 =	sld [smem:$0x3FB0]  }
0x2c: {  	s7 =	sld [smem:$0x3FB1]  }
0x2d: {  	s3 =	simm.s32 $0x108;
	s8 =	sld [smem:$0x3FB2]  }
0x2e: {  	s3 =	simm.s32 @!p0 $0x1082;
	s9 =	sld [smem:$0x3FB3]  }
0x2f: {  	lr =	sadd.s32 s0, s3;
	s0 =	sld [smem:$0x3FAA]  }
0x30: {  	s3 =	sld [smem:$0x3FAD]  }
0x31: {  	[smem:$0x3FB6] =	sst s10  }
0x32: {  	s10 =	sld [smem:$0x3FB4];
	_ =	sdelay $0x3  }
0x33: {  	p0 =	seq.s32 s10, $0x1;
	s10 =	sld [smem:$0x3FB6];
	_ =	sdelay $0x3  }
0x34: {  	[smem:$0x3FB6] =	sst s10  }
0x35: {  	s10 =	sld [smem:$0x3FB5];
	_ =	sdelay $0x3  }
0x36: {  	p1 =	seq.s32 s10, $0x1;
	s10 =	sld [smem:$0x3FB6];
	_ =	sdelay $0x3  }
0x37: {  	[smem:$0x3FB6] =	sst s10  }
0x38: {  	s10 =	sld [smem:$0x3FB7]  }
0x39: {  	_ = 	snop;
	(pc) =	sbr.ind lr, $3  }
0x3a: {  	_ = 	snop  }
0x3b: {  	_ = 	snop  }
0x3c: {  	p2 =	seq.s32 s10, $0x1;
	s10 =	sld [smem:$0x3FB6]  }
0x3d: {  	_ =	shalt  }
0x3e: {  	_ =	shalt  }
0x3f: {  	_ =	shalt  }
0x40: {  	_ =	shalt  }
0x41: {  	_ =	shalt  }
0x42: {  	_ =	shalt  }
0x43: {  	_ =	shalt  }
0x44: {  	_ =	shalt  }
0x45: {  	_ =	shalt  }
0x46: {  	_ =	shalt  }
0x47: {  	_ =	shalt  }
0x48: {  	_ =	shalt  }
0x49: {  	_ =	shalt  }
0x4a: {  	_ =	shalt  }
0x4b: {  	_ =	shalt  }
0x4c: {  	_ =	shalt  }
0x4d: {  	_ =	shalt  }
0x4e: {  	_ =	shalt  }
0x4f: {  	_ =	shalt  }
0x50: {  	_ =	shalt  }
0x51: {  	_ =	shalt  }
0x52: {  	_ =	shalt  }
0x53: {  	_ =	shalt  }
0x54: {  	_ =	shalt  }
0x55: {  	_ =	shalt  }
0x56: {  	_ =	shalt  }
0x57: {  	_ =	shalt  }
0x58: {  	_ =	shalt  }
0x59: {  	_ =	shalt  }
0x5a: {  	_ =	shalt  }
0x5b: {  	_ =	shalt  }
0x5c: {  	_ =	shalt  }
0x5d: {  	_ =	shalt  }
0x5e: {  	_ =	shalt  }
0x5f: {  	_ =	shalt  }
0x60: {  	_ =	shalt  }
0x61: {  	_ =	shalt  }
0x62: {  	_ =	shalt  }
0x63: {  	_ =	shalt  }
0x64: {  	_ =	shalt  }
0x65: {  	_ =	shalt  }
0x66: {  	_ =	shalt  }
0x67: {  	_ =	shalt  }
0x68: {  	_ =	shalt  }
0x69: {  	_ =	shalt  }
0x6a: {  	_ =	shalt  }
0x6b: {  	_ =	shalt  }
0x6c: {  	_ =	shalt  }
0x6d: {  	_ =	shalt  }
0x6e: {  	_ =	shalt  }
0x6f: {  	_ =	shalt  }
0x70: {  	_ =	shalt  }
0x71: {  	_ =	shalt  }
0x72: {  	_ =	shalt  }
0x73: {  	_ =	shalt  }
0x74: {  	_ =	shalt  }
0x75: {  	_ =	shalt  }
0x76: {  	_ =	shalt  }
0x77: {  	_ =	shalt  }
0x78: {  	_ =	shalt  }
0x79: {  	_ =	shalt  }
0x7a: {  	_ =	shalt  }
0x7b: {  	_ =	shalt  }
0x7c: {  	_ =	shalt  }
0x7d: {  	_ =	shalt  }
0x7e: {  	_ =	shalt  }
0x7f: {  	_ =	shalt  }
0x80: {  	_ =	shalt  }
0x81: {  	_ =	shalt  }
0x82: {  	_ =	shalt  }
0x83: {  	_ =	shalt  }
0x84: {  	_ =	shalt  }
0x85: {  	_ =	shalt  }
0x86: {  	_ =	shalt  }
0x87: {  	_ =	shalt  }
.Lfunc_end0:
.L_simem_size_0:
called_computation_lowered:
.L_overlay_start_0:
0x88: {  	s2 =	sld [smem:$0x3FD9]  }
0x89: {  	s3 =	sld [smem:$0x3FFE];
	_ =	sdelay $0x1  }
0x8a: {  	s1 =	srdreg.scid  }
0x8b: {  	s0 =	sand.u32 $0x1, s1  }
0x8c: {  	s16 =	sshll.u32 s0, $0xA;
	s2 =	sadd.s32 s3, s2  }
0x8d: {  	s2 =	sadd.s32 s2, s16  }
0x8e: {  	[smem:$0x3FC2] =	sst s2  }
0x8f: {  	_ = 	snop  }
0x90: {  	(tm) =	ssettm $0x1  }
0x91: {  	s17 =	sld [smem:$0x3FFB];
	_ =	sdelay $0x3  }
0x92: {  	_ =	strace s17  }
0x93: {  	s2 =	sld [smem:$0x3FFC];
	_ =	sdelay $0x3  }
0x94: {  	_ =	strace s2  }
0x95: {  	s2 =	sld [smem:$0x3FFD];
	_ =	sdelay $0x3  }
0x96: {  	_ =	strace s2  }
0x97: {  	_ =	strace $0x8FFFFFFF  }
0x98: {  	s18 =	sld [smem:$0x3FDB];
	_ =	sdelay $0x1  }
0x99: {  	s19 =	simm.s32 $_scs_section_size  }
0x9a: {  	s4 =	simm.s32 $_size__tile_overlayer_lowered;
	s5 =	simm.s32 $_tile_overlayer_lowered  }
0x9b: {  	s22 =	simm.s32 $0x1BFF;
	s21 =	sshll.u32 s5, $0x1;
	s2 =	sadd.s32 s19, s18  }
0x9c: {  	s6 =	simm.s32 $0x0;
	s20 =	sshll.u32 s4, $0x1;
	s4 =	sadd.s32 s21, s2  }
0x9d: {  	[timem:s6], [sflag:s22] =	dma.local [hbm:s4], s20  }
0x9e: {  	_ =	swait.ge [sflag:s22], s20  }
0x9f: {  	s3 =	ssub.s32 $0x0, s20;
	[sflag:s22] =	ssyncset.done $0x0  }
0xa0: {  	[sflag:s22] =	ssyncadd.s32 s3;
	_ =	sdelay $0x1  }
0xa1: {  	s23 =	simm.s32 $0x1B8B  }
0xa2: {  	_ =	swait.ge [sflag:s23], $0x1  }
0xa3: {  	[sflag:s23] =	ssyncset.done $0x0  }
0xa4: {  	s25 =	simm.s32 $0x1B8E;
	s24 =	sld [smem:$0x3FFE];
	[sflag:s23] =	ssyncadd.s32 $0xFFFFFFFF  }
0xa5: {  	s26 =	simm.s32 $execute0_lowered;
	[smem:$0x3FD2] =	sst s25  }
0xa6: {  	s4 =	sshll.u32 s26, $0x1;
	_ =	strace $0x80000049;
	[dreg:$0x1] =	wrdreg $0xFFFFFFFF  }
0xa7: {  	s28 =	simm.s32 $_size_execute0_lowered;
	s2 =	sadd.s32 s2, s4;
	[dreg:$0x0] =	wrdreg $0x0  }
0xa8: {  	s4 =	sshll.u32 s28, $0x1;
	[dreg:$0x2] =	wrdreg s2  }
0xa9: {  	[dreg:$0x3] =	wrdreg s4  }
0xaa: {  	[dreg:$0x4] =	wrdreg $0xC0  }
0xab: {  	_ =	task [dreg:s6], $0x5FFFF  }
0xac: {  	[dreg:$0x1] =	wrdreg $0xFFFFFFFF  }
0xad: {  	[dreg:$0x0] =	wrdreg $0x60  }
0xae: {  	[dreg:$0x2] =	wrdreg s24  }
0xaf: {  	[dreg:$0x3] =	wrdreg $0x130000  }
0xb0: {  	[dreg:$0x4] =	wrdreg $0x9  }
0xb1: {  	_ =	task.clear_ibuf [dreg:s6], $0x5FFFF;
	_ =	strace $0x90000049  }
0xb2: {  	s29 =	simm.s32 $0x9;
	_ =	strace $0x8000004B  }
0xb3: {  	_ =	swait.ge [sflag:s29], $0x1  }
0xb4: {  	[sflag:s29] =	ssyncadd.s32 $0xFFFFFFFF  }
0xb5: {  	_ =	strace $0x9000004B  }
0xb6: {  	_ =	sfence  }
0xb7: {  	s30 =	sld [smem:$0x0];
	_ =	sdelay $0x2  }
0xb8: {  	s31 =	sshll.u32 s1, $0xD;
	s1 =	sshrl.u32 s1, $0x2  }
0xb9: {  	s3 =	sand.u32 $0x4000, s31;
	s1 =	sadd.s32 s1, s30  }
0xba: {  	s0 =	sor.u32 s3, s0;
	s1 =	sshll.u32 s1, $0x11  }
0xbb: {  	s0 =	sor.u32 s1, s0  }
0xbc: {  	s0 =	sadd.s32 $0x8F2B, s0  }
0xbd: {  	[sflag:s0] =	ssyncadd.remote.s32 $0x1  }
0xbe: {  	_ =	sfence.sel $0xFFFF  }
0xbf: {  	[dreg:$0x0] =	wrdreg $0xFFFFFFFF;
	(pc) =	sbr.abs _section_cstart, $3  }
0xc0: {  	[dreg:$0x1] =	wrdreg $0xFFFFFFFF  }
0xc1: {  	_ =	task.clear_ibuf [dreg:s6], $0x2FFFF;
	_ =	strace $0x9FFFFFFF  }
0xc2: {  	(tm) =	ssettm $0x7FFFFFFF  }
0xc3: {  	_ =	shalt  }
tec
execute0_lowered:
.L_overlay_start_1:
0x0: {  	(tag) =	ssettag $0x1  }
0x1: {  	s0 =	rddreg [dreg:$0x0];
	s1 =	srdreg.scid  }
0x2: {  	s2 =	rddreg [dreg:$0x1];
	s11 =	stileid.u32;
	s3 =	simm.s32 $0x0  }
0x3: {  	s14 =	simm.s32 $0x80;
	s15 =	simm.s32 $0x3000;
	s16 =	simm.s32 $0x7000  }
0x4: {  	s17 =	simm.s32 $0x100;
	s18 =	simm.s32 $0xB000;
	s19 =	simm.s32 $0x180  }
0x5: {  	s20 =	simm.s32 $0xF000;
	s21 =	simm.s32 $0x1;
	s22 =	simm.s32 $0x2  }
0x6: {  	s23 =	simm.s32 $0x3;
	s24 =	simm.s32 $0x4;
	s5 =	smul.u32 $0x1800, s11  }
0x7: {  	s28 =	simm.s32 $0x2C80;
	s29 =	simm.s32 $0x2D00;
	s7 =	smul.u32 $0xA00, s11  }
0x8: {  	s30 =	simm.s32 $0x2D80;
	s31 =	simm.s32 $0x0;
	s9 =	smul.u32 $0x15000, s11  }
0x9: {  	s1 =	sand.u32 $0x1, s1;
	[smem:$0x7FF] =	sst s3;
	s10 =	smul.u32 $0x14000, s11  }
0xa: {  	s26 =	sshll.u32 s11, $0x6;
	s4 =	smul.u32 $0x18000, s1;
	_ =	strace $0x8000004A  }
0xb: {  	s6 =	smul.u32 $0xA000, s1;
	s1 =	ssub.s32 $0x2, s1;
	s12 =	sor.u32 $0x1C05, s26  }
0xc: {  	s26 =	simm.s32 $0x2C00;
	s25 =	sshrl.u32 s1, $0x1;
	s9 =	sshrl.u32 s9, $0x2  }
0xd: {  	s10 =	sshrl.u32 s10, $0x2;
	s5 =	sadd.s32 s5, s4;
	s4 =	sadd.s32 $0x37000, s0  }
0xe: {  	s6 =	sadd.s32 s7, s6;
	s1 =	ssub.s32 s1, s25;
	s13 =	sadd.s32 s9, s2  }
0xf: {  	s25 =	sadd.s32 s10, s2;
	s10 =	simm.s32 $0x5;
	s5 =	sshrl.u32 s5, $0x3  }
0x10: {  	s9 =	smax.u32 s1, $0x1;
	s13 =	sshrl.u32 s13, $0x3;
	s25 =	sshrl.u32 s25, $0x3  }
0x11: {  	s8 =	sadd.s32 s5, s0;
	s5 =	sadd.s32 $0x2A400, s0;
	s0 =	sadd.s32 s6, s0  }
0x12: {  	s6 =	sadd.s32 $0x5E200, s8;
	s7 =	sadd.s32 $0x2B400, s8;
	s8 =	sadd.s32 $0x64200, s0  }
.LBB2_1:
0x13: {  	[tilespmem:s3], [sflag:$0x5] =	stream.linear.gather [hbm4b:s6+s3], $0x1600, $0x38;
	[tilespmem:$0x18400] =	vst v63  }
0x14: {  	_ =	swait.ge [sflag:s10], $0x1600  }
0x15: {  	[sflag:s10] =	ssyncset.done $0x0  }
0x16: {  	s0 =	simm.s32 $0x1800;
	[sflag:s10] =	ssyncadd.s32 $0xFFFFEA00  }
0x17: {  	[tilespmem:s0], [sflag:$0x5] =	stream.linear.gather [hbm4b:s7+s3], $0x1600, $0x38;
	[tilespmem:$0x18400] =	vst v63  }
0x18: {  	_ =	swait.ge [sflag:s10], $0x1600  }
0x19: {  	[sflag:s10] =	ssyncset.done $0x0  }
0x1a: {  	[sflag:s10] =	ssyncadd.s32 $0xFFFFEA00  }
0x1b: {  	[spmem:s13], [sflag:s12] =	dma.local [hbm:s5], $0xA80  }
0x1c: {  	_ =	swait.ge [sflag:s10], $0xA80  }
0x1d: {  	[sflag:s10] =	ssyncset.done $0x0  }
0x1e: {  	[sflag:s10] =	ssyncadd.s32 $0xFFFFF580  }
0x1f: {  	[bflag:$0x0] =	sbarrier.arrive $0xFFFF  }
0x20: {  	[tilespmem:s15], [sflag:$0x1] =	stream.indirect.gather [hbm4b:s4+s14], $0x80, s3, s14, $0xb8;
	[tilespmem:$0x18400] =	vst v63  }
0x21: {  	_ = 	snop  }
0x22: {  	[tilespmem:s16], [sflag:$0x2] =	stream.indirect.gather [hbm4b:s4+s14], $0x80, s14, s14, $0xb8;
	[tilespmem:$0x18400] =	vst v63  }
0x23: {  	_ = 	snop  }
0x24: {  	[tilespmem:s18], [sflag:$0x3] =	stream.indirect.gather [hbm4b:s4+s14], $0x80, s17, s14, $0xb8;
	[tilespmem:$0x18400] =	vst v63  }
0x25: {  	_ = 	snop  }
0x26: {  	[tilespmem:s20], [sflag:$0x4] =	stream.indirect.gather [hbm4b:s4+s14], $0x80, s19, s14, $0xb8;
	[tilespmem:$0x18400] =	vst v63  }
0x27: {  	_ =	swait.ge [sflag:s21], $0x4000  }
0x28: {  	[sflag:s21] =	ssyncset.done $0x0  }
0x29: {  	s11 =	simm.s32 $0x1800;
	[sflag:s21] =	ssyncadd.s32 $0xFFFFC000  }
0x2a: {  	[spmem:s2] =	stream.indirect.scatter.add.f32 [tilespmem:s15], [sflag:$0x5], $0x80, s11, s14, $0xb8;
	[tilespmem:$0x18400] =	vst v63  }
0x2b: {  	_ =	swait.ge [sflag:s10], $0x4000  }
0x2c: {  	[sflag:s10] =	ssyncset.done $0x0  }
0x2d: {  	s1 =	simm.s32 $0x200;
	[sflag:s10] =	ssyncadd.s32 $0xFFFFC000  }
0x2e: {  	[tilespmem:s15], [sflag:$0x1] =	stream.indirect.gather [hbm4b:s4+s14], $0x80, s1, s14, $0xb8;
	[tilespmem:$0x18400] =	vst v63  }
0x2f: {  	_ =	swait.ge [sflag:s22], $0x4000  }
0x30: {  	[sflag:s22] =	ssyncset.done $0x0  }
0x31: {  	s11 =	simm.s32 $0x1880;
	[sflag:s22] =	ssyncadd.s32 $0xFFFFC000  }
0x32: {  	[spmem:s2] =	stream.indirect.scatter.add.f32 [tilespmem:s16], [sflag:$0x5], $0x80, s11, s14, $0xb8;
	[tilespmem:$0x18400] =	vst v63  }
0x33: {  	_ =	swait.ge [sflag:s10], $0x4000  }
0x34: {  	[sflag:s10] =	ssyncset.done $0x0  }
0x35: {  	s1 =	simm.s32 $0x280;
	[sflag:s10] =	ssyncadd.s32 $0xFFFFC000  }
0x36: {  	[tilespmem:s16], [sflag:$0x2] =	stream.indirect.gather [hbm4b:s4+s14], $0x80, s1, s14, $0xb8;
	[tilespmem:$0x18400] =	vst v63  }
0x37: {  	_ =	swait.ge [sflag:s23], $0x4000  }
0x38: {  	[sflag:s23] =	ssyncset.done $0x0  }
0x39: {  	s11 =	simm.s32 $0x1900;
	[sflag:s23] =	ssyncadd.s32 $0xFFFFC000  }
0x3a: {  	[spmem:s2] =	stream.indirect.scatter.add.f32 [tilespmem:s18], [sflag:$0x5], $0x80, s11, s14, $0xb8;
	[tilespmem:$0x18400] =	vst v63  }
0x3b: {  	_ =	swait.ge [sflag:s10], $0x4000  }
0x3c: {  	[sflag:s10] =	ssyncset.done $0x0  }
0x3d: {  	s1 =	simm.s32 $0x300;
	[sflag:s10] =	ssyncadd.s32 $0xFFFFC000  }
0x3e: {  	[tilespmem:s18], [sflag:$0x3] =	stream.indirect.gather [hbm4b:s4+s14], $0x80, s1, s14, $0xb8;
	[tilespmem:$0x18400] =	vst v63  }
0x3f: {  	_ =	swait.ge [sflag:s24], $0x4000  }
0x40: {  	[sflag:s24] =	ssyncset.done $0x0  }
0x41: {  	s11 =	simm.s32 $0x1980;
	[sflag:s24] =	ssyncadd.s32 $0xFFFFC000  }
0x42: {  	[spmem:s2] =	stream.indirect.scatter.add.f32 [tilespmem:s20], [sflag:$0x5], $0x80, s11, s14, $0xb8;
	[tilespmem:$0x18400] =	vst v63  }
0x43: {  	_ =	swait.ge [sflag:s10], $0x4000  }
0x44: {  	[sflag:s10] =	ssyncset.done $0x0  }
0x45: {  	s0 =	simm.s32 $0x800;
	s1 =	simm.s32 $0x380;
	[sflag:s10] =	ssyncadd.s32 $0xFFFFC000  }
.LBB2_2:
0x46: {  	[tilespmem:s20], [sflag:$0x4] =	stream.indirect.gather [hbm4b:s4+s14], $0x80, s1, s14, $0xb8;
	[tilespmem:$0x18400] =	vst v63  }
0x47: {  	s1 =	smov.u32 s0  }
0x48: {  	p0 =	sne.s32 s0, $0x4800;
	s0 =	sadd.s32 $0x800, s0;
	_ =	swait.ge [sflag:s21], $0x4000  }
0x49: {  	s1 =	sshra.s32 s1, $0x2;
	[sflag:s21] =	ssyncset.done $0x0  }
0x4a: {  	s11 =	sadd.s32 $0x1800, s1;
	[sflag:s21] =	ssyncadd.s32 $0xFFFFC000  }
0x4b: {  	[spmem:s2] =	stream.indirect.scatter.add.f32 [tilespmem:s15], [sflag:$0x5], $0x80, s11, s14, $0xb8;
	[tilespmem:$0x18400] =	vst v63  }
0x4c: {  	_ =	swait.ge [sflag:s10], $0x4000  }
0x4d: {  	[sflag:s10] =	ssyncset.done $0x0  }
0x4e: {  	s11 =	sadd.s32 $0x200, s1;
	[sflag:s10] =	ssyncadd.s32 $0xFFFFC000  }
0x4f: {  	[tilespmem:s15], [sflag:$0x1] =	stream.indirect.gather [hbm4b:s4+s14], $0x80, s11, s14, $0xb8;
	[tilespmem:$0x18400] =	vst v63  }
0x50: {  	_ =	swait.ge [sflag:s22], $0x4000  }
0x51: {  	[sflag:s22] =	ssyncset.done $0x0  }
0x52: {  	s11 =	sadd.s32 $0x1880, s1;
	[sflag:s22] =	ssyncadd.s32 $0xFFFFC000  }
0x53: {  	[spmem:s2] =	stream.indirect.scatter.add.f32 [tilespmem:s16], [sflag:$0x5], $0x80, s11, s14, $0xb8;
	[tilespmem:$0x18400] =	vst v63  }
0x54: {  	_ =	swait.ge [sflag:s10], $0x4000  }
0x55: {  	[sflag:s10] =	ssyncset.done $0x0  }
0x56: {  	s11 =	sadd.s32 $0x280, s1;
	[sflag:s10] =	ssyncadd.s32 $0xFFFFC000  }
0x57: {  	[tilespmem:s16], [sflag:$0x2] =	stream.indirect.gather [hbm4b:s4+s14], $0x80, s11, s14, $0xb8;
	[tilespmem:$0x18400] =	vst v63  }
0x58: {  	_ =	swait.ge [sflag:s23], $0x4000  }
0x59: {  	[sflag:s23] =	ssyncset.done $0x0  }
0x5a: {  	s11 =	sadd.s32 $0x1900, s1;
	[sflag:s23] =	ssyncadd.s32 $0xFFFFC000  }
0x5b: {  	[spmem:s2] =	stream.indirect.scatter.add.f32 [tilespmem:s18], [sflag:$0x5], $0x80, s11, s14, $0xb8;
	[tilespmem:$0x18400] =	vst v63  }
0x5c: {  	_ =	swait.ge [sflag:s10], $0x4000  }
0x5d: {  	[sflag:s10] =	ssyncset.done $0x0  }
0x5e: {  	s11 =	sadd.s32 $0x300, s1;
	[sflag:s10] =	ssyncadd.s32 $0xFFFFC000  }
0x5f: {  	[tilespmem:s18], [sflag:$0x3] =	stream.indirect.gather [hbm4b:s4+s14], $0x80, s11, s14, $0xb8;
	[tilespmem:$0x18400] =	vst v63  }
0x60: {  	_ =	swait.ge [sflag:s24], $0x4000  }
0x61: {  	[sflag:s24] =	ssyncset.done $0x0  }
.Ltmp0:
0x62: {  	s11 =	sadd.s32 $0x1980, s1;
	[sflag:s24] =	ssyncadd.s32 $0xFFFFC000;
	(pc) =	sbr.rel @p0 .LBB2_2-.Ltmp0, $4  }
0x63: {  	[spmem:s2] =	stream.indirect.scatter.add.f32 [tilespmem:s20], [sflag:$0x5], $0x80, s11, s14, $0xb8;
	[tilespmem:$0x18400] =	vst v63  }
0x64: {  	_ =	swait.ge [sflag:s10], $0x4000  }
0x65: {  	[sflag:s10] =	ssyncset.done $0x0  }
0x66: {  	s1 =	sadd.s32 $0x380, s1;
	[sflag:s10] =	ssyncadd.s32 $0xFFFFC000  }
0x67: {  	[tilespmem:s20], [sflag:$0x4] =	stream.indirect.gather [hbm4b:s4+s14], $0x80, s1, s14, $0xb8;
	[tilespmem:$0x18400] =	vst v63  }
0x68: {  	_ =	swait.ge [sflag:s21], $0x4000  }
0x69: {  	[sflag:s21] =	ssyncset.done $0x0  }
0x6a: {  	[sflag:s21] =	ssyncadd.s32 $0xFFFFC000  }
0x6b: {  	[spmem:s2] =	stream.indirect.scatter.add.f32 [tilespmem:s15], [sflag:$0x5], $0x80, s26, s14, $0xb8;
	[tilespmem:$0x18400] =	vst v63  }
0x6c: {  	_ =	swait.ge [sflag:s10], $0x4000  }
0x6d: {  	[sflag:s10] =	ssyncset.done $0x0  }
0x6e: {  	[sflag:s10] =	ssyncadd.s32 $0xFFFFC000  }
0x6f: {  	_ =	swait.ge [sflag:s22], $0x4000  }
0x70: {  	[sflag:s22] =	ssyncset.done $0x0  }
0x71: {  	[sflag:s22] =	ssyncadd.s32 $0xFFFFC000  }
0x72: {  	[spmem:s2] =	stream.indirect.scatter.add.f32 [tilespmem:s16], [sflag:$0x5], $0x80, s28, s14, $0xb8;
	[tilespmem:$0x18400] =	vst v63  }
0x73: {  	_ =	swait.ge [sflag:s10], $0x4000  }
0x74: {  	[sflag:s10] =	ssyncset.done $0x0  }
0x75: {  	[sflag:s10] =	ssyncadd.s32 $0xFFFFC000  }
0x76: {  	_ =	swait.ge [sflag:s23], $0x4000  }
0x77: {  	[sflag:s23] =	ssyncset.done $0x0  }
0x78: {  	[sflag:s23] =	ssyncadd.s32 $0xFFFFC000  }
0x79: {  	[spmem:s2] =	stream.indirect.scatter.add.f32 [tilespmem:s18], [sflag:$0x5], $0x80, s29, s14, $0xb8;
	[tilespmem:$0x18400] =	vst v63  }
0x7a: {  	_ =	swait.ge [sflag:s10], $0x4000  }
0x7b: {  	[sflag:s10] =	ssyncset.done $0x0  }
0x7c: {  	[sflag:s10] =	ssyncadd.s32 $0xFFFFC000  }
0x7d: {  	_ =	swait.ge [sflag:s24], $0x4000  }
0x7e: {  	[sflag:s24] =	ssyncset.done $0x0  }
0x7f: {  	[sflag:s24] =	ssyncadd.s32 $0xFFFFC000  }
0x80: {  	[spmem:s2] =	stream.indirect.scatter.add.f32 [tilespmem:s20], [sflag:$0x5], $0x80, s30, s14, $0xb8;
	[tilespmem:$0x18400] =	vst v63  }
0x81: {  	_ =	swait.ge [sflag:s10], $0x4000  }
0x82: {  	s31 =	sadd.s32 $0x1, s31;
	[sflag:s10] =	ssyncset.done $0x0  }
0x83: {  	p0 =	sne.s32 s31, s9;
	[sflag:s10] =	ssyncadd.s32 $0xFFFFC000  }
.Ltmp1:
0x84: {  	[bflag:$0x0] =	sbarrier.arrive $0xFFFF;
	(pc) =	sbr.rel @p0 .LBB2_1-.Ltmp1, $4  }
0x85: {  	[hbm:s8], [sflag:s12] =	dma.local [spmem:s25], $0xA00  }
0x86: {  	_ =	swait.ge [sflag:s10], $0xA00  }
0x87: {  	[sflag:s10] =	ssyncset.done $0x0  }
0x88: {  	[sflag:s10] =	ssyncadd.s32 $0xFFFFF600  }
0x89: {  	_ =	sfence.sel $0x180000  }
0x8a: {  	[bflag:$0x0] =	sbarrier.arrive $0xFFFF  }
0x8b: {  	_ =	strace $0x9000004A  }
0x8c: {  	s0 =	stileid.u32;
	[bflag:$0x2] =	sbarrier.arrive $0xFFFF  }
0x8d: {  	p0 =	sne.s32 s0, $0x0;
	s0 =	rddreg [dreg:$0x2]  }
0x8e: {  	s0 =	sadd.s32 @!p0 $0x100000, s0  }
0x8f: {  	[sflag:s0] =	ssyncadd.tile.s32 @!p0 $0x1;
	_ =	shalt  }
.Lfunc_end2:
_tile_overlayer_lowered:
.L_overlay_start_2:
0x90: {  	(tag) =	ssettag $0x2  }
0x91: {  	s0 =	rddreg [dreg:$0x0];
	s2 =	stileid.u32  }
0x92: {  	s1 =	rddreg [dreg:$0x1];
	p0 =	sne.s32 s2, $0x0  }
0x93: {  	s3 =	rddreg [dreg:$0x2];
	[bflag:$0x3] =	sbarrier.arrive $0xFFFF;
	s2 =	simm.s32 @!p0 $0x1C05  }
0x94: {  	[timem:s3], [sflag:s2] =	dma.local @!p0 [hbm:s0], s1  }
0x95: {  	s0 =	simm.s32 @!p0 $0x5  }
0x96: {  	_ =	swait.ge @!p0 [sflag:s0], s1  }
0x97: {  	s1 =	ssub.s32 @!p0 $0x0, s1;
	[sflag:s0] =	ssyncset.done @!p0 $0x0  }
0x98: {  	[sflag:s0] =	ssyncadd.s32 @!p0 s1  }
0x99: {  	[bflag:$0x3] =	sbarrier.arrive $0xFFFF  }
0x9a: {  	_ =	shalt  }

// kernel: kernel.7.cloned.1.call-start
scs
__scs_entry_jumppad:
0x0: {  	(pc) =	sbr.rel $0x88, $3  }
0x1: {  	(tag) =	ssettag $0x0;
	lr =	simm.s32 $0x1  }
0x2: {  	[smem:$0x3F9B] =	sst lr;
	_ =	strace $0xD0000000  }
0x3: {  	_ = 	snop  }
0x4: {  	_ = 	snop  }
0x5: {  	_ = 	snop  }
0x6: {  	_ = 	snop  }
0x7: {  	_ = 	snop  }
__scs_overlays_trampoline_lowered:
0x8: {  	[smem:$0x3FAA] =	sst s0  }
0x9: {  	[smem:$0x3FAB] =	sst s1  }
0xa: {  	[smem:$0x3FAC] =	sst s2  }
0xb: {  	[smem:$0x3FAD] =	sst s3  }
0xc: {  	[smem:$0x3FAE] =	sst s4  }
0xd: {  	[smem:$0x3FAF] =	sst s5  }
0xe: {  	[smem:$0x3FB0] =	sst s6  }
0xf: {  	[smem:$0x3FB1] =	sst s7  }
0x10: {  	[smem:$0x3FB2] =	sst s8  }
0x11: {  	[smem:$0x3FB3] =	sst s9;
	s0 =	simm.s32 @!p0 $0x0  }
0x12: {  	s1 =	sld [smem:$0x3F99];
	s0 =	simm.s32 @p0 $0x1  }
0x13: {  	[smem:$0x3FB4] =	sst s0;
	s0 =	simm.s32 @!p1 $0x0  }
0x14: {  	s2 =	sld [smem:$0x3F98];
	s0 =	simm.s32 @p1 $0x1  }
0x15: {  	[smem:$0x3FB5] =	sst s0;
	s0 =	simm.s32 @!p2 $0x0  }
0x16: {  	s3 =	sld [smem:$0x3FDB];
	s0 =	simm.s32 @p2 $0x1  }
0x17: {  	s4 =	simm.s32 $0x1BF5;
	[smem:$0x3FB7] =	sst s0  }
0x18: {  	s0 =	sld [smem:$0x3F9A];
	_ =	swait.ge [sflag:s4], $0x0  }
0x19: {  	s7 =	sld [smem:$0x3F9B]  }
0x1a: {  	s8 =	sadd.s32 $0xFFFFE003, lr  }
0x1b: {  	s9 =	sadd.s32 $0xFFFFFEF7, lr;
	s5 =	simm.s32 $0xFFFFFFFF;
	p2 =	slt.u32 s8, $0xFFFFF086  }
0x1c: {  	p1 =	slt.u32 s9, $0xF7A;
	s5 =	simm.s32 @!p2 $0x0  }
0x1d: {  	s5 =	simm.s32 @p1 $0x1;
	p0 =	seq.s32 s7, s2  }
0x1e: {  	s7 =	smul.u32 @!p0 $0xF7A, s2;
	p2 =	seq.s32 @!p0 s5, $0x0  }
0x1f: {  	s9 =	smul.u32 $0xF7A, s1;
	s8 =	simm.s32 @!p0 $0x1BF5;
	p2 =	por !p2, p0  }
0x20: {  	[sflag:s8] =	ssyncset.s32 @!p0 $0xFFFFF086;
	s6 =	sadd.s32 @!p0 s3, s7;
	s7 =	simm.s32 @!p0 $0x108  }
0x21: {  	s3 =	sadd.s32 s3, s9;
	s6 =	sadd.s32 @!p0 $0x88, s6;
	s7 =	simm.s32 @p2 $0x1082  }
0x22: {  	[simem:s7], [sflag:s8] =	dma.local @!p0 [hbm:s6], $0xF7A  }
0x23: {  	s9 =	sor.u32 $0xD0000000, s2;
	s6 =	simm.s32 $0x108;
	_ =	swait.ge @!p0 [sflag:s8], $0x0  }
0x24: {  	s3 =	sadd.s32 $0x88, s3;
	s6 =	simm.s32 @!p1 $0x1082;
	[sflag:s4] =	ssyncset.s32 $0xFFFFF086  }
0x25: {  	[simem:s6], [sflag:s4] =	dma.local [hbm:s3], $0xF7A  }
0x26: {  	[smem:$0x3F9B] =	sst s1;
	(tag) =	ssettag s2;
	_ =	strace s9  }
0x27: {  	s1 =	sld [smem:$0x3FAB]  }
0x28: {  	s2 =	sld [smem:$0x3FAC]  }
0x29: {  	s4 =	sld [smem:$0x3FAE]  }
0x2a: {  	p0 =	seq.s32 s5, $0x0;
	s5 =	sld [smem:$0x3FAF]  }
0x2b: {  	s6 =	sld [smem:$0x3FB0]  }
0x2c: {  	s7 =	sld [smem:$0x3FB1]  }
0x2d: {  	s3 =	simm.s32 $0x108;
	s8 =	sld [smem:$0x3FB2]  }
0x2e: {  	s3 =	simm.s32 @!p0 $0x1082;
	s9 =	sld [smem:$0x3FB3]  }
0x2f: {  	lr =	sadd.s32 s0, s3;
	s0 =	sld [smem:$0x3FAA]  }
0x30: {  	s3 =	sld [smem:$0x3FAD]  }
0x31: {  	[smem:$0x3FB6] =	sst s10  }
0x32: {  	s10 =	sld [smem:$0x3FB4];
	_ =	sdelay $0x3  }
0x33: {  	p0 =	seq.s32 s10, $0x1;
	s10 =	sld [smem:$0x3FB6];
	_ =	sdelay $0x3  }
0x34: {  	[smem:$0x3FB6] =	sst s10  }
0x35: {  	s10 =	sld [smem:$0x3FB5];
	_ =	sdelay $0x3  }
0x36: {  	p1 =	seq.s32 s10, $0x1;
	s10 =	sld [smem:$0x3FB6];
	_ =	sdelay $0x3  }
0x37: {  	[smem:$0x3FB6] =	sst s10  }
0x38: {  	s10 =	sld [smem:$0x3FB7]  }
0x39: {  	_ = 	snop;
	(pc) =	sbr.ind lr, $3  }
0x3a: {  	_ = 	snop  }
0x3b: {  	_ = 	snop  }
0x3c: {  	p2 =	seq.s32 s10, $0x1;
	s10 =	sld [smem:$0x3FB6]  }
0x3d: {  	_ =	shalt  }
0x3e: {  	_ =	shalt  }
0x3f: {  	_ =	shalt  }
0x40: {  	_ =	shalt  }
0x41: {  	_ =	shalt  }
0x42: {  	_ =	shalt  }
0x43: {  	_ =	shalt  }
0x44: {  	_ =	shalt  }
0x45: {  	_ =	shalt  }
0x46: {  	_ =	shalt  }
0x47: {  	_ =	shalt  }
0x48: {  	_ =	shalt  }
0x49: {  	_ =	shalt  }
0x4a: {  	_ =	shalt  }
0x4b: {  	_ =	shalt  }
0x4c: {  	_ =	shalt  }
0x4d: {  	_ =	shalt  }
0x4e: {  	_ =	shalt  }
0x4f: {  	_ =	shalt  }
0x50: {  	_ =	shalt  }
0x51: {  	_ =	shalt  }
0x52: {  	_ =	shalt  }
0x53: {  	_ =	shalt  }
0x54: {  	_ =	shalt  }
0x55: {  	_ =	shalt  }
0x56: {  	_ =	shalt  }
0x57: {  	_ =	shalt  }
0x58: {  	_ =	shalt  }
0x59: {  	_ =	shalt  }
0x5a: {  	_ =	shalt  }
0x5b: {  	_ =	shalt  }
0x5c: {  	_ =	shalt  }
0x5d: {  	_ =	shalt  }
0x5e: {  	_ =	shalt  }
0x5f: {  	_ =	shalt  }
0x60: {  	_ =	shalt  }
0x61: {  	_ =	shalt  }
0x62: {  	_ =	shalt  }
0x63: {  	_ =	shalt  }
0x64: {  	_ =	shalt  }
0x65: {  	_ =	shalt  }
0x66: {  	_ =	shalt  }
0x67: {  	_ =	shalt  }
0x68: {  	_ =	shalt  }
0x69: {  	_ =	shalt  }
0x6a: {  	_ =	shalt  }
0x6b: {  	_ =	shalt  }
0x6c: {  	_ =	shalt  }
0x6d: {  	_ =	shalt  }
0x6e: {  	_ =	shalt  }
0x6f: {  	_ =	shalt  }
0x70: {  	_ =	shalt  }
0x71: {  	_ =	shalt  }
0x72: {  	_ =	shalt  }
0x73: {  	_ =	shalt  }
0x74: {  	_ =	shalt  }
0x75: {  	_ =	shalt  }
0x76: {  	_ =	shalt  }
0x77: {  	_ =	shalt  }
0x78: {  	_ =	shalt  }
0x79: {  	_ =	shalt  }
0x7a: {  	_ =	shalt  }
0x7b: {  	_ =	shalt  }
0x7c: {  	_ =	shalt  }
0x7d: {  	_ =	shalt  }
0x7e: {  	_ =	shalt  }
0x7f: {  	_ =	shalt  }
0x80: {  	_ =	shalt  }
0x81: {  	_ =	shalt  }
0x82: {  	_ =	shalt  }
0x83: {  	_ =	shalt  }
0x84: {  	_ =	shalt  }
0x85: {  	_ =	shalt  }
0x86: {  	_ =	shalt  }
0x87: {  	_ =	shalt  }
.Lfunc_end0:
.L_simem_size_0:
called_computation.1_lowered:
.L_overlay_start_0:
0x88: {  	s2 =	sld [smem:$0x3FD9]  }
0x89: {  	s3 =	sld [smem:$0x3FFE];
	_ =	sdelay $0x1  }
0x8a: {  	s1 =	srdreg.scid  }
0x8b: {  	s0 =	sand.u32 $0x1, s1  }
0x8c: {  	s16 =	sshll.u32 s0, $0xA;
	s2 =	sadd.s32 s3, s2  }
0x8d: {  	s2 =	sadd.s32 s2, s16  }
0x8e: {  	[smem:$0x3FC2] =	sst s2  }
0x8f: {  	_ = 	snop  }
0x90: {  	(tm) =	ssettm $0x1  }
0x91: {  	s17 =	sld [smem:$0x3FFB];
	_ =	sdelay $0x3  }
0x92: {  	_ =	strace s17  }
0x93: {  	s2 =	sld [smem:$0x3FFC];
	_ =	sdelay $0x3  }
0x94: {  	_ =	strace s2  }
0x95: {  	s2 =	sld [smem:$0x3FFD];
	_ =	sdelay $0x3  }
0x96: {  	_ =	strace s2  }
0x97: {  	_ =	strace $0x8FFFFFFF  }
0x98: {  	s18 =	sld [smem:$0x3FDB];
	_ =	sdelay $0x1  }
0x99: {  	s19 =	simm.s32 $_scs_section_size  }
0x9a: {  	s4 =	simm.s32 $_size__tile_overlayer_lowered;
	s5 =	simm.s32 $_tile_overlayer_lowered  }
0x9b: {  	s22 =	simm.s32 $0x1BFF;
	s21 =	sshll.u32 s5, $0x1;
	s2 =	sadd.s32 s19, s18  }
0x9c: {  	s6 =	simm.s32 $0x0;
	s20 =	sshll.u32 s4, $0x1;
	s4 =	sadd.s32 s21, s2  }
0x9d: {  	[timem:s6], [sflag:s22] =	dma.local [hbm:s4], s20  }
0x9e: {  	_ =	swait.ge [sflag:s22], s20  }
0x9f: {  	s3 =	ssub.s32 $0x0, s20;
	[sflag:s22] =	ssyncset.done $0x0  }
0xa0: {  	[sflag:s22] =	ssyncadd.s32 s3;
	_ =	sdelay $0x1  }
0xa1: {  	s23 =	simm.s32 $0x1B8B  }
0xa2: {  	_ =	swait.ge [sflag:s23], $0x1  }
0xa3: {  	[sflag:s23] =	ssyncset.done $0x0  }
0xa4: {  	s25 =	simm.s32 $0x1B8E;
	s24 =	sld [smem:$0x3FFE];
	[sflag:s23] =	ssyncadd.s32 $0xFFFFFFFF  }
0xa5: {  	s26 =	simm.s32 $execute0_lowered;
	[smem:$0x3FD2] =	sst s25  }
0xa6: {  	s4 =	sshll.u32 s26, $0x1;
	_ =	strace $0x80000046;
	[dreg:$0x1] =	wrdreg $0xFFFFFFFF  }
0xa7: {  	s28 =	simm.s32 $_size_execute0_lowered;
	s2 =	sadd.s32 s2, s4;
	[dreg:$0x0] =	wrdreg $0x0  }
0xa8: {  	s4 =	sshll.u32 s28, $0x1;
	[dreg:$0x2] =	wrdreg s2  }
0xa9: {  	[dreg:$0x3] =	wrdreg s4  }
0xaa: {  	[dreg:$0x4] =	wrdreg $0xC0  }
0xab: {  	_ =	task [dreg:s6], $0x5FFFF  }
0xac: {  	[dreg:$0x1] =	wrdreg $0xFFFFFFFF  }
0xad: {  	[dreg:$0x0] =	wrdreg $0x60  }
0xae: {  	[dreg:$0x2] =	wrdreg s24  }
0xaf: {  	[dreg:$0x3] =	wrdreg $0x9  }
0xb0: {  	_ =	task.clear_ibuf [dreg:s6], $0x4FFFF;
	_ =	strace $0x90000046  }
0xb1: {  	s29 =	simm.s32 $0x9;
	_ =	strace $0x80000048  }
0xb2: {  	_ =	swait.ge [sflag:s29], $0x1  }
0xb3: {  	[sflag:s29] =	ssyncadd.s32 $0xFFFFFFFF  }
0xb4: {  	_ =	strace $0x90000048  }
0xb5: {  	_ =	sfence  }
0xb6: {  	s30 =	sld [smem:$0x0];
	_ =	sdelay $0x2  }
0xb7: {  	s31 =	sshll.u32 s1, $0xD;
	s1 =	sshrl.u32 s1, $0x2  }
0xb8: {  	s3 =	sand.u32 $0x4000, s31;
	s1 =	sadd.s32 s1, s30  }
0xb9: {  	s0 =	sor.u32 s3, s0;
	s1 =	sshll.u32 s1, $0x11  }
0xba: {  	s0 =	sor.u32 s1, s0  }
0xbb: {  	s0 =	sadd.s32 $0x8F2B, s0  }
0xbc: {  	[sflag:s0] =	ssyncadd.remote.s32 $0x1  }
0xbd: {  	_ =	sfence.sel $0xFFFF  }
0xbe: {  	[dreg:$0x0] =	wrdreg $0xFFFFFFFF;
	(pc) =	sbr.abs _section_cstart, $3  }
0xbf: {  	[dreg:$0x1] =	wrdreg $0xFFFFFFFF  }
0xc0: {  	_ =	task.clear_ibuf [dreg:s6], $0x2FFFF;
	_ =	strace $0x9FFFFFFF  }
0xc1: {  	(tm) =	ssettm $0x7FFFFFFF  }
tec
execute0_lowered:
.L_overlay_start_1:
0x0: {  	(tag) =	ssettag $0x1  }
0x1: {  	s0 =	rddreg [dreg:$0x0];
	s1 =	srdreg.scid  }
0x2: {  	s4 =	stileid.u32;
	s2 =	simm.s32 $0x0;
	s28 =	simm.s32 $0x1F00  }
0x3: {  	s29 =	simm.s32 $0x4B00;
	s30 =	simm.s32 $0x2A00;
	s31 =	simm.s32 $0x5600  }
0x4: {  	s1 =	sand.u32 $0x1, s1;
	s3 =	sshll.u32 s4, $0x1;
	[smem:$0x7FF] =	sst s2  }
0x5: {  	s4 =	sshrl.u32 s4, $0x2;
	s7 =	sadd.s32 $0xD000, s0;
	s8 =	sadd.s32 $0x3200, s0  }
0x6: {  	s9 =	sadd.s32 $0x16E00, s0;
	s19 =	sadd.s32 $0x21E00, s0;
	s6 =	smul.u32 $0x14000, s4  }
0x7: {  	s3 =	sor.u32 s1, s3;
	_ =	strace $0x80000047;
	s4 =	smul.u32 $0x5800, s4  }
0x8: {  	s1 =	ssub.s32 $0x2, s1;
	s5 =	sshll.u32 s3, $0x7;
	s10 =	smul.u32 $0x2710, s3  }
0x9: {  	s13 =	sshrl.u32 s1, $0x1;
	s3 =	smul.u32 $0x137, s3;
	s5 =	sand.u32 $0x380, s5  }
0xa: {  	s1 =	ssub.s32 s1, s13;
	s6 =	sor.u32 s6, s5;
	s10 =	sshrl.u32 s10, $0x3  }
0xb: {  	s4 =	sor.u32 s4, s5;
	s5 =	simm.s32 $0x400;
	s6 =	sshrl.u32 s6, $0x3  }
0xc: {  	s14 =	sadd.s32 s7, s10;
	s15 =	sadd.s32 s8, s10;
	s16 =	sadd.s32 $0x140, s10  }
0xd: {  	s17 =	sadd.s32 $0x280, s10;
	s10 =	sadd.s32 $0x3C0, s10;
	s22 =	sshrl.u32 s4, $0x3  }
0xe: {  	s24 =	sadd.s32 $0x16000, s4;
	s26 =	sadd.s32 $0x2C000, s4;
	[dreg:$0x2] =	wrdreg s14  }
0xf: {  	s4 =	sadd.s32 $0x42000, s4;
	[dreg:$0x3] =	wrdreg s15;
	s11 =	sadd.s32 s7, s16  }
0x10: {  	s0 =	sadd.s32 s6, s0;
	s6 =	sadd.s32 s8, s16;
	[dreg:$0x4] =	wrdreg s11  }
0x11: {  	s18 =	sadd.s32 s7, s17;
	s20 =	sadd.s32 s8, s17;
	[dreg:$0x5] =	wrdreg s6  }
0x12: {  	s21 =	sadd.s32 s7, s10;
	s23 =	sadd.s32 s8, s10;
	[dreg:$0x6] =	wrdreg s18  }
0x13: {  	s12 =	sadd.s32 s9, s22;
	s13 =	sadd.s32 s19, s22;
	[dreg:$0x7] =	wrdreg s20  }
0x14: {  	s25 =	sshrl.u32 s24, $0x3;
	s4 =	sshrl.u32 s4, $0x3;
	[dreg:$0x8] =	wrdreg s21  }
0x15: {  	s22 =	simm.s32 $0x1;
	s24 =	simm.s32 $0x6C00;
	[dreg:$0x9] =	wrdreg s23  }
0x16: {  	s14 =	sadd.s32 s9, s25;
	s6 =	sshrl.u32 s26, $0x3;
	s15 =	sadd.s32 s19, s25  }
0x17: {  	s18 =	sadd.s32 s9, s4;
	s20 =	sadd.s32 $0x2CE00, s0;
	s21 =	smax.u32 s1, $0x1  }
0x18: {  	s23 =	simm.s32 $0xA00;
	s25 =	simm.s32 $0x1400;
	s26 =	simm.s32 $0x4000  }
0x19: {  	v0 =	vlaneseq.u32;
	s0 =	simm.s32 $0x3500;
	s1 =	simm.s32 $0x6100;
	s16 =	sadd.s32 s9, s6  }
0x1a: {  	v1 =	vimm.f32 $0.0e+00;
	v3 =	vimm.s32 $0x0;
	v2 =	vmul.u32 $0x191, v0;
	s17 =	sadd.s32 s19, s6;
	s19 =	sadd.s32 s19, s4;
	s4 =	simm.s32 $0x80  }
.LBB2_1:
0x1b: {  	s6 =	simm.s32 $0x0  }
.LBB2_2:
0x1c: {  	p0 =	sne.s32 s6, $0x9FC0  }
.Ltmp0:
0x1d: {  	_ = 	snop;
	(pc) =	sbr.rel @p0 .LBB2_2-.Ltmp0, $3  }
0x1e: {  	_ =	sdelay $0x1  }
0x1f: {  	s7 =	sshra.s32 s6, $0x2  }
0x20: {  	s6 =	sadd.s32 $0x40, s6;
	[tilespmem:s7+$0x6C00] =	vst v1  }
0x21: {  	s6 =	simm.s32 $0x0  }
0x22: {  	v4 =	vor.u32 s6, v0  }
0x23: {  	s11 =	sadd.s32 $0x0, s3;
	v4 =	vand.u32 $0x7F, v4  }
0x24: {  	v6 =	vadd.s32 s11, v2;
	s6 =	simm.s32 $0x0;
	v5 =	vor.u32 $0xA00, v4  }
0x25: {  	v4 =	vand.u32 $0x1FFF, v6;
	[tilespmem:s6+$0x6100] =	vst v5  }
0x26: {  	[tilespmem:s6+$0x1400] =	vst v4  }
0x27: {  	[tilespmem:s6+$0x4000] =	vst v5  }
0x28: {  	[tilespmem:s6+$0x1F00] =	vst v4  }
0x29: {  	s8 =	simm.s32 $0x10;
	[tilespmem:s6+$0x4B00] =	vst v5  }
0x2a: {  	s7 =	simm.s32 $0x40;
	s9 =	simm.s32 $0x80;
	s10 =	simm.s32 $0x70;
	v6 =	vor.u32 s8, v0;
	[tilespmem:s6+$0x2A00] =	vst v4  }
.LBB2_4:
0x2b: {  	p0 =	sne.s32 s9, $0x2BC0;
	s11 =	sadd.s32 s3, s10;
	v6 =	vand.u32 $0x7F, v6;
	[tilespmem:s6+$0x5600] =	vst v5  }
0x2c: {  	v7 =	vadd.s32 s11, v2;
	v5 =	vor.u32 $0xA00, v6;
	[tilespmem:s6+$0x3500] =	vst v4;
	s6 =	sshra.s32 s7, $0x2;
	s7 =	smov.u32 s9  }
0x2d: {  	v4 =	vand.u32 $0x1FFF, v7;
	[tilespmem:s6+$0x6100] =	vst v5  }
.Ltmp1:
0x2e: {  	[tilespmem:s6+$0x1400] =	vst v4;
	(pc) =	sbr.rel @p0 .LBB2_4-.Ltmp1, $4  }
0x2f: {  	[tilespmem:s6+$0x4000] =	vst v5  }
0x30: {  	[tilespmem:s6+$0x1F00] =	vst v4  }
0x31: {  	s8 =	sadd.s32 $0x10, s8;
	[tilespmem:s6+$0x4B00] =	vst v5  }
0x32: {  	s10 =	sadd.s32 $0x70, s10;
	v6 =	vor.u32 s8, v0;
	s9 =	sadd.s32 $0x40, s9;
	[tilespmem:s6+$0x2A00] =	vst v4  }
0x33: {  	v6 =	vand.u32 $0x7F, v6;
	[tilespmem:s6+$0x5600] =	vst v5  }
0x34: {  	s7 =	sshra.s32 s7, $0x2;
	[tilespmem:s6+$0x3500] =	vst v4;
	v6 =	vor.u32 $0xA00, v6  }
0x35: {  	[tilespmem:s7+$0x6100] =	vst v6  }
0x36: {  	s8 =	sadd.s32 s3, s10;
	[tilespmem:s7+$0x4000] =	vst v6  }
0x37: {  	v5 =	vadd.s32 s8, v2;
	[tilespmem:s7+$0x4B00] =	vst v6  }
0x38: {  	v4 =	vand.u32 $0x1FFF, v5;
	[tilespmem:s7+$0x5600] =	vst v6  }
0x39: {  	[tilespmem:s7+$0x1400] =	vst v4  }
0x3a: {  	[tilespmem:s7+$0x1F00] =	vst v4  }
0x3b: {  	[tilespmem:s7+$0x2A00] =	vst v4  }
0x3c: {  	s9 =	rddreg [dreg:$0x2];
	s8 =	simm.s32 $0x0;
	[tilespmem:s7+$0x3500] =	vst v4  }
0x3d: {  	[tilespmem:s8], [sflag:$0x1] =	stream.linear.gather [hbm4b:s9+s8], $0xA00, $0x38;
	[tilespmem:$0x9400] =	vst v63  }
0x3e: {  	_ =	swait.ge [sflag:s22], $0xA00  }
0x3f: {  	[sflag:s22] =	ssyncset.done $0x0  }
0x40: {  	s10 =	rddreg [dreg:$0x3];
	[sflag:s22] =	ssyncadd.s32 $0xFFFFF600  }
0x41: {  	[tilespmem:s23], [sflag:$0x1] =	stream.linear.gather [hbm4b:s10+s8], $0xA00, $0x38;
	[tilespmem:$0x9400] =	vst v63  }
0x42: {  	_ =	swait.ge [sflag:s22], $0xA00  }
0x43: {  	[sflag:s22] =	ssyncset.done $0x0  }
0x44: {  	s11 =	simm.s32 $0x0;
	[sflag:s22] =	ssyncadd.s32 $0xFFFFF600  }
0x45: {  	v4 =	vld [tilespmem:s11+$0xA00];
	_ =	sdelay $0x4  }
0x46: {  	(xrf1) =	vunique.msk.u32 $0xffff, v4  }
0x47: {  	v5 =	vshra.s32 v4, $0x9  }
0x48: {  	v5 =	vmul.u32 $0xCCD, v5;
	_ =	sdelay $0x1  }
0x49: {  	v5 =	vshra.s32 v5, $0xE  }
0x4a: {  	vm3 =	veq.s32 v5, $0x0  }
0x4b: {  	v6 =	vsel vm3, $0x1, v3  }
0x4c: {  	(xrf0) =	vadd.scan.msk.s32 $0xffff, v6  }
0x4d: {  	vm2 =	veq.s32 v5, $0x1  }
0x4e: {  	vm1 =	veq.s32 v5, $0x2;
	v6 =	vsel vm2, $0x1, v3  }
0x4f: {  	(xrf0) =	vadd.scan.msk.s32 $0xffff, v6;
	v6 =	vsel vm1, $0x1, v3;
	_ =	sdelay $0x2  }
0x50: {  	(xrf0) =	vadd.scan.msk.s32 $0xffff, v6;
	v6, _, _ =	vpop (xrf0)  }
0x51: {  	v8 =	vimm.s32 $0x0;
	vm0 =	veq.s32 v5, $0x3;
	_, v7, vm4 =	vpop (xrf1)  }
0x52: {  	v10 =	vsel vm0, $0x1, v3;
	v6 =	vadd.s32 v6, v8  }
0x53: {  	v12 =	vld [tilespmem:s11+$0x0];
	(xrf0) =	vadd.scan.msk.s32 $0xffff, v10;
	v6 =	vadd.s32 $0xFFFFFFFF, v6  }
0x54: {  	v5 =	vmul.u32 $0xFFFFF600, v5;
	v9, _, _ =	vpop (xrf0)  }
0x55: {  	v9 =	vadd.s32 v9, v8;
	v7 =	vcvt.s32.f32 v7  }
0x56: {  	v13 =	vadd.s32 v4, v5;
	v10, _, _ =	vpop (xrf0);
	v9 =	vadd.s32 $0xFFFFFFFF, v9  }
0x57: {  	v5 =	vmpcnt.ones.xlane vm1;
	v10 =	vadd.s32 v10, v8;
	[tilespmem:v4+s24+$0x0] =	vst.idx.add.f32.msk vm4, v7;
	v7 =	vmpcnt.ones.xlane vm3  }
0x58: {  	v11 =	vmpcnt.ones.xlane vm0;
	v10 =	vadd.s32 $0xFFFFFFFF, v10;
	v4 =	vmpcnt.ones.xlane vm2;
	[tilespmem:v6+s25+$0x0] =	vst.idx.msk vm3, v12  }
0x59: {  	v5 =	vadd.s32 v8, v5;
	v14, _, _ =	vpop (xrf0);
	[tilespmem:v6+s26+$0x0] =	vst.idx.msk vm3, v13;
	v6 =	vadd.s32 v8, v7  }
0x5a: {  	v7 =	vadd.s32 v8, v4;
	v4 =	vadd.s32 v8, v11;
	v8 =	vadd.s32 v14, v8  }
0x5b: {  	[tilespmem:v9+s28+$0x0] =	vst.idx.msk vm2, v12;
	v14 =	vadd.s32 $0xFFFFFFFF, v8  }
0x5c: {  	[tilespmem:v9+s29+$0x0] =	vst.idx.msk vm2, v13  }
0x5d: {  	[tilespmem:v10+s30+$0x0] =	vst.idx.msk vm1, v12  }
0x5e: {  	s6 =	simm.s32 $0x40;
	s7 =	simm.s32 $0x80;
	v11 =	vmovc v6;
	v9 =	vmov v5;
	v8 =	vmov v4;
	[tilespmem:v10+s31+$0x0] =	vst.idx.msk vm1, v13;
	v10 =	vmov v7  }
.LBB2_6:
0x5f: {  	p0 =	sne.s32 s7, $0x27C0  }
0x60: {  	s8 =	sshra.s32 s6, $0x2;
	[tilespmem:v14+s0+$0x0] =	vst.idx.msk vm0, v12;
	s6 =	smov.u32 s7;
	s7 =	sadd.s32 $0x40, s7  }
0x61: {  	[tilespmem:v14+s1+$0x0] =	vst.idx.msk vm0, v13  }
0x62: {  	v13 =	vld [tilespmem:s8+$0xA00];
	_ =	sdelay $0x4  }
0x63: {  	v12 =	vshra.s32 v13, $0x9;
	(xrf1) =	vunique.msk.u32 $0xffff, v13  }
0x64: {  	v12 =	vmul.u32 $0xCCD, v12;
	_ =	sdelay $0x2  }
0x65: {  	v12 =	vshra.s32 v12, $0xE  }
0x66: {  	v14 =	vmul.u32 $0xFFFFF600, v12;
	vm1 =	veq.s32 v12, $0x0  }
0x67: {  	v15 =	vsel vm1, $0x1, v3;
	v16 =	vmpcnt.ones.xlane vm1  }
0x68: {  	vm2 =	veq.s32 v12, $0x1;
	(xrf0) =	vadd.scan.msk.s32 $0xffff, v15  }
0x69: {  	v6 =	vadd.s32 v6, v16;
	v15 =	vsel vm2, $0x1, v3;
	v16 =	vmpcnt.ones.xlane vm2  }
0x6a: {  	vm3 =	veq.s32 v12, $0x2;
	(xrf0) =	vadd.scan.msk.s32 $0xffff, v15  }
0x6b: {  	v17 =	vmpcnt.ones.xlane vm3;
	v7 =	vadd.s32 v7, v16;
	v15 =	vsel vm3, $0x1, v3  }
0x6c: {  	vm0 =	veq.s32 v12, $0x3;
	(xrf0) =	vadd.scan.msk.s32 $0xffff, v15  }
0x6d: {  	v12 =	vsel vm0, $0x1, v3;
	v18 =	vmpcnt.ones.xlane vm0;
	v5 =	vadd.s32 v5, v17  }
0x6e: {  	v16, _, _ =	vpop (xrf0);
	(xrf0) =	vadd.scan.msk.s32 $0xffff, v12  }
0x6f: {  	v4 =	vadd.s32 v4, v18;
	v16 =	vadd.s32 v16, v11;
	_, v15, vm4 =	vpop (xrf1);
	v11 =	vmov v6  }
0x70: {  	v12 =	vld [tilespmem:s8+$0x0];
	v17, _, _ =	vpop (xrf0)  }
0x71: {  	v16 =	vadd.s32 $0xFFFFFFFF, v16;
	v17 =	vadd.s32 v17, v10;
	v10 =	vmov v7  }
0x72: {  	v15 =	vcvt.s32.f32 v15;
	v17 =	vadd.s32 $0xFFFFFFFF, v17;
	v18, _, _ =	vpop (xrf0)  }
0x73: {  	v18 =	vadd.s32 v18, v9;
	v9 =	vmov v5  }
0x74: {  	v18 =	vadd.s32 $0xFFFFFFFF, v18;
	v19, _, _ =	vpop (xrf0)  }
0x75: {  	[tilespmem:v13+s24+$0x0] =	vst.idx.add.f32.msk vm4, v15;
	v13 =	vadd.s32 v13, v14;
	v14 =	vadd.s32 v19, v8;
	v8 =	vmov v4  }
0x76: {  	[tilespmem:v16+s25+$0x0] =	vst.idx.msk vm1, v12;
	v14 =	vadd.s32 $0xFFFFFFFF, v14  }
.Ltmp2:
0x77: {  	[tilespmem:v16+s26+$0x0] =	vst.idx.msk vm1, v13;
	(pc) =	sbr.rel @p0 .LBB2_6-.Ltmp2, $4  }
0x78: {  	[tilespmem:v17+s28+$0x0] =	vst.idx.msk vm2, v12  }
0x79: {  	[tilespmem:v17+s29+$0x0] =	vst.idx.msk vm2, v13  }
0x7a: {  	[tilespmem:v18+s30+$0x0] =	vst.idx.msk vm3, v12  }
0x7b: {  	[tilespmem:v18+s31+$0x0] =	vst.idx.msk vm3, v13  }
0x7c: {  	_ =	sdelay $0x4  }
0x7d: {  	[tilespmem:v14+s0+$0x0] =	vst.idx.msk vm0, v12  }
0x7e: {  	s6 =	sshra.s32 s6, $0x2;
	[tilespmem:v14+s1+$0x0] =	vst.idx.msk vm0, v13  }
0x7f: {  	v12 =	vld [tilespmem:s6+$0xA00];
	_ =	sdelay $0x4  }
0x80: {  	(xrf1) =	vunique.msk.u32 $0xffff, v12  }
0x81: {  	v13 =	vshra.s32 v12, $0x9  }
0x82: {  	v13 =	vmul.u32 $0xCCD, v13;
	_ =	sdelay $0x1  }
0x83: {  	v13 =	vshra.s32 v13, $0xE  }
0x84: {  	vm2 =	veq.s32 v13, $0x0  }
0x85: {  	v14 =	vsel vm2, $0x1, v3  }
0x86: {  	vm3 =	veq.s32 v13, $0x1;
	(xrf0) =	vadd.scan.msk.s32 $0xffff, v14  }
0x87: {  	vm0 =	veq.s32 v13, $0x2;
	v14 =	vsel vm3, $0x1, v3  }
0x88: {  	vm1 =	veq.s32 v13, $0x3;
	(xrf0) =	vadd.scan.msk.s32 $0xffff, v14;
	v14 =	vsel vm0, $0x1, v3  }
0x89: {  	(xrf0) =	vadd.scan.msk.s32 $0xffff, v14;
	v14 =	vsel vm1, $0x1, v3;
	_ =	sdelay $0x2  }
0x8a: {  	v15, _, _ =	vpop (xrf0)  }
0x8b: {  	(xrf0) =	vadd.scan.msk.s32 $0xffff, v14;
	_, v14, vm4 =	vpop (xrf1)  }
0x8c: {  	v11 =	vadd.s32 v15, v11  }
0x8d: {  	v15 =	vld [tilespmem:s6+$0x0];
	v16, _, _ =	vpop (xrf0);
	v11 =	vadd.s32 $0xFFFFFFFF, v11  }
0x8e: {  	v10 =	vadd.s32 v16, v10  }
0x8f: {  	v61, _, _ =	vpop (xrf0);
	v14 =	vcvt.s32.f32 v14;
	v10 =	vadd.s32 $0xFFFFFFFF, v10  }
0x90: {  	v13 =	vmul.u32 $0xFFFFF600, v13;
	v9 =	vadd.s32 v61, v9  }
0x91: {  	v9 =	vadd.s32 $0xFFFFFFFF, v9;
	v62, _, _ =	vpop (xrf0);
	[tilespmem:v12+s24+$0x0] =	vst.idx.add.f32.msk vm4, v14  }
0x92: {  	v8 =	vadd.s32 v62, v8;
	v12 =	vadd.s32 v12, v13;
	[tilespmem:v11+s25+$0x0] =	vst.idx.msk vm2, v15  }
0x93: {  	v8 =	vadd.s32 $0xFFFFFFFF, v8;
	[tilespmem:v11+s26+$0x0] =	vst.idx.msk vm2, v12  }
0x94: {  	[tilespmem:v10+s28+$0x0] =	vst.idx.msk vm3, v15  }
0x95: {  	[tilespmem:v10+s29+$0x0] =	vst.idx.msk vm3, v12  }
0x96: {  	[tilespmem:v9+s30+$0x0] =	vst.idx.msk vm0, v15  }
0x97: {  	[tilespmem:v9+s31+$0x0] =	vst.idx.msk vm0, v12  }
0x98: {  	[tilespmem:v8+s0+$0x0] =	vst.idx.msk vm1, v15  }
0x99: {  	s9 =	simm.s32 $0x0;
	s7 =	rddreg [dreg:$0x4];
	[tilespmem:v8+s1+$0x0] =	vst.idx.msk vm1, v12  }
0x9a: {  	[tilespmem:s9], [sflag:$0x1] =	stream.linear.gather [hbm4b:s7+s9], $0xA00, $0x38;
	[tilespmem:$0x9400] =	vst v63  }
0x9b: {  	_ =	swait.ge [sflag:s22], $0xA00  }
0x9c: {  	[sflag:s22] =	ssyncset.done $0x0  }
0x9d: {  	s10 =	rddreg [dreg:$0x5];
	[sflag:s22] =	ssyncadd.s32 $0xFFFFF600  }
0x9e: {  	[tilespmem:s23], [sflag:$0x1] =	stream.linear.gather [hbm4b:s10+s9], $0xA00, $0x38;
	[tilespmem:$0x9400] =	vst v63  }
0x9f: {  	_ =	swait.ge [sflag:s22], $0xA00  }
0xa0: {  	[sflag:s22] =	ssyncset.done $0x0  }
0xa1: {  	s11 =	simm.s32 $0x0;
	[sflag:s22] =	ssyncadd.s32 $0xFFFFF600  }
0xa2: {  	v8 =	vld [tilespmem:s11+$0xA00];
	_ =	sdelay $0x4  }
0xa3: {  	(xrf1) =	vunique.msk.u32 $0xffff, v8;
	_ =	sdelay $0x3  }
0xa4: {  	v9 =	vshra.s32 v8, $0x9  }
0xa5: {  	v9 =	vmul.u32 $0xCCD, v9;
	_ =	sdelay $0x1  }
0xa6: {  	v9 =	vshra.s32 v9, $0xE  }
0xa7: {  	vm6 =	veq.s32 v9, $0x0  }
0xa8: {  	v11 =	vmpcnt.ones.xlane vm2;
	vm5 =	veq.s32 v9, $0x1;
	v10 =	vsel vm6, $0x1, v3  }
0xa9: {  	vm15 =	veq.s32 v9, $0x2;
	(xrf0) =	vadd.scan.msk.s32 $0xffff, v10;
	v10 =	vsel vm5, $0x1, v3  }
0xaa: {  	(xrf0) =	vadd.scan.msk.s32 $0xffff, v10;
	v10 =	vsel vm15, $0x1, v3  }
0xab: {  	(xrf0) =	vadd.scan.msk.s32 $0xffff, v10;
	_ =	sdelay $0x1  }
0xac: {  	v13 =	vmpcnt.ones.xlane vm0;
	v6 =	vadd.s32 v6, v11;
	_, v11, vm2 =	vpop (xrf1)  }
0xad: {  	v10 =	vmpcnt.ones.xlane vm3  }
0xae: {  	v5 =	vadd.s32 v5, v13;
	vm0 =	veq.s32 v9, $0x3;
	v9 =	vmul.u32 $0xFFFFF600, v9;
	v12, _, _ =	vpop (xrf0)  }
0xaf: {  	v15 =	vsel vm0, $0x1, v3;
	v7 =	vadd.s32 v7, v10;
	v10 =	vadd.s32 v12, v6;
	v14, _, _ =	vpop (xrf0)  }
0xb0: {  	(xrf0) =	vadd.scan.msk.s32 $0xffff, v15;
	v12 =	vld [tilespmem:s11+$0x0];
	v10 =	vadd.s32 $0xFFFFFFFF, v10;
	v14 =	vadd.s32 v14, v7;
	v13, _, _ =	vpop (xrf0);
	v11 =	vcvt.s32.f32 v11  }
0xb1: {  	v14 =	vadd.s32 $0xFFFFFFFF, v14;
	v13 =	vadd.s32 v13, v5  }
0xb2: {  	[tilespmem:v8+s24+$0x0] =	vst.idx.add.f32.msk vm2, v11;
	v11 =	vadd.s32 $0xFFFFFFFF, v13;
	v13 =	vadd.s32 v8, v9;
	v8 =	vmpcnt.ones.xlane vm5;
	_ =	sdelay $0x1  }
0xb3: {  	v15 =	vmpcnt.ones.xlane vm1  }
0xb4: {  	[tilespmem:v10+s25+$0x0] =	vst.idx.msk vm6, v12  }
0xb5: {  	[tilespmem:v10+s26+$0x0] =	vst.idx.msk vm6, v13;
	v10 =	vadd.s32 v4, v15;
	v7 =	vadd.s32 v7, v8;
	v8, _, _ =	vpop (xrf0)  }
0xb6: {  	v63 =	vmpcnt.ones.xlane vm6;
	v9 =	vmpcnt.ones.xlane vm15;
	[tilespmem:v14+s28+$0x0] =	vst.idx.msk vm5, v12;
	v8 =	vadd.s32 v8, v10  }
0xb7: {  	v4 =	vmpcnt.ones.xlane vm0;
	[tilespmem:v14+s29+$0x0] =	vst.idx.msk vm5, v13;
	v14 =	vadd.s32 $0xFFFFFFFF, v8  }
0xb8: {  	v6 =	vadd.s32 v6, v63  }
0xb9: {  	v5 =	vadd.s32 v5, v9;
	v4 =	vadd.s32 v10, v4;
	[tilespmem:v11+s30+$0x0] =	vst.idx.msk vm15, v12  }
0xba: {  	s6 =	simm.s32 $0x40;
	s7 =	simm.s32 $0x80;
	v9 =	vmovc v5;
	v10 =	vmov v7;
	[tilespmem:v11+s31+$0x0] =	vst.idx.msk vm15, v13;
	v11 =	vmov v6;
	v8 =	vmov v4  }
.LBB2_8:
0xbb: {  	p0 =	sne.s32 s7, $0x27C0  }
0xbc: {  	s8 =	sshra.s32 s6, $0x2;
	[tilespmem:v14+s0+$0x0] =	vst.idx.msk vm0, v12;
	s6 =	smov.u32 s7;
	s7 =	sadd.s32 $0x40, s7  }
0xbd: {  	[tilespmem:v14+s1+$0x0] =	vst.idx.msk vm0, v13  }
0xbe: {  	v13 =	vld [tilespmem:s8+$0xA00];
	_ =	sdelay $0x4  }
0xbf: {  	v12 =	vshra.s32 v13, $0x9;
	(xrf1) =	vunique.msk.u32 $0xffff, v13  }
0xc0: {  	v12 =	vmul.u32 $0xCCD, v12;
	_ =	sdelay $0x2  }
0xc1: {  	v12 =	vshra.s32 v12, $0xE  }
0xc2: {  	v14 =	vmul.u32 $0xFFFFF600, v12;
	vm1 =	veq.s32 v12, $0x0  }
0xc3: {  	v15 =	vsel vm1, $0x1, v3;
	v16 =	vmpcnt.ones.xlane vm1  }
0xc4: {  	vm2 =	veq.s32 v12, $0x1;
	(xrf0) =	vadd.scan.msk.s32 $0xffff, v15  }
0xc5: {  	v6 =	vadd.s32 v6, v16;
	v15 =	vsel vm2, $0x1, v3;
	v16 =	vmpcnt.ones.xlane vm2  }
0xc6: {  	vm3 =	veq.s32 v12, $0x2;
	(xrf0) =	vadd.scan.msk.s32 $0xffff, v15  }
0xc7: {  	v17 =	vmpcnt.ones.xlane vm3;
	v7 =	vadd.s32 v7, v16;
	v15 =	vsel vm3, $0x1, v3  }
0xc8: {  	vm0 =	veq.s32 v12, $0x3;
	(xrf0) =	vadd.scan.msk.s32 $0xffff, v15  }
0xc9: {  	v12 =	vsel vm0, $0x1, v3;
	v18 =	vmpcnt.ones.xlane vm0;
	v5 =	vadd.s32 v5, v17  }
0xca: {  	v16, _, _ =	vpop (xrf0);
	(xrf0) =	vadd.scan.msk.s32 $0xffff, v12  }
0xcb: {  	v4 =	vadd.s32 v4, v18;
	v16 =	vadd.s32 v16, v11;
	_, v15, vm4 =	vpop (xrf1);
	v11 =	vmov v6  }
0xcc: {  	v12 =	vld [tilespmem:s8+$0x0];
	v17, _, _ =	vpop (xrf0)  }
0xcd: {  	v16 =	vadd.s32 $0xFFFFFFFF, v16;
	v17 =	vadd.s32 v17, v10;
	v10 =	vmov v7  }
0xce: {  	v15 =	vcvt.s32.f32 v15;
	v17 =	vadd.s32 $0xFFFFFFFF, v17;
	v18, _, _ =	vpop (xrf0)  }
0xcf: {  	v18 =	vadd.s32 v18, v9;
	v9 =	vmov v5  }
0xd0: {  	v18 =	vadd.s32 $0xFFFFFFFF, v18;
	v19, _, _ =	vpop (xrf0)  }
0xd1: {  	[tilespmem:v13+s24+$0x0] =	vst.idx.add.f32.msk vm4, v15;
	v13 =	vadd.s32 v13, v14;
	v14 =	vadd.s32 v19, v8;
	v8 =	vmov v4  }
0xd2: {  	[tilespmem:v16+s25+$0x0] =	vst.idx.msk vm1, v12;
	v14 =	vadd.s32 $0xFFFFFFFF, v14  }
.Ltmp3:
0xd3: {  	[tilespmem:v16+s26+$0x0] =	vst.idx.msk vm1, v13;
	(pc) =	sbr.rel @p0 .LBB2_8-.Ltmp3, $4  }
0xd4: {  	[tilespmem:v17+s28+$0x0] =	vst.idx.msk vm2, v12  }
0xd5: {  	[tilespmem:v17+s29+$0x0] =	vst.idx.msk vm2, v13  }
0xd6: {  	[tilespmem:v18+s30+$0x0] =	vst.idx.msk vm3, v12  }
0xd7: {  	[tilespmem:v18+s31+$0x0] =	vst.idx.msk vm3, v13  }
0xd8: {  	_ =	sdelay $0x4  }
0xd9: {  	[tilespmem:v14+s0+$0x0] =	vst.idx.msk vm0, v12  }
0xda: {  	s6 =	sshra.s32 s6, $0x2;
	[tilespmem:v14+s1+$0x0] =	vst.idx.msk vm0, v13  }
0xdb: {  	v12 =	vld [tilespmem:s6+$0xA00];
	_ =	sdelay $0x4  }
0xdc: {  	(xrf1) =	vunique.msk.u32 $0xffff, v12  }
0xdd: {  	v13 =	vshra.s32 v12, $0x9  }
0xde: {  	v13 =	vmul.u32 $0xCCD, v13;
	_ =	sdelay $0x1  }
0xdf: {  	v13 =	vshra.s32 v13, $0xE  }
0xe0: {  	vm2 =	veq.s32 v13, $0x0  }
0xe1: {  	v14 =	vsel vm2, $0x1, v3  }
0xe2: {  	vm3 =	veq.s32 v13, $0x1;
	(xrf0) =	vadd.scan.msk.s32 $0xffff, v14  }
0xe3: {  	vm0 =	veq.s32 v13, $0x2;
	v14 =	vsel vm3, $0x1, v3  }
0xe4: {  	vm1 =	veq.s32 v13, $0x3;
	(xrf0) =	vadd.scan.msk.s32 $0xffff, v14;
	v14 =	vsel vm0, $0x1, v3  }
0xe5: {  	(xrf0) =	vadd.scan.msk.s32 $0xffff, v14;
	v14 =	vsel vm1, $0x1, v3;
	_ =	sdelay $0x2  }
0xe6: {  	v15, _, _ =	vpop (xrf0)  }
0xe7: {  	(xrf0) =	vadd.scan.msk.s32 $0xffff, v14;
	_, v14, vm4 =	vpop (xrf1)  }
0xe8: {  	v11 =	vadd.s32 v15, v11  }
0xe9: {  	v15 =	vld [tilespmem:s6+$0x0];
	v16, _, _ =	vpop (xrf0);
	v11 =	vadd.s32 $0xFFFFFFFF, v11  }
0xea: {  	v10 =	vadd.s32 v16, v10  }
0xeb: {  	v61, _, _ =	vpop (xrf0);
	v14 =	vcvt.s32.f32 v14;
	v10 =	vadd.s32 $0xFFFFFFFF, v10  }
0xec: {  	v13 =	vmul.u32 $0xFFFFF600, v13;
	v9 =	vadd.s32 v61, v9  }
0xed: {  	v9 =	vadd.s32 $0xFFFFFFFF, v9;
	v62, _, _ =	vpop (xrf0);
	[tilespmem:v12+s24+$0x0] =	vst.idx.add.f32.msk vm4, v14  }
0xee: {  	v8 =	vadd.s32 v62, v8;
	v12 =	vadd.s32 v12, v13;
	[tilespmem:v11+s25+$0x0] =	vst.idx.msk vm2, v15  }
0xef: {  	v8 =	vadd.s32 $0xFFFFFFFF, v8;
	[tilespmem:v11+s26+$0x0] =	vst.idx.msk vm2, v12  }
0xf0: {  	[tilespmem:v10+s28+$0x0] =	vst.idx.msk vm3, v15  }
0xf1: {  	[tilespmem:v10+s29+$0x0] =	vst.idx.msk vm3, v12  }
0xf2: {  	[tilespmem:v9+s30+$0x0] =	vst.idx.msk vm0, v15  }
0xf3: {  	[tilespmem:v9+s31+$0x0] =	vst.idx.msk vm0, v12  }
0xf4: {  	[tilespmem:v8+s0+$0x0] =	vst.idx.msk vm1, v15  }
0xf5: {  	s9 =	simm.s32 $0x0;
	s7 =	rddreg [dreg:$0x6];
	[tilespmem:v8+s1+$0x0] =	vst.idx.msk vm1, v12  }
0xf6: {  	[tilespmem:s9], [sflag:$0x1] =	stream.linear.gather [hbm4b:s7+s9], $0xA00, $0x38;
	[tilespmem:$0x9400] =	vst v63  }
0xf7: {  	_ =	swait.ge [sflag:s22], $0xA00  }
0xf8: {  	[sflag:s22] =	ssyncset.done $0x0  }
0xf9: {  	s10 =	rddreg [dreg:$0x7];
	[sflag:s22] =	ssyncadd.s32 $0xFFFFF600  }
0xfa: {  	[tilespmem:s23], [sflag:$0x1] =	stream.linear.gather [hbm4b:s10+s9], $0xA00, $0x38;
	[tilespmem:$0x9400] =	vst v63  }
0xfb: {  	_ =	swait.ge [sflag:s22], $0xA00  }
0xfc: {  	[sflag:s22] =	ssyncset.done $0x0  }
0xfd: {  	s11 =	simm.s32 $0x0;
	[sflag:s22] =	ssyncadd.s32 $0xFFFFF600  }
0xfe: {  	v8 =	vld [tilespmem:s11+$0xA00];
	_ =	sdelay $0x4  }
0xff: {  	(xrf1) =	vunique.msk.u32 $0xffff, v8;
	_ =	sdelay $0x3  }
0x100: {  	v9 =	vshra.s32 v8, $0x9  }
0x101: {  	v9 =	vmul.u32 $0xCCD, v9;
	_ =	sdelay $0x1  }
0x102: {  	v9 =	vshra.s32 v9, $0xE  }
0x103: {  	vm6 =	veq.s32 v9, $0x0  }
0x104: {  	v11 =	vmpcnt.ones.xlane vm2;
	vm5 =	veq.s32 v9, $0x1;
	v10 =	vsel vm6, $0x1, v3  }
0x105: {  	vm15 =	veq.s32 v9, $0x2;
	(xrf0) =	vadd.scan.msk.s32 $0xffff, v10;
	v10 =	vsel vm5, $0x1, v3  }
0x106: {  	(xrf0) =	vadd.scan.msk.s32 $0xffff, v10;
	v10 =	vsel vm15, $0x1, v3  }
0x107: {  	(xrf0) =	vadd.scan.msk.s32 $0xffff, v10;
	_ =	sdelay $0x1  }
0x108: {  	v13 =	vmpcnt.ones.xlane vm0;
	v6 =	vadd.s32 v6, v11;
	_, v11, vm2 =	vpop (xrf1)  }
0x109: {  	v10 =	vmpcnt.ones.xlane vm3  }
0x10a: {  	v5 =	vadd.s32 v5, v13;
	vm0 =	veq.s32 v9, $0x3;
	v9 =	vmul.u32 $0xFFFFF600, v9;
	v12, _, _ =	vpop (xrf0)  }
0x10b: {  	v15 =	vsel vm0, $0x1, v3;
	v7 =	vadd.s32 v7, v10;
	v10 =	vadd.s32 v12, v6;
	v14, _, _ =	vpop (xrf0)  }
0x10c: {  	(xrf0) =	vadd.scan.msk.s32 $0xffff, v15;
	v12 =	vld [tilespmem:s11+$0x0];
	v10 =	vadd.s32 $0xFFFFFFFF, v10;
	v14 =	vadd.s32 v14, v7;
	v13, _, _ =	vpop (xrf0);
	v11 =	vcvt.s32.f32 v11  }
0x10d: {  	v14 =	vadd.s32 $0xFFFFFFFF, v14;
	v13 =	vadd.s32 v13, v5  }
0x10e: {  	[tilespmem:v8+s24+$0x0] =	vst.idx.add.f32.msk vm2, v11;
	v11 =	vadd.s32 $0xFFFFFFFF, v13;
	v13 =	vadd.s32 v8, v9;
	v8 =	vmpcnt.ones.xlane vm5;
	_ =	sdelay $0x1  }
0x10f: {  	v15 =	vmpcnt.ones.xlane vm1  }
0x110: {  	[tilespmem:v10+s25+$0x0] =	vst.idx.msk vm6, v12  }
0x111: {  	[tilespmem:v10+s26+$0x0] =	vst.idx.msk vm6, v13;
	v10 =	vadd.s32 v4, v15;
	v7 =	vadd.s32 v7, v8;
	v8, _, _ =	vpop (xrf0)  }
0x112: {  	v63 =	vmpcnt.ones.xlane vm6;
	v9 =	vmpcnt.ones.xlane vm15;
	[tilespmem:v14+s28+$0x0] =	vst.idx.msk vm5, v12;
	v8 =	vadd.s32 v8, v10  }
0x113: {  	v4 =	vmpcnt.ones.xlane vm0;
	[tilespmem:v14+s29+$0x0] =	vst.idx.msk vm5, v13;
	v14 =	vadd.s32 $0xFFFFFFFF, v8  }
0x114: {  	v6 =	vadd.s32 v6, v63  }
0x115: {  	v5 =	vadd.s32 v5, v9;
	v4 =	vadd.s32 v10, v4;
	[tilespmem:v11+s30+$0x0] =	vst.idx.msk vm15, v12  }
0x116: {  	s6 =	simm.s32 $0x40;
	s7 =	simm.s32 $0x80;
	v9 =	vmovc v5;
	v10 =	vmov v7;
	[tilespmem:v11+s31+$0x0] =	vst.idx.msk vm15, v13;
	v11 =	vmov v6;
	v8 =	vmov v4  }
.LBB2_10:
0x117: {  	p0 =	sne.s32 s7, $0x27C0  }
0x118: {  	s8 =	sshra.s32 s6, $0x2;
	[tilespmem:v14+s0+$0x0] =	vst.idx.msk vm0, v12;
	s6 =	smov.u32 s7;
	s7 =	sadd.s32 $0x40, s7  }
0x119: {  	[tilespmem:v14+s1+$0x0] =	vst.idx.msk vm0, v13  }
0x11a: {  	v13 =	vld [tilespmem:s8+$0xA00];
	_ =	sdelay $0x4  }
0x11b: {  	v12 =	vshra.s32 v13, $0x9;
	(xrf1) =	vunique.msk.u32 $0xffff, v13  }
0x11c: {  	v12 =	vmul.u32 $0xCCD, v12;
	_ =	sdelay $0x2  }
0x11d: {  	v12 =	vshra.s32 v12, $0xE  }
0x11e: {  	v14 =	vmul.u32 $0xFFFFF600, v12;
	vm1 =	veq.s32 v12, $0x0  }
0x11f: {  	v15 =	vsel vm1, $0x1, v3;
	v16 =	vmpcnt.ones.xlane vm1  }
0x120: {  	vm2 =	veq.s32 v12, $0x1;
	(xrf0) =	vadd.scan.msk.s32 $0xffff, v15  }
0x121: {  	v6 =	vadd.s32 v6, v16;
	v15 =	vsel vm2, $0x1, v3;
	v16 =	vmpcnt.ones.xlane vm2  }
0x122: {  	vm3 =	veq.s32 v12, $0x2;
	(xrf0) =	vadd.scan.msk.s32 $0xffff, v15  }
0x123: {  	v17 =	vmpcnt.ones.xlane vm3;
	v7 =	vadd.s32 v7, v16;
	v15 =	vsel vm3, $0x1, v3  }
0x124: {  	vm0 =	veq.s32 v12, $0x3;
	(xrf0) =	vadd.scan.msk.s32 $0xffff, v15  }
0x125: {  	v12 =	vsel vm0, $0x1, v3;
	v18 =	vmpcnt.ones.xlane vm0;
	v5 =	vadd.s32 v5, v17  }
0x126: {  	v16, _, _ =	vpop (xrf0);
	(xrf0) =	vadd.scan.msk.s32 $0xffff, v12  }
0x127: {  	v4 =	vadd.s32 v4, v18;
	v16 =	vadd.s32 v16, v11;
	_, v15, vm4 =	vpop (xrf1);
	v11 =	vmov v6  }
0x128: {  	v12 =	vld [tilespmem:s8+$0x0];
	v17, _, _ =	vpop (xrf0)  }
0x129: {  	v16 =	vadd.s32 $0xFFFFFFFF, v16;
	v17 =	vadd.s32 v17, v10;
	v10 =	vmov v7  }
0x12a: {  	v15 =	vcvt.s32.f32 v15;
	v17 =	vadd.s32 $0xFFFFFFFF, v17;
	v18, _, _ =	vpop (xrf0)  }
0x12b: {  	v18 =	vadd.s32 v18, v9;
	v9 =	vmov v5  }
0x12c: {  	v18 =	vadd.s32 $0xFFFFFFFF, v18;
	v19, _, _ =	vpop (xrf0)  }
0x12d: {  	[tilespmem:v13+s24+$0x0] =	vst.idx.add.f32.msk vm4, v15;
	v13 =	vadd.s32 v13, v14;
	v14 =	vadd.s32 v19, v8;
	v8 =	vmov v4  }
0x12e: {  	[tilespmem:v16+s25+$0x0] =	vst.idx.msk vm1, v12;
	v14 =	vadd.s32 $0xFFFFFFFF, v14  }
.Ltmp4:
0x12f: {  	[tilespmem:v16+s26+$0x0] =	vst.idx.msk vm1, v13;
	(pc) =	sbr.rel @p0 .LBB2_10-.Ltmp4, $4  }
0x130: {  	[tilespmem:v17+s28+$0x0] =	vst.idx.msk vm2, v12  }
0x131: {  	[tilespmem:v17+s29+$0x0] =	vst.idx.msk vm2, v13  }
0x132: {  	[tilespmem:v18+s30+$0x0] =	vst.idx.msk vm3, v12  }
0x133: {  	[tilespmem:v18+s31+$0x0] =	vst.idx.msk vm3, v13  }
0x134: {  	_ =	sdelay $0x4  }
0x135: {  	[tilespmem:v14+s0+$0x0] =	vst.idx.msk vm0, v12  }
0x136: {  	s6 =	sshra.s32 s6, $0x2;
	[tilespmem:v14+s1+$0x0] =	vst.idx.msk vm0, v13  }
0x137: {  	v12 =	vld [tilespmem:s6+$0xA00];
	_ =	sdelay $0x4  }
0x138: {  	(xrf1) =	vunique.msk.u32 $0xffff, v12  }
0x139: {  	v13 =	vshra.s32 v12, $0x9  }
0x13a: {  	v13 =	vmul.u32 $0xCCD, v13;
	_ =	sdelay $0x1  }
0x13b: {  	v13 =	vshra.s32 v13, $0xE  }
0x13c: {  	vm2 =	veq.s32 v13, $0x0  }
0x13d: {  	v14 =	vsel vm2, $0x1, v3  }
0x13e: {  	vm3 =	veq.s32 v13, $0x1;
	(xrf0) =	vadd.scan.msk.s32 $0xffff, v14  }
0x13f: {  	vm0 =	veq.s32 v13, $0x2;
	v14 =	vsel vm3, $0x1, v3  }
0x140: {  	vm1 =	veq.s32 v13, $0x3;
	(xrf0) =	vadd.scan.msk.s32 $0xffff, v14;
	v14 =	vsel vm0, $0x1, v3  }
0x141: {  	(xrf0) =	vadd.scan.msk.s32 $0xffff, v14;
	v14 =	vsel vm1, $0x1, v3;
	_ =	sdelay $0x2  }
0x142: {  	v15, _, _ =	vpop (xrf0)  }
0x143: {  	(xrf0) =	vadd.scan.msk.s32 $0xffff, v14;
	_, v14, vm4 =	vpop (xrf1)  }
0x144: {  	v11 =	vadd.s32 v15, v11  }
0x145: {  	v15 =	vld [tilespmem:s6+$0x0];
	v16, _, _ =	vpop (xrf0);
	v11 =	vadd.s32 $0xFFFFFFFF, v11  }
0x146: {  	v10 =	vadd.s32 v16, v10  }
0x147: {  	v61, _, _ =	vpop (xrf0);
	v14 =	vcvt.s32.f32 v14;
	v10 =	vadd.s32 $0xFFFFFFFF, v10  }
0x148: {  	v13 =	vmul.u32 $0xFFFFF600, v13;
	v9 =	vadd.s32 v61, v9  }
0x149: {  	v9 =	vadd.s32 $0xFFFFFFFF, v9;
	v62, _, _ =	vpop (xrf0);
	[tilespmem:v12+s24+$0x0] =	vst.idx.add.f32.msk vm4, v14  }
0x14a: {  	v8 =	vadd.s32 v62, v8;
	v12 =	vadd.s32 v12, v13;
	[tilespmem:v11+s25+$0x0] =	vst.idx.msk vm2, v15  }
0x14b: {  	v8 =	vadd.s32 $0xFFFFFFFF, v8;
	[tilespmem:v11+s26+$0x0] =	vst.idx.msk vm2, v12  }
0x14c: {  	[tilespmem:v10+s28+$0x0] =	vst.idx.msk vm3, v15  }
0x14d: {  	[tilespmem:v10+s29+$0x0] =	vst.idx.msk vm3, v12  }
0x14e: {  	[tilespmem:v9+s30+$0x0] =	vst.idx.msk vm0, v15  }
0x14f: {  	[tilespmem:v9+s31+$0x0] =	vst.idx.msk vm0, v12  }
0x150: {  	[tilespmem:v8+s0+$0x0] =	vst.idx.msk vm1, v15  }
0x151: {  	s9 =	simm.s32 $0x0;
	s7 =	rddreg [dreg:$0x8];
	[tilespmem:v8+s1+$0x0] =	vst.idx.msk vm1, v12  }
0x152: {  	[tilespmem:s9], [sflag:$0x1] =	stream.linear.gather [hbm4b:s7+s9], $0x910, $0x38;
	[tilespmem:$0x9400] =	vst v63  }
0x153: {  	_ =	swait.ge [sflag:s22], $0x910  }
0x154: {  	[sflag:s22] =	ssyncset.done $0x0  }
0x155: {  	s10 =	rddreg [dreg:$0x9];
	[sflag:s22] =	ssyncadd.s32 $0xFFFFF6F0  }
0x156: {  	[tilespmem:s23], [sflag:$0x1] =	stream.linear.gather [hbm4b:s10+s9], $0x910, $0x38;
	[tilespmem:$0x9400] =	vst v63  }
0x157: {  	_ =	swait.ge [sflag:s22], $0x910  }
0x158: {  	[sflag:s22] =	ssyncset.done $0x0  }
0x159: {  	s11 =	simm.s32 $0x0;
	[sflag:s22] =	ssyncadd.s32 $0xFFFFF6F0  }
0x15a: {  	v8 =	vld [tilespmem:s11+$0xA00];
	_ =	sdelay $0x4  }
0x15b: {  	(xrf1) =	vunique.msk.u32 $0xffff, v8  }
0x15c: {  	v9 =	vshra.s32 v8, $0x9  }
0x15d: {  	v9 =	vmul.u32 $0xCCD, v9;
	_ =	sdelay $0x1  }
0x15e: {  	v9 =	vshra.s32 v9, $0xE  }
0x15f: {  	vm6 =	veq.s32 v9, $0x0  }
0x160: {  	v10 =	vsel vm6, $0x1, v3  }
0x161: {  	(xrf0) =	vadd.scan.msk.s32 $0xffff, v10  }
0x162: {  	vm5 =	veq.s32 v9, $0x1  }
0x163: {  	v11 =	vmpcnt.ones.xlane vm2;
	v10 =	vsel vm5, $0x1, v3  }
0x164: {  	vm15 =	veq.s32 v9, $0x2;
	(xrf0) =	vadd.scan.msk.s32 $0xffff, v10  }
0x165: {  	v10 =	vsel vm15, $0x1, v3  }
0x166: {  	(xrf0) =	vadd.scan.msk.s32 $0xffff, v10  }
0x167: {  	v10 =	vmpcnt.ones.xlane vm3;
	v12, _, _ =	vpop (xrf0)  }
0x168: {  	v13 =	vmpcnt.ones.xlane vm0;
	v6 =	vadd.s32 v6, v11;
	vm0 =	veq.s32 v9, $0x3;
	_, v11, vm2 =	vpop (xrf1)  }
0x169: {  	v15 =	vsel vm0, $0x1, v3;
	v7 =	vadd.s32 v7, v10;
	v10 =	vadd.s32 v12, v6  }
0x16a: {  	(xrf0) =	vadd.scan.msk.s32 $0xffff, v15;
	v12 =	vld [tilespmem:s11+$0x0];
	v14, _, _ =	vpop (xrf0);
	v10 =	vadd.s32 $0xFFFFFFFF, v10  }
0x16b: {  	v14 =	vadd.s32 v14, v7  }
0x16c: {  	v5 =	vadd.s32 v5, v13;
	v13, _, _ =	vpop (xrf0);
	v11 =	vcvt.s32.f32 v11;
	v14 =	vadd.s32 $0xFFFFFFFF, v14  }
0x16d: {  	v9 =	vmul.u32 $0xFFFFF600, v9;
	v63 =	vmpcnt.ones.xlane vm6;
	v13 =	vadd.s32 v13, v5  }
0x16e: {  	v17 =	vmpcnt.ones.xlane vm15;
	v15 =	vadd.s32 $0xFFFFFFFF, v13;
	[tilespmem:v8+s24+$0x0] =	vst.idx.add.f32.msk vm2, v11;
	v11 =	vmpcnt.ones.xlane vm1  }
0x16f: {  	v13 =	vadd.s32 v8, v9;
	v8 =	vadd.s32 v6, v63;
	v6 =	vmpcnt.ones.xlane vm0;
	[tilespmem:v10+s25+$0x0] =	vst.idx.msk vm6, v12  }
0x170: {  	[tilespmem:v10+s26+$0x0] =	vst.idx.msk vm6, v13;
	v4 =	vadd.s32 v4, v11;
	v10 =	vadd.s32 v5, v17;
	v5, _, _ =	vpop (xrf0)  }
0x171: {  	[tilespmem:v14+s28+$0x0] =	vst.idx.msk vm5, v12;
	v11 =	vadd.s32 v4, v6;
	v4 =	vadd.s32 v5, v4  }
0x172: {  	v9 =	vmpcnt.ones.xlane vm5;
	[tilespmem:v14+s29+$0x0] =	vst.idx.msk vm5, v13;
	v14 =	vadd.s32 $0xFFFFFFFF, v4;
	_ =	sdelay $0x1  }
0x173: {  	v9 =	vadd.s32 v7, v9;
	[tilespmem:v15+s30+$0x0] =	vst.idx.msk vm15, v12  }
0x174: {  	s6 =	simm.s32 $0x40;
	s7 =	simm.s32 $0x80;
	v7 =	vmovc v8;
	v5 =	vmov v10;
	v6 =	vmov v9;
	[tilespmem:v15+s31+$0x0] =	vst.idx.msk vm15, v13;
	v4 =	vmov v11  }
.LBB2_12:
0x175: {  	p0 =	sne.s32 s7, $0x2400  }
0x176: {  	s8 =	sshra.s32 s6, $0x2;
	[tilespmem:v14+s0+$0x0] =	vst.idx.msk vm0, v12;
	s6 =	smov.u32 s7;
	s7 =	sadd.s32 $0x40, s7  }
0x177: {  	[tilespmem:v14+s1+$0x0] =	vst.idx.msk vm0, v13  }
0x178: {  	v13 =	vld [tilespmem:s8+$0xA00];
	_ =	sdelay $0x4  }
0x179: {  	v12 =	vshra.s32 v13, $0x9;
	(xrf1) =	vunique.msk.u32 $0xffff, v13  }
0x17a: {  	v12 =	vmul.u32 $0xCCD, v12;
	_ =	sdelay $0x2  }
0x17b: {  	v12 =	vshra.s32 v12, $0xE  }
0x17c: {  	v14 =	vmul.u32 $0xFFFFF600, v12;
	vm1 =	veq.s32 v12, $0x0  }
0x17d: {  	v15 =	vsel vm1, $0x1, v3;
	v16 =	vmpcnt.ones.xlane vm1  }
0x17e: {  	vm2 =	veq.s32 v12, $0x1;
	(xrf0) =	vadd.scan.msk.s32 $0xffff, v15  }
0x17f: {  	v8 =	vadd.s32 v8, v16;
	v15 =	vsel vm2, $0x1, v3;
	v16 =	vmpcnt.ones.xlane vm2  }
0x180: {  	vm3 =	veq.s32 v12, $0x2;
	(xrf0) =	vadd.scan.msk.s32 $0xffff, v15  }
0x181: {  	v17 =	vmpcnt.ones.xlane vm3;
	v9 =	vadd.s32 v9, v16;
	v15 =	vsel vm3, $0x1, v3  }
0x182: {  	vm0 =	veq.s32 v12, $0x3;
	(xrf0) =	vadd.scan.msk.s32 $0xffff, v15  }
0x183: {  	v12 =	vsel vm0, $0x1, v3;
	v18 =	vmpcnt.ones.xlane vm0;
	v10 =	vadd.s32 v10, v17  }
0x184: {  	v16, _, _ =	vpop (xrf0);
	(xrf0) =	vadd.scan.msk.s32 $0xffff, v12  }
0x185: {  	v11 =	vadd.s32 v11, v18;
	v16 =	vadd.s32 v16, v7;
	_, v15, vm4 =	vpop (xrf1);
	v7 =	vmov v8  }
0x186: {  	v12 =	vld [tilespmem:s8+$0x0];
	v17, _, _ =	vpop (xrf0)  }
0x187: {  	v16 =	vadd.s32 $0xFFFFFFFF, v16;
	v17 =	vadd.s32 v17, v6;
	v6 =	vmov v9  }
0x188: {  	v15 =	vcvt.s32.f32 v15;
	v17 =	vadd.s32 $0xFFFFFFFF, v17;
	v18, _, _ =	vpop (xrf0)  }
0x189: {  	v18 =	vadd.s32 v18, v5;
	v5 =	vmov v10  }
0x18a: {  	v18 =	vadd.s32 $0xFFFFFFFF, v18;
	v19, _, _ =	vpop (xrf0)  }
0x18b: {  	[tilespmem:v13+s24+$0x0] =	vst.idx.add.f32.msk vm4, v15;
	v13 =	vadd.s32 v13, v14;
	v14 =	vadd.s32 v19, v4;
	v4 =	vmov v11  }
0x18c: {  	[tilespmem:v16+s25+$0x0] =	vst.idx.msk vm1, v12;
	v14 =	vadd.s32 $0xFFFFFFFF, v14  }
.Ltmp5:
0x18d: {  	[tilespmem:v16+s26+$0x0] =	vst.idx.msk vm1, v13;
	(pc) =	sbr.rel @p0 .LBB2_12-.Ltmp5, $4  }
0x18e: {  	[tilespmem:v17+s28+$0x0] =	vst.idx.msk vm2, v12  }
0x18f: {  	[tilespmem:v17+s29+$0x0] =	vst.idx.msk vm2, v13  }
0x190: {  	[tilespmem:v18+s30+$0x0] =	vst.idx.msk vm3, v12  }
0x191: {  	[tilespmem:v18+s31+$0x0] =	vst.idx.msk vm3, v13  }
0x192: {  	_ =	sdelay $0x4  }
0x193: {  	[tilespmem:v14+s0+$0x0] =	vst.idx.msk vm0, v12  }
0x194: {  	s6 =	sshra.s32 s6, $0x2;
	[tilespmem:v14+s1+$0x0] =	vst.idx.msk vm0, v13  }
0x195: {  	v8 =	vld [tilespmem:s6+$0xA00];
	_ =	sdelay $0x4  }
0x196: {  	(xrf1) =	vunique.msk.u32 $0xffff, v8  }
0x197: {  	v9 =	vshra.s32 v8, $0x9  }
0x198: {  	v9 =	vmul.u32 $0xCCD, v9;
	_ =	sdelay $0x1  }
0x199: {  	v9 =	vshra.s32 v9, $0xE  }
0x19a: {  	vm15 =	veq.s32 v9, $0x0  }
0x19b: {  	v10 =	vsel vm15, $0x1, v3  }
0x19c: {  	(xrf0) =	vadd.scan.msk.s32 $0xffff, v10  }
0x19d: {  	vm1 =	veq.s32 v9, $0x1  }
0x19e: {  	v56 =	vsel vm1, $0x1, v3  }
0x19f: {  	vm2 =	veq.s32 v9, $0x2;
	(xrf0) =	vadd.scan.msk.s32 $0xffff, v56  }
0x1a0: {  	v57 =	vsel vm2, $0x1, v3  }
0x1a1: {  	vm3 =	veq.s32 v9, $0x3;
	(xrf0) =	vadd.scan.msk.s32 $0xffff, v57  }
0x1a2: {  	v58 =	vsel vm3, $0x1, v3;
	v11, _, _ =	vpop (xrf0)  }
0x1a3: {  	(xrf0) =	vadd.scan.msk.s32 $0xffff, v58;
	_, v59, vm4 =	vpop (xrf1)  }
0x1a4: {  	v7 =	vadd.s32 v11, v7  }
0x1a5: {  	v60 =	vld [tilespmem:s6+$0x0];
	v61, _, _ =	vpop (xrf0);
	v7 =	vadd.s32 $0xFFFFFFFF, v7  }
0x1a6: {  	v6 =	vadd.s32 v61, v6  }
0x1a7: {  	v62, _, _ =	vpop (xrf0);
	v10 =	vcvt.s32.f32 v59;
	v6 =	vadd.s32 $0xFFFFFFFF, v6  }
0x1a8: {  	v9 =	vmul.u32 $0xFFFFF600, v9;
	v5 =	vadd.s32 v62, v5  }
0x1a9: {  	v5 =	vadd.s32 $0xFFFFFFFF, v5;
	v63, _, _ =	vpop (xrf0);
	[tilespmem:v8+s24+$0x0] =	vst.idx.add.f32.msk vm4, v10  }
0x1aa: {  	v4 =	vadd.s32 v63, v4;
	v8 =	vadd.s32 v8, v9;
	[tilespmem:v7+s25+$0x0] =	vst.idx.msk vm15, v60  }
0x1ab: {  	v4 =	vadd.s32 $0xFFFFFFFF, v4;
	[tilespmem:v7+s26+$0x0] =	vst.idx.msk vm15, v8  }
0x1ac: {  	[tilespmem:v6+s28+$0x0] =	vst.idx.msk vm1, v60  }
0x1ad: {  	[tilespmem:v6+s29+$0x0] =	vst.idx.msk vm1, v8  }
0x1ae: {  	[tilespmem:v5+s30+$0x0] =	vst.idx.msk vm2, v60  }
0x1af: {  	[tilespmem:v5+s31+$0x0] =	vst.idx.msk vm2, v8  }
0x1b0: {  	[tilespmem:v4+s0+$0x0] =	vst.idx.msk vm3, v60  }
0x1b1: {  	[tilespmem:v4+s1+$0x0] =	vst.idx.msk vm3, v8  }
0x1b2: {  	[hbm4b:s12+s4] =	stream.strided.scatter [tilespmem:s25], [sflag:$0x1], $0xB00, s5, s4, $0x38;
	[tilespmem:$0x9400] =	vst v63  }
0x1b3: {  	_ =	swait.ge [sflag:s22], $0xB00  }
0x1b4: {  	[sflag:s22] =	ssyncset.done $0x0  }
0x1b5: {  	[sflag:s22] =	ssyncadd.s32 $0xFFFFF500  }
0x1b6: {  	[hbm4b:s13+s4] =	stream.strided.scatter [tilespmem:s26], [sflag:$0x1], $0xB00, s5, s4, $0x38;
	[tilespmem:$0x9400] =	vst v63  }
0x1b7: {  	_ =	swait.ge [sflag:s22], $0xB00  }
0x1b8: {  	[sflag:s22] =	ssyncset.done $0x0  }
0x1b9: {  	[sflag:s22] =	ssyncadd.s32 $0xFFFFF500  }
0x1ba: {  	[hbm4b:s14+s4] =	stream.strided.scatter [tilespmem:s28], [sflag:$0x1], $0xB00, s5, s4, $0x38;
	[tilespmem:$0x9400] =	vst v63  }
0x1bb: {  	_ =	swait.ge [sflag:s22], $0xB00  }
0x1bc: {  	[sflag:s22] =	ssyncset.done $0x0  }
0x1bd: {  	[sflag:s22] =	ssyncadd.s32 $0xFFFFF500  }
0x1be: {  	[hbm4b:s15+s4] =	stream.strided.scatter [tilespmem:s29], [sflag:$0x1], $0xB00, s5, s4, $0x38;
	[tilespmem:$0x9400] =	vst v63  }
0x1bf: {  	_ =	swait.ge [sflag:s22], $0xB00  }
0x1c0: {  	[sflag:s22] =	ssyncset.done $0x0  }
0x1c1: {  	[sflag:s22] =	ssyncadd.s32 $0xFFFFF500  }
0x1c2: {  	[hbm4b:s16+s4] =	stream.strided.scatter [tilespmem:s30], [sflag:$0x1], $0xB00, s5, s4, $0x38;
	[tilespmem:$0x9400] =	vst v63  }
0x1c3: {  	_ =	swait.ge [sflag:s22], $0xB00  }
0x1c4: {  	[sflag:s22] =	ssyncset.done $0x0  }
0x1c5: {  	[sflag:s22] =	ssyncadd.s32 $0xFFFFF500  }
0x1c6: {  	[hbm4b:s17+s4] =	stream.strided.scatter [tilespmem:s31], [sflag:$0x1], $0xB00, s5, s4, $0x38;
	[tilespmem:$0x9400] =	vst v63  }
0x1c7: {  	_ =	swait.ge [sflag:s22], $0xB00  }
0x1c8: {  	[sflag:s22] =	ssyncset.done $0x0  }
0x1c9: {  	[sflag:s22] =	ssyncadd.s32 $0xFFFFF500  }
0x1ca: {  	[hbm4b:s18+s4] =	stream.strided.scatter [tilespmem:s0], [sflag:$0x1], $0xB00, s5, s4, $0x38;
	[tilespmem:$0x9400] =	vst v63  }
0x1cb: {  	_ =	swait.ge [sflag:s22], $0xB00  }
0x1cc: {  	[sflag:s22] =	ssyncset.done $0x0  }
0x1cd: {  	[sflag:s22] =	ssyncadd.s32 $0xFFFFF500  }
0x1ce: {  	[hbm4b:s19+s4] =	stream.strided.scatter [tilespmem:s1], [sflag:$0x1], $0xB00, s5, s4, $0x38;
	[tilespmem:$0x9400] =	vst v63  }
0x1cf: {  	s2 =	sadd.s32 $0x1, s2;
	_ =	swait.ge [sflag:s22], $0xB00  }
0x1d0: {  	p0 =	sne.s32 s2, s21;
	[sflag:s22] =	ssyncset.done $0x0  }
.Ltmp6:
0x1d1: {  	[sflag:s22] =	ssyncadd.s32 $0xFFFFF500;
	(pc) =	sbr.rel @p0 .LBB2_1-.Ltmp6, $4  }
0x1d2: {  	[hbm4b:s20+s4] =	stream.strided.scatter [tilespmem:s24], [sflag:$0x1], $0x2800, s5, s4, $0x38;
	[tilespmem:$0x9400] =	vst v63  }
0x1d3: {  	_ =	swait.ge [sflag:s22], $0x2800  }
0x1d4: {  	[sflag:s22] =	ssyncset.done $0x0  }
0x1d5: {  	[sflag:s22] =	ssyncadd.s32 $0xFFFFD800  }
0x1d6: {  	_ =	sfence.sel $0x180000  }
0x1d7: {  	[bflag:$0x0] =	sbarrier.arrive $0xFFFF  }
0x1d8: {  	_ =	strace $0x90000047  }
0x1d9: {  	s0 =	stileid.u32;
	[bflag:$0x2] =	sbarrier.arrive $0xFFFF  }
0x1da: {  	p0 =	sne.s32 s0, $0x0;
	s0 =	rddreg [dreg:$0x1]  }
0x1db: {  	s0 =	sadd.s32 @!p0 $0x100000, s0  }
0x1dc: {  	[sflag:s0] =	ssyncadd.tile.s32 @!p0 $0x1;
	_ =	shalt  }
.Lfunc_end2:
_tile_overlayer_lowered:
.L_overlay_start_2:
0x1dd: {  	(tag) =	ssettag $0x2  }
0x1de: {  	s0 =	rddreg [dreg:$0x0];
	s2 =	stileid.u32  }
0x1df: {  	s1 =	rddreg [dreg:$0x1];
	p0 =	sne.s32 s2, $0x0  }
0x1e0: {  	s3 =	rddreg [dreg:$0x2];
	[bflag:$0x3] =	sbarrier.arrive $0xFFFF;
	s2 =	simm.s32 @!p0 $0x1C01  }
0x1e1: {  	[timem:s3], [sflag:s2] =	dma.local @!p0 [hbm:s0], s1  }
0x1e2: {  	s0 =	simm.s32 @!p0 $0x1  }
0x1e3: {  	_ =	swait.ge @!p0 [sflag:s0], s1  }
0x1e4: {  	s1 =	ssub.s32 @!p0 $0x0, s1;
	[sflag:s0] =	ssyncset.done @!p0 $0x0  }
0x1e5: {  	[sflag:s0] =	ssyncadd.s32 @!p0 s1  }
0x1e6: {  	[bflag:$0x3] =	sbarrier.arrive $0xFFFF  }
0x1e7: {  	_ =	shalt  }

</sc_bundles>
